<compile_context>
chip_gen: v7x
topology: tpu7x:2x2x1
jax: 0.10.2.dev20260603
libtpu: 0.0.44.dev20260713+nightly
codegen_flags: <defaults>
</compile_context>

<pallas_src>
import math

import jax
import jax.numpy as jnp
from jax import lax
from jax.experimental import pallas as pl
from jax.experimental.pallas import tpu as pltpu
from jax.experimental.pallas import tpu_sc as plsc

BATCH = 1024
MAX_LEN = 200
D_MODEL = 128
SPLIT_A = 104
SPLIT_B = MAX_LEN - SPLIT_A
NUM_WORKERS = 32
SEQ_PER_WORKER = BATCH // NUM_WORKERS
NBUF = 3
MAIN_CHUNKS = SEQ_PER_WORKER - (SEQ_PER_WORKER % NBUF)
SCALE = math.sqrt(float(D_MODEL))
LANES = 16
GROUPS = D_MODEL // LANES


def _sc_kernel(x_hbm, table_hbm, pos_hbm, out_hbm, idx_v, rows_v0, rows_v1,
               rows_v2, pos_v, gsem0, gsem1, gsem2, osem0, osem1, osem2,
               psem):
  wid = lax.axis_index("c") * 16 + lax.axis_index("s")
  base = wid * SEQ_PER_WORKER

  rows = (rows_v0, rows_v1, rows_v2)
  gsems = (gsem0, gsem1, gsem2)
  osems = (osem0, osem1, osem2)

  pltpu.sync_copy(x_hbm.at[wid], idx_v)

  def fire(c, buf):
    pltpu.async_copy(table_hbm.at[idx_v.at[pl.ds(c * MAX_LEN, SPLIT_A)]],
                     rows[buf].at[pl.ds(0, SPLIT_A)], gsems[buf])
    pltpu.async_copy(
        table_hbm.at[idx_v.at[pl.ds(c * MAX_LEN + SPLIT_A, SPLIT_B)]],
        rows[buf].at[pl.ds(SPLIT_A, SPLIT_B)], gsems[buf])

  def wait_gather(c, buf):
    pltpu.make_async_copy(table_hbm.at[idx_v.at[pl.ds(c * MAX_LEN, SPLIT_A)]],
                          rows[buf].at[pl.ds(0, SPLIT_A)], gsems[buf]).wait()
    pltpu.make_async_copy(
        table_hbm.at[idx_v.at[pl.ds(c * MAX_LEN + SPLIT_A, SPLIT_B)]],
        rows[buf].at[pl.ds(SPLIT_A, SPLIT_B)], gsems[buf]).wait()

  def wait_out(c, buf):
    pltpu.make_async_copy(rows[buf], out_hbm.at[base + c],
                          osems[buf]).wait()

  fire(0, 0)

  pltpu.async_copy(pos_hbm, pos_v, psem).wait()

  scale = jnp.float32(SCALE)

  def chunk_body(c, b):
    cur = rows[b]
    nb = (b + 1) % NBUF

    @pl.when(c + 1 < SEQ_PER_WORKER)
    def _():
      @pl.when(c >= 2)
      def _():
        wait_out(c - 2, nb)

      fire(c + 1, nb)

    wait_gather(c, b)

    @plsc.parallel_loop(0, MAX_LEN, unroll=2)
    def _(i):
      for k in range(GROUPS):
        sl = pl.ds(k * LANES, LANES)
        cur[i, sl] = cur[i, sl] * scale + pos_v[i, sl]

    pltpu.async_copy(cur, out_hbm.at[base + c], osems[b])

  def triple(ct, _):
    for b in range(NBUF):
      chunk_body(ct * NBUF + b, b)
    return 0

  lax.fori_loop(0, MAIN_CHUNKS // NBUF, triple, 0)

  for c in range(MAIN_CHUNKS, SEQ_PER_WORKER):
    chunk_body(jnp.int32(c), c % NBUF)

  for j in range(SEQ_PER_WORKER - NBUF, SEQ_PER_WORKER):
    wait_out(j, j % NBUF)


@jax.jit
def _run(x, table, pos2d):
  mesh = plsc.VectorSubcoreMesh(core_axis_name="c", subcore_axis_name="s")
  f = pl.kernel(
      _sc_kernel,
      out_type=jax.ShapeDtypeStruct((BATCH, MAX_LEN, D_MODEL), jnp.float32),
      mesh=mesh,
      scratch_types=[
          pltpu.VMEM((SEQ_PER_WORKER * MAX_LEN,), jnp.int32),
          pltpu.VMEM((MAX_LEN, D_MODEL), jnp.float32),
          pltpu.VMEM((MAX_LEN, D_MODEL), jnp.float32),
          pltpu.VMEM((MAX_LEN, D_MODEL), jnp.float32),
          pltpu.VMEM((MAX_LEN, D_MODEL), jnp.float32),
          pltpu.SemaphoreType.DMA,
          pltpu.SemaphoreType.DMA,
          pltpu.SemaphoreType.DMA,
          pltpu.SemaphoreType.DMA,
          pltpu.SemaphoreType.DMA,
          pltpu.SemaphoreType.DMA,
          pltpu.SemaphoreType.DMA,
      ],
  )
  return f(x, table, pos2d)


def kernel(x, table, pos_enc):
  idx2 = x.reshape(NUM_WORKERS, SEQ_PER_WORKER * MAX_LEN)
  pos2d = pos_enc.reshape(MAX_LEN, D_MODEL)
  return _run(idx2, table, pos2d)

# --- scband reference (transcript-rebuilt; emitter-appended) ---
"""Pipeline reference for scband-relative-positional-embedding-66451734004380 (READ-ONLY COPY).

The authoritative reference and input builder live on the scoring server;
editing this copy changes nothing except your own understanding.
"""

import jax, jax.numpy as jnp
import numpy as np

VOCAB = 1000000
D_MODEL = 128
BATCH = 1024
MAX_LEN = 200


def _build_positional_encoding(max_length, d_model):
    position = np.arange(max_length)[:, np.newaxis]
    i = np.arange(0, d_model, 2)
    angle_rates = 1.0 / np.power(10000, 2 * i / np.float32(d_model))
    angles = position * angle_rates
    encoding = np.zeros((1, max_length, d_model), dtype=np.float32)
    encoding[:, :, 0::2] = np.sin(angles)
    encoding[:, :, 1::2] = np.cos(angles)
    return jnp.asarray(encoding, dtype=jnp.float32)


def setup_inputs(seed: int = 0) -> dict:
    key = jax.random.key(seed)
    k1, k2 = jax.random.split(key)
    x = jax.random.randint(k1, (BATCH, MAX_LEN), 0, VOCAB, dtype=jnp.int32)
    # learned embedding table sized per init_kwargs (vocab_size, d_model)
    table = jax.random.normal(k2, (VOCAB, D_MODEL), dtype=jnp.float32) * 0.02
    pos_enc = _build_positional_encoding(MAX_LEN, D_MODEL)
    return {"x": x, "table": table, "pos_enc": pos_enc}


def reference(x, table, pos_enc):
    # Faithful translation of RelativePositionalEmbedding.call:
    #   x = Embedding(x); x *= sqrt(d_model); x = x + pos_enc[:, :length, :]
    length = x.shape[1]
    emb = jnp.take(table, x, axis=0)  # gather: [B, L, D]
    emb = emb * jnp.sqrt(jnp.asarray(D_MODEL, dtype=jnp.float32))
    out = emb + pos_enc[:, :length, :]
    return out

if __name__ == "__main__":
    import jax
    _d = setup_inputs()
    print(jax.jit(kernel)(*tuple(_d.values())))

</pallas_src>

<mosaic_0001>
#map = affine_map<(d0, d1) -> (0, 0)>
#map1 = affine_map<(d0, d1) -> (0, 0, 0)>
module attributes {stable_mosaic.version = 14 : i64} {
  func.func @_sc_kernel(%arg0: i32, %arg1: i32, %arg2: memref<32x6400xi32, #tpu.memory_space<hbm>>, %arg3: memref<1000000x128xf32, #tpu.memory_space<hbm>>, %arg4: memref<200x128xf32, #tpu.memory_space<hbm>>, %arg5: memref<1024x200x128xf32, #tpu.memory_space<hbm>>, %arg6: memref<6400xi32, #tpu.memory_space<vmem>>, %arg7: memref<200x128xf32, #tpu.memory_space<vmem>>, %arg8: memref<200x128xf32, #tpu.memory_space<vmem>>, %arg9: memref<200x128xf32, #tpu.memory_space<vmem>>, %arg10: memref<200x128xf32, #tpu.memory_space<vmem>>, %arg11: memref<!tpu.dma_semaphore, #tpu.memory_space<semaphore_mem>>, %arg12: memref<!tpu.dma_semaphore, #tpu.memory_space<semaphore_mem>>, %arg13: memref<!tpu.dma_semaphore, #tpu.memory_space<semaphore_mem>>, %arg14: memref<!tpu.dma_semaphore, #tpu.memory_space<semaphore_mem>>, %arg15: memref<!tpu.dma_semaphore, #tpu.memory_space<semaphore_mem>>, %arg16: memref<!tpu.dma_semaphore, #tpu.memory_space<semaphore_mem>>, %arg17: memref<!tpu.dma_semaphore, #tpu.memory_space<semaphore_mem>>) attributes {dimension_semantics = [#tpu.dimension_semantics<core_parallel>, #tpu.dimension_semantics<subcore_parallel>], iteration_bounds = array<i64: 2, 16>, scalar_prefetch = 0 : i64, scratch_operands = 12 : i64, tpu.core_type = #tpu.core_type<sc_vector_subcore>, window_params = [{transform_indices = #map}, {transform_indices = #map}, {transform_indices = #map}, {transform_indices = #map1}]} {
    %mul3A = arith.constant 16 : i32
    %mul3A_0 = arith.muli %arg0, %mul3A : i32
    %add3A = arith.addi %mul3A_0, %arg1 : i32
    %mul3A_1 = arith.constant 32 : i32
    %mul3A_2 = arith.muli %add3A, %mul3A_1 : i32
    "tpu.region"() ({
      %run_scoped3A = tpu.sem_alloc : memref<!tpu.dma_semaphore, #tpu.memory_space<semaphore_mem>>
      %dma_start3A_140 = arith.constant 0 : i32
      %dma_start3A_141 = tpu.memref_slice %arg2[%add3A, %dma_start3A_140] : memref<32x6400xi32, #tpu.memory_space<hbm>> -> memref<1x6400xi32, #tpu.memory_space<hbm>>
      %dma_start3A_142 = tpu.memref_squeeze %dma_start3A_141 : memref<1x6400xi32, #tpu.memory_space<hbm>> -> memref<6400xi32, #tpu.memory_space<hbm>>
      %dma_start3A_143 = arith.constant 0 : i32
      %dma_start3A_144 = tpu.memref_slice %arg2[%add3A, %dma_start3A_143] : memref<32x6400xi32, #tpu.memory_space<hbm>> -> memref<1x6400xi32, #tpu.memory_space<hbm>>
      %dma_start3A_145 = tpu.memref_squeeze %dma_start3A_144 : memref<1x6400xi32, #tpu.memory_space<hbm>> -> memref<6400xi32, #tpu.memory_space<hbm>>
      tpu.enqueue_dma source(%dma_start3A_145 : memref<6400xi32, #tpu.memory_space<hbm>>) target(%arg6 : memref<6400xi32, #tpu.memory_space<vmem>>) target_semaphore(%run_scoped3A : memref<!tpu.dma_semaphore, #tpu.memory_space<semaphore_mem>>)
      %dma_wait3A_146 = arith.constant 0 : i32
      %dma_wait3A_147 = tpu.memref_slice %arg2[%add3A, %dma_wait3A_146] : memref<32x6400xi32, #tpu.memory_space<hbm>> -> memref<1x6400xi32, #tpu.memory_space<hbm>>
      %dma_wait3A_148 = tpu.memref_squeeze %dma_wait3A_147 : memref<1x6400xi32, #tpu.memory_space<hbm>> -> memref<6400xi32, #tpu.memory_space<hbm>>
      %dma_wait3A_149 = arith.constant 0 : i32
      %dma_wait3A_150 = tpu.memref_slice %arg2[%add3A, %dma_wait3A_149] : memref<32x6400xi32, #tpu.memory_space<hbm>> -> memref<1x6400xi32, #tpu.memory_space<hbm>>
      %dma_wait3A_151 = tpu.memref_squeeze %dma_wait3A_150 : memref<1x6400xi32, #tpu.memory_space<hbm>> -> memref<6400xi32, #tpu.memory_space<hbm>>
      tpu.wait_dma2 semaphore(%run_scoped3A : memref<!tpu.dma_semaphore, #tpu.memory_space<semaphore_mem>>) src(%dma_wait3A_151 : memref<6400xi32, #tpu.memory_space<hbm>>) dst(%arg6 : memref<6400xi32, #tpu.memory_space<vmem>>)
      tpu.yield
    }) : () -> ()
    %dma_start3A = arith.constant 0 : i32
    %dma_start3A_3 = arith.constant 0 : i32
    %dma_start3A_4 = tpu.memref_slice %arg7[%dma_start3A, %dma_start3A_3] : memref<200x128xf32, #tpu.memory_space<vmem>> -> memref<104x128xf32, #tpu.memory_space<vmem>>
    %dma_start3A_5 = arith.constant 0 : i32
    %dma_start3A_6 = tpu.memref_slice %arg6[%dma_start3A_5] : memref<6400xi32, #tpu.memory_space<vmem>> -> memref<104xi32, #tpu.memory_space<vmem>>
    %dma_start3A_7 = arith.constant 0 : i32
    %dma_start3A_8 = arith.constant 0 : i32
    %dma_start3A_9 = tpu.memref_slice %arg3[%dma_start3A_7, %dma_start3A_8] : memref<1000000x128xf32, #tpu.memory_space<hbm>> -> memref<1000000x128xf32, #tpu.memory_space<hbm>>
    tpu.enqueue_indirect_dma source(%dma_start3A_9 : memref<1000000x128xf32, #tpu.memory_space<hbm>>) target(%dma_start3A_4 : memref<104x128xf32, #tpu.memory_space<vmem>>) offsets(%dma_start3A_6 : memref<104xi32, #tpu.memory_space<vmem>>) semaphore(%arg11 : memref<!tpu.dma_semaphore, #tpu.memory_space<semaphore_mem>>)
    %dma_start3A_10 = arith.constant 104 : i32
    %dma_start3A_11 = arith.constant 0 : i32
    %dma_start3A_12 = tpu.memref_slice %arg7[%dma_start3A_10, %dma_start3A_11] : memref<200x128xf32, #tpu.memory_space<vmem>> -> memref<96x128xf32, #tpu.memory_space<vmem>>
    %dma_start3A_13 = arith.constant 104 : i32
    %dma_start3A_14 = tpu.memref_slice %arg6[%dma_start3A_13] : memref<6400xi32, #tpu.memory_space<vmem>> -> memref<96xi32, #tpu.memory_space<vmem>>
    %dma_start3A_15 = arith.constant 0 : i32
    %dma_start3A_16 = arith.constant 0 : i32
    %dma_start3A_17 = tpu.memref_slice %arg3[%dma_start3A_15, %dma_start3A_16] : memref<1000000x128xf32, #tpu.memory_space<hbm>> -> memref<1000000x128xf32, #tpu.memory_space<hbm>>
    tpu.enqueue_indirect_dma source(%dma_start3A_17 : memref<1000000x128xf32, #tpu.memory_space<hbm>>) target(%dma_start3A_12 : memref<96x128xf32, #tpu.memory_space<vmem>>) offsets(%dma_start3A_14 : memref<96xi32, #tpu.memory_space<vmem>>) semaphore(%arg11 : memref<!tpu.dma_semaphore, #tpu.memory_space<semaphore_mem>>)
    tpu.enqueue_dma source(%arg4 : memref<200x128xf32, #tpu.memory_space<hbm>>) target(%arg10 : memref<200x128xf32, #tpu.memory_space<vmem>>) target_semaphore(%arg17 : memref<!tpu.dma_semaphore, #tpu.memory_space<semaphore_mem>>)
    tpu.wait_dma2 semaphore(%arg17 : memref<!tpu.dma_semaphore, #tpu.memory_space<semaphore_mem>>) src(%arg4 : memref<200x128xf32, #tpu.memory_space<hbm>>) dst(%arg10 : memref<200x128xf32, #tpu.memory_space<vmem>>)
    %scan3A = arith.constant 11.3137083 : f32
    %scan3A_18 = arith.constant 0 : i32
    %scan3A_19 = arith.constant 0 : i32
    %scan3A_20 = arith.constant 10 : i32
    %scan3A_21 = arith.addi %scan3A_19, %scan3A_20 : i32
    %scan3A_22 = arith.constant 1 : i32
    %scan3A_23 = scf.for %scan3A_140 = %scan3A_19 to %scan3A_21 step %scan3A_22 iter_args(%scan3A_141 = %scan3A_18) -> (i32)  : i32 {
      %mul3A_142 = arith.constant 3 : i32
      %mul3A_143 = arith.muli %scan3A_140, %mul3A_142 : i32
      %add3A_144 = arith.constant 0 : i32
      %add3A_145 = arith.addi %mul3A_143, %add3A_144 : i32
      %add3A_146 = arith.constant 1 : i32
      %add3A_147 = arith.addi %add3A_145, %add3A_146 : i32
      %lt3A_148 = arith.constant 32 : i32
      %lt3A_149 = arith.cmpi slt, %add3A_147, %lt3A_148 : i32
      %convert_element_type3A_150 = arith.extui %lt3A_149 : i1 to i32
      %cond3A_151 = arith.constant 0 : i32
      %cond3A_152 = arith.cmpi ne, %convert_element_type3A_150, %cond3A_151 : i32
      scf.if %cond3A_152 {
        %ge3A = arith.constant 2 : i32
        %ge3A_272 = arith.cmpi sge, %add3A_145, %ge3A : i32
        %convert_element_type3A_273 = arith.extui %ge3A_272 : i1 to i32
        %cond3A_274 = arith.constant 0 : i32
        %cond3A_275 = arith.cmpi ne, %convert_element_type3A_273, %cond3A_274 : i32
        scf.if %cond3A_275 {
          %sub3A = arith.constant 2 : i32
          %sub3A_298 = arith.subi %add3A_145, %sub3A : i32
          %add3A_299 = arith.addi %mul3A_2, %sub3A_298 : i32
          %dma_wait3A_300 = arith.constant 0 : i32
          %dma_wait3A_301 = arith.constant 0 : i32
          %dma_wait3A_302 = tpu.memref_slice %arg5[%add3A_299, %dma_wait3A_300, %dma_wait3A_301] : memref<1024x200x128xf32, #tpu.memory_space<hbm>> -> memref<1x200x128xf32, #tpu.memory_space<hbm>>
          %dma_wait3A_303 = tpu.memref_squeeze %dma_wait3A_302 : memref<1x200x128xf32, #tpu.memory_space<hbm>> -> memref<200x128xf32, #tpu.memory_space<hbm>>
          %dma_wait3A_304 = arith.constant 0 : i32
          %dma_wait3A_305 = arith.constant 0 : i32
          %dma_wait3A_306 = tpu.memref_slice %arg5[%add3A_299, %dma_wait3A_304, %dma_wait3A_305] : memref<1024x200x128xf32, #tpu.memory_space<hbm>> -> memref<1x200x128xf32, #tpu.memory_space<hbm>>
          %dma_wait3A_307 = tpu.memref_squeeze %dma_wait3A_306 : memref<1x200x128xf32, #tpu.memory_space<hbm>> -> memref<200x128xf32, #tpu.memory_space<hbm>>
          tpu.wait_dma2 semaphore(%arg15 : memref<!tpu.dma_semaphore, #tpu.memory_space<semaphore_mem>>) src(%arg8 : memref<200x128xf32, #tpu.memory_space<vmem>>) dst(%dma_wait3A_307 : memref<200x128xf32, #tpu.memory_space<hbm>>)
        } else {
        }
        %add3A_276 = arith.constant 1 : i32
        %add3A_277 = arith.addi %add3A_145, %add3A_276 : i32
        %mul3A_278 = arith.constant 200 : i32
        %mul3A_279 = arith.muli %add3A_277, %mul3A_278 : i32
        %dma_start3A_280 = arith.constant 0 : i32
        %dma_start3A_281 = arith.constant 0 : i32
        %dma_start3A_282 = tpu.memref_slice %arg8[%dma_start3A_280, %dma_start3A_281] : memref<200x128xf32, #tpu.memory_space<vmem>> -> memref<104x128xf32, #tpu.memory_space<vmem>>
        %dma_start3A_283 = tpu.memref_slice %arg6[%mul3A_279] : memref<6400xi32, #tpu.memory_space<vmem>> -> memref<104xi32, #tpu.memory_space<vmem>>
        %dma_start3A_284 = arith.constant 0 : i32
        %dma_start3A_285 = arith.constant 0 : i32
        %dma_start3A_286 = tpu.memref_slice %arg3[%dma_start3A_284, %dma_start3A_285] : memref<1000000x128xf32, #tpu.memory_space<hbm>> -> memref<1000000x128xf32, #tpu.memory_space<hbm>>
        tpu.enqueue_indirect_dma source(%dma_start3A_286 : memref<1000000x128xf32, #tpu.memory_space<hbm>>) target(%dma_start3A_282 : memref<104x128xf32, #tpu.memory_space<vmem>>) offsets(%dma_start3A_283 : memref<104xi32, #tpu.memory_space<vmem>>) semaphore(%arg12 : memref<!tpu.dma_semaphore, #tpu.memory_space<semaphore_mem>>)
        %mul3A_287 = arith.constant 200 : i32
        %mul3A_288 = arith.muli %add3A_277, %mul3A_287 : i32
        %add3A_289 = arith.constant 104 : i32
        %add3A_290 = arith.addi %mul3A_288, %add3A_289 : i32
        %dma_start3A_291 = arith.constant 104 : i32
        %dma_start3A_292 = arith.constant 0 : i32
        %dma_start3A_293 = tpu.memref_slice %arg8[%dma_start3A_291, %dma_start3A_292] : memref<200x128xf32, #tpu.memory_space<vmem>> -> memref<96x128xf32, #tpu.memory_space<vmem>>
        %dma_start3A_294 = tpu.memref_slice %arg6[%add3A_290] : memref<6400xi32, #tpu.memory_space<vmem>> -> memref<96xi32, #tpu.memory_space<vmem>>
        %dma_start3A_295 = arith.constant 0 : i32
        %dma_start3A_296 = arith.constant 0 : i32
        %dma_start3A_297 = tpu.memref_slice %arg3[%dma_start3A_295, %dma_start3A_296] : memref<1000000x128xf32, #tpu.memory_space<hbm>> -> memref<1000000x128xf32, #tpu.memory_space<hbm>>
        tpu.enqueue_indirect_dma source(%dma_start3A_297 : memref<1000000x128xf32, #tpu.memory_space<hbm>>) target(%dma_start3A_293 : memref<96x128xf32, #tpu.memory_space<vmem>>) offsets(%dma_start3A_294 : memref<96xi32, #tpu.memory_space<vmem>>) semaphore(%arg12 : memref<!tpu.dma_semaphore, #tpu.memory_space<semaphore_mem>>)
      } else {
      }
      %mul3A_153 = arith.constant 200 : i32
      %mul3A_154 = arith.muli %add3A_145, %mul3A_153 : i32
      %dma_wait3A_155 = arith.constant 0 : i32
      %dma_wait3A_156 = arith.constant 0 : i32
      %dma_wait3A_157 = tpu.memref_slice %arg7[%dma_wait3A_155, %dma_wait3A_156] : memref<200x128xf32, #tpu.memory_space<vmem>> -> memref<104x128xf32, #tpu.memory_space<vmem>>
      %dma_wait3A_158 = tpu.memref_slice %arg6[%mul3A_154] : memref<6400xi32, #tpu.memory_space<vmem>> -> memref<104xi32, #tpu.memory_space<vmem>>
      %dma_wait3A_159 = arith.constant 0 : i32
      %dma_wait3A_160 = arith.constant 0 : i32
      %dma_wait3A_161 = tpu.memref_slice %arg3[%dma_wait3A_159, %dma_wait3A_160] : memref<1000000x128xf32, #tpu.memory_space<hbm>> -> memref<1000000x128xf32, #tpu.memory_space<hbm>>
      tpu.wait_indirect_dma semaphore(%arg11 : memref<!tpu.dma_semaphore, #tpu.memory_space<semaphore_mem>>) src(%dma_wait3A_161 : memref<1000000x128xf32, #tpu.memory_space<hbm>>) dst(%dma_wait3A_157 : memref<104x128xf32, #tpu.memory_space<vmem>>)
      %mul3A_162 = arith.constant 200 : i32
      %mul3A_163 = arith.muli %add3A_145, %mul3A_162 : i32
      %add3A_164 = arith.constant 104 : i32
      %add3A_165 = arith.addi %mul3A_163, %add3A_164 : i32
      %dma_wait3A_166 = arith.constant 104 : i32
      %dma_wait3A_167 = arith.constant 0 : i32
      %dma_wait3A_168 = tpu.memref_slice %arg7[%dma_wait3A_166, %dma_wait3A_167] : memref<200x128xf32, #tpu.memory_space<vmem>> -> memref<96x128xf32, #tpu.memory_space<vmem>>
      %dma_wait3A_169 = tpu.memref_slice %arg6[%add3A_165] : memref<6400xi32, #tpu.memory_space<vmem>> -> memref<96xi32, #tpu.memory_space<vmem>>
      %dma_wait3A_170 = arith.constant 0 : i32
      %dma_wait3A_171 = arith.constant 0 : i32
      %dma_wait3A_172 = tpu.memref_slice %arg3[%dma_wait3A_170, %dma_wait3A_171] : memref<1000000x128xf32, #tpu.memory_space<hbm>> -> memref<1000000x128xf32, #tpu.memory_space<hbm>>
      tpu.wait_indirect_dma semaphore(%arg11 : memref<!tpu.dma_semaphore, #tpu.memory_space<semaphore_mem>>) src(%dma_wait3A_172 : memref<1000000x128xf32, #tpu.memory_space<hbm>>) dst(%dma_wait3A_168 : memref<96x128xf32, #tpu.memory_space<vmem>>)
      %parallel_loop3A_173 = arith.constant 0 : i32
      %parallel_loop3A_174 = arith.constant 200 : i32
      %parallel_loop3A_175 = arith.constant 1 : i32
      scf.for %parallel_loop3A_272 = %parallel_loop3A_173 to %parallel_loop3A_174 step %parallel_loop3A_175  : i32 {
        %parallel_loop3A_273 = arith.index_cast %parallel_loop3A_272 : i32 to index
        %parallel_loop3A_274 = arith.constant 0 : index
        %parallel_loop3A_275 = tpu.vector_load %arg7[%parallel_loop3A_273, %parallel_loop3A_274] {strides = array<i32>} : memref<200x128xf32, #tpu.memory_space<vmem>>, vector<1x16xf32>,
        %parallel_loop3A_276 = vector.shape_cast %parallel_loop3A_275 : vector<1x16xf32> to vector<16xf32>
        %parallel_loop3A_277 = vector.broadcast %scan3A : f32 to vector<16xf32>
        %parallel_loop3A_278 = arith.mulf %parallel_loop3A_276, %parallel_loop3A_277 : vector<16xf32>
        %parallel_loop3A_279 = arith.index_cast %parallel_loop3A_272 : i32 to index
        %parallel_loop3A_280 = arith.constant 0 : index
        %parallel_loop3A_281 = tpu.vector_load %arg10[%parallel_loop3A_279, %parallel_loop3A_280] {strides = array<i32>} : memref<200x128xf32, #tpu.memory_space<vmem>>, vector<1x16xf32>,
        %parallel_loop3A_282 = vector.shape_cast %parallel_loop3A_281 : vector<1x16xf32> to vector<16xf32>
        %parallel_loop3A_283 = arith.addf %parallel_loop3A_278, %parallel_loop3A_282 : vector<16xf32>
        %parallel_loop3A_284 = arith.index_cast %parallel_loop3A_272 : i32 to index
        %parallel_loop3A_285 = arith.constant 0 : index
        %parallel_loop3A_286 = tpu.vector_load %arg7[%parallel_loop3A_284, %parallel_loop3A_285] {strides = array<i32>} : memref<200x128xf32, #tpu.memory_space<vmem>>, vector<1x16xf32>,
        %parallel_loop3A_287 = vector.shape_cast %parallel_loop3A_286 : vector<1x16xf32> to vector<16xf32>
        %parallel_loop3A_288 = vector.shape_cast %parallel_loop3A_283 : vector<16xf32> to vector<1x16xf32>
        tpu.vector_store %arg7[%parallel_loop3A_284, %parallel_loop3A_285], %parallel_loop3A_288 {strides = array<i32>} : memref<200x128xf32, #tpu.memory_space<vmem>>, vector<1x16xf32>,
        %parallel_loop3A_289 = arith.index_cast %parallel_loop3A_272 : i32 to index
        %parallel_loop3A_290 = arith.constant 16 : index
        %parallel_loop3A_291 = tpu.vector_load %arg7[%parallel_loop3A_289, %parallel_loop3A_290] {strides = array<i32>} : memref<200x128xf32, #tpu.memory_space<vmem>>, vector<1x16xf32>,
        %parallel_loop3A_292 = vector.shape_cast %parallel_loop3A_291 : vector<1x16xf32> to vector<16xf32>
        %parallel_loop3A_293 = vector.broadcast %scan3A : f32 to vector<16xf32>
        %parallel_loop3A_294 = arith.mulf %parallel_loop3A_292, %parallel_loop3A_293 : vector<16xf32>
        %parallel_loop3A_295 = arith.index_cast %parallel_loop3A_272 : i32 to index
        %parallel_loop3A_296 = arith.constant 16 : index
        %parallel_loop3A_297 = tpu.vector_load %arg10[%parallel_loop3A_295, %parallel_loop3A_296] {strides = array<i32>} : memref<200x128xf32, #tpu.memory_space<vmem>>, vector<1x16xf32>,
        %parallel_loop3A_298 = vector.shape_cast %parallel_loop3A_297 : vector<1x16xf32> to vector<16xf32>
        %parallel_loop3A_299 = arith.addf %parallel_loop3A_294, %parallel_loop3A_298 : vector<16xf32>
        %parallel_loop3A_300 = arith.index_cast %parallel_loop3A_272 : i32 to index
        %parallel_loop3A_301 = arith.constant 16 : index
        %parallel_loop3A_302 = tpu.vector_load %arg7[%parallel_loop3A_300, %parallel_loop3A_301] {strides = array<i32>} : memref<200x128xf32, #tpu.memory_space<vmem>>, vector<1x16xf32>,
        %parallel_loop3A_303 = vector.shape_cast %parallel_loop3A_302 : vector<1x16xf32> to vector<16xf32>
        %parallel_loop3A_304 = vector.shape_cast %parallel_loop3A_299 : vector<16xf32> to vector<1x16xf32>
        tpu.vector_store %arg7[%parallel_loop3A_300, %parallel_loop3A_301], %parallel_loop3A_304 {strides = array<i32>} : memref<200x128xf32, #tpu.memory_space<vmem>>, vector<1x16xf32>,
        %parallel_loop3A_305 = arith.index_cast %parallel_loop3A_272 : i32 to index
        %parallel_loop3A_306 = arith.constant 32 : index
        %parallel_loop3A_307 = tpu.vector_load %arg7[%parallel_loop3A_305, %parallel_loop3A_306] {strides = array<i32>} : memref<200x128xf32, #tpu.memory_space<vmem>>, vector<1x16xf32>,
        %parallel_loop3A_308 = vector.shape_cast %parallel_loop3A_307 : vector<1x16xf32> to vector<16xf32>
        %parallel_loop3A_309 = vector.broadcast %scan3A : f32 to vector<16xf32>
        %parallel_loop3A_310 = arith.mulf %parallel_loop3A_308, %parallel_loop3A_309 : vector<16xf32>
        %parallel_loop3A_311 = arith.index_cast %parallel_loop3A_272 : i32 to index
        %parallel_loop3A_312 = arith.constant 32 : index
        %parallel_loop3A_313 = tpu.vector_load %arg10[%parallel_loop3A_311, %parallel_loop3A_312] {strides = array<i32>} : memref<200x128xf32, #tpu.memory_space<vmem>>, vector<1x16xf32>,
        %parallel_loop3A_314 = vector.shape_cast %parallel_loop3A_313 : vector<1x16xf32> to vector<16xf32>
        %parallel_loop3A_315 = arith.addf %parallel_loop3A_310, %parallel_loop3A_314 : vector<16xf32>
        %parallel_loop3A_316 = arith.index_cast %parallel_loop3A_272 : i32 to index
        %parallel_loop3A_317 = arith.constant 32 : index
        %parallel_loop3A_318 = tpu.vector_load %arg7[%parallel_loop3A_316, %parallel_loop3A_317] {strides = array<i32>} : memref<200x128xf32, #tpu.memory_space<vmem>>, vector<1x16xf32>,
        %parallel_loop3A_319 = vector.shape_cast %parallel_loop3A_318 : vector<1x16xf32> to vector<16xf32>
        %parallel_loop3A_320 = vector.shape_cast %parallel_loop3A_315 : vector<16xf32> to vector<1x16xf32>
        tpu.vector_store %arg7[%parallel_loop3A_316, %parallel_loop3A_317], %parallel_loop3A_320 {strides = array<i32>} : memref<200x128xf32, #tpu.memory_space<vmem>>, vector<1x16xf32>,
        %parallel_loop3A_321 = arith.index_cast %parallel_loop3A_272 : i32 to index
        %parallel_loop3A_322 = arith.constant 48 : index
        %parallel_loop3A_323 = tpu.vector_load %arg7[%parallel_loop3A_321, %parallel_loop3A_322] {strides = array<i32>} : memref<200x128xf32, #tpu.memory_space<vmem>>, vector<1x16xf32>,
        %parallel_loop3A_324 = vector.shape_cast %parallel_loop3A_323 : vector<1x16xf32> to vector<16xf32>
        %parallel_loop3A_325 = vector.broadcast %scan3A : f32 to vector<16xf32>
        %parallel_loop3A_326 = arith.mulf %parallel_loop3A_324, %parallel_loop3A_325 : vector<16xf32>
        %parallel_loop3A_327 = arith.index_cast %parallel_loop3A_272 : i32 to index
        %parallel_loop3A_328 = arith.constant 48 : index
        %parallel_loop3A_329 = tpu.vector_load %arg10[%parallel_loop3A_327, %parallel_loop3A_328] {strides = array<i32>} : memref<200x128xf32, #tpu.memory_space<vmem>>, vector<1x16xf32>,
        %parallel_loop3A_330 = vector.shape_cast %parallel_loop3A_329 : vector<1x16xf32> to vector<16xf32>
        %parallel_loop3A_331 = arith.addf %parallel_loop3A_326, %parallel_loop3A_330 : vector<16xf32>
        %parallel_loop3A_332 = arith.index_cast %parallel_loop3A_272 : i32 to index
        %parallel_loop3A_333 = arith.constant 48 : index
        %parallel_loop3A_334 = tpu.vector_load %arg7[%parallel_loop3A_332, %parallel_loop3A_333] {strides = array<i32>} : memref<200x128xf32, #tpu.memory_space<vmem>>, vector<1x16xf32>,
        %parallel_loop3A_335 = vector.shape_cast %parallel_loop3A_334 : vector<1x16xf32> to vector<16xf32>
        %parallel_loop3A_336 = vector.shape_cast %parallel_loop3A_331 : vector<16xf32> to vector<1x16xf32>
        tpu.vector_store %arg7[%parallel_loop3A_332, %parallel_loop3A_333], %parallel_loop3A_336 {strides = array<i32>} : memref<200x128xf32, #tpu.memory_space<vmem>>, vector<1x16xf32>,
        %parallel_loop3A_337 = arith.index_cast %parallel_loop3A_272 : i32 to index
        %parallel_loop3A_338 = arith.constant 64 : index
        %parallel_loop3A_339 = tpu.vector_load %arg7[%parallel_loop3A_337, %parallel_loop3A_338] {strides = array<i32>} : memref<200x128xf32, #tpu.memory_space<vmem>>, vector<1x16xf32>,
        %parallel_loop3A_340 = vector.shape_cast %parallel_loop3A_339 : vector<1x16xf32> to vector<16xf32>
        %parallel_loop3A_341 = vector.broadcast %scan3A : f32 to vector<16xf32>
        %parallel_loop3A_342 = arith.mulf %parallel_loop3A_340, %parallel_loop3A_341 : vector<16xf32>
        %parallel_loop3A_343 = arith.index_cast %parallel_loop3A_272 : i32 to index
        %parallel_loop3A_344 = arith.constant 64 : index
        %parallel_loop3A_345 = tpu.vector_load %arg10[%parallel_loop3A_343, %parallel_loop3A_344] {strides = array<i32>} : memref<200x128xf32, #tpu.memory_space<vmem>>, vector<1x16xf32>,
        %parallel_loop3A_346 = vector.shape_cast %parallel_loop3A_345 : vector<1x16xf32> to vector<16xf32>
        %parallel_loop3A_347 = arith.addf %parallel_loop3A_342, %parallel_loop3A_346 : vector<16xf32>
        %parallel_loop3A_348 = arith.index_cast %parallel_loop3A_272 : i32 to index
        %parallel_loop3A_349 = arith.constant 64 : index
        %parallel_loop3A_350 = tpu.vector_load %arg7[%parallel_loop3A_348, %parallel_loop3A_349] {strides = array<i32>} : memref<200x128xf32, #tpu.memory_space<vmem>>, vector<1x16xf32>,
        %parallel_loop3A_351 = vector.shape_cast %parallel_loop3A_350 : vector<1x16xf32> to vector<16xf32>
        %parallel_loop3A_352 = vector.shape_cast %parallel_loop3A_347 : vector<16xf32> to vector<1x16xf32>
        tpu.vector_store %arg7[%parallel_loop3A_348, %parallel_loop3A_349], %parallel_loop3A_352 {strides = array<i32>} : memref<200x128xf32, #tpu.memory_space<vmem>>, vector<1x16xf32>,
        %parallel_loop3A_353 = arith.index_cast %parallel_loop3A_272 : i32 to index
        %parallel_loop3A_354 = arith.constant 80 : index
        %parallel_loop3A_355 = tpu.vector_load %arg7[%parallel_loop3A_353, %parallel_loop3A_354] {strides = array<i32>} : memref<200x128xf32, #tpu.memory_space<vmem>>, vector<1x16xf32>,
        %parallel_loop3A_356 = vector.shape_cast %parallel_loop3A_355 : vector<1x16xf32> to vector<16xf32>
        %parallel_loop3A_357 = vector.broadcast %scan3A : f32 to vector<16xf32>
        %parallel_loop3A_358 = arith.mulf %parallel_loop3A_356, %parallel_loop3A_357 : vector<16xf32>
        %parallel_loop3A_359 = arith.index_cast %parallel_loop3A_272 : i32 to index
        %parallel_loop3A_360 = arith.constant 80 : index
        %parallel_loop3A_361 = tpu.vector_load %arg10[%parallel_loop3A_359, %parallel_loop3A_360] {strides = array<i32>} : memref<200x128xf32, #tpu.memory_space<vmem>>, vector<1x16xf32>,
        %parallel_loop3A_362 = vector.shape_cast %parallel_loop3A_361 : vector<1x16xf32> to vector<16xf32>
        %parallel_loop3A_363 = arith.addf %parallel_loop3A_358, %parallel_loop3A_362 : vector<16xf32>
        %parallel_loop3A_364 = arith.index_cast %parallel_loop3A_272 : i32 to index
        %parallel_loop3A_365 = arith.constant 80 : index
        %parallel_loop3A_366 = tpu.vector_load %arg7[%parallel_loop3A_364, %parallel_loop3A_365] {strides = array<i32>} : memref<200x128xf32, #tpu.memory_space<vmem>>, vector<1x16xf32>,
        %parallel_loop3A_367 = vector.shape_cast %parallel_loop3A_366 : vector<1x16xf32> to vector<16xf32>
        %parallel_loop3A_368 = vector.shape_cast %parallel_loop3A_363 : vector<16xf32> to vector<1x16xf32>
        tpu.vector_store %arg7[%parallel_loop3A_364, %parallel_loop3A_365], %parallel_loop3A_368 {strides = array<i32>} : memref<200x128xf32, #tpu.memory_space<vmem>>, vector<1x16xf32>,
        %parallel_loop3A_369 = arith.index_cast %parallel_loop3A_272 : i32 to index
        %parallel_loop3A_370 = arith.constant 96 : index
        %parallel_loop3A_371 = tpu.vector_load %arg7[%parallel_loop3A_369, %parallel_loop3A_370] {strides = array<i32>} : memref<200x128xf32, #tpu.memory_space<vmem>>, vector<1x16xf32>,
        %parallel_loop3A_372 = vector.shape_cast %parallel_loop3A_371 : vector<1x16xf32> to vector<16xf32>
        %parallel_loop3A_373 = vector.broadcast %scan3A : f32 to vector<16xf32>
        %parallel_loop3A_374 = arith.mulf %parallel_loop3A_372, %parallel_loop3A_373 : vector<16xf32>
        %parallel_loop3A_375 = arith.index_cast %parallel_loop3A_272 : i32 to index
        %parallel_loop3A_376 = arith.constant 96 : index
        %parallel_loop3A_377 = tpu.vector_load %arg10[%parallel_loop3A_375, %parallel_loop3A_376] {strides = array<i32>} : memref<200x128xf32, #tpu.memory_space<vmem>>, vector<1x16xf32>,
        %parallel_loop3A_378 = vector.shape_cast %parallel_loop3A_377 : vector<1x16xf32> to vector<16xf32>
        %parallel_loop3A_379 = arith.addf %parallel_loop3A_374, %parallel_loop3A_378 : vector<16xf32>
        %parallel_loop3A_380 = arith.index_cast %parallel_loop3A_272 : i32 to index
        %parallel_loop3A_381 = arith.constant 96 : index
        %parallel_loop3A_382 = tpu.vector_load %arg7[%parallel_loop3A_380, %parallel_loop3A_381] {strides = array<i32>} : memref<200x128xf32, #tpu.memory_space<vmem>>, vector<1x16xf32>,
        %parallel_loop3A_383 = vector.shape_cast %parallel_loop3A_382 : vector<1x16xf32> to vector<16xf32>
        %parallel_loop3A_384 = vector.shape_cast %parallel_loop3A_379 : vector<16xf32> to vector<1x16xf32>
        tpu.vector_store %arg7[%parallel_loop3A_380, %parallel_loop3A_381], %parallel_loop3A_384 {strides = array<i32>} : memref<200x128xf32, #tpu.memory_space<vmem>>, vector<1x16xf32>,
        %parallel_loop3A_385 = arith.index_cast %parallel_loop3A_272 : i32 to index
        %parallel_loop3A_386 = arith.constant 112 : index
        %parallel_loop3A_387 = tpu.vector_load %arg7[%parallel_loop3A_385, %parallel_loop3A_386] {strides = array<i32>} : memref<200x128xf32, #tpu.memory_space<vmem>>, vector<1x16xf32>,
        %parallel_loop3A_388 = vector.shape_cast %parallel_loop3A_387 : vector<1x16xf32> to vector<16xf32>
        %parallel_loop3A_389 = vector.broadcast %scan3A : f32 to vector<16xf32>
        %parallel_loop3A_390 = arith.mulf %parallel_loop3A_388, %parallel_loop3A_389 : vector<16xf32>
        %parallel_loop3A_391 = arith.index_cast %parallel_loop3A_272 : i32 to index
        %parallel_loop3A_392 = arith.constant 112 : index
        %parallel_loop3A_393 = tpu.vector_load %arg10[%parallel_loop3A_391, %parallel_loop3A_392] {strides = array<i32>} : memref<200x128xf32, #tpu.memory_space<vmem>>, vector<1x16xf32>,
        %parallel_loop3A_394 = vector.shape_cast %parallel_loop3A_393 : vector<1x16xf32> to vector<16xf32>
        %parallel_loop3A_395 = arith.addf %parallel_loop3A_390, %parallel_loop3A_394 : vector<16xf32>
        %parallel_loop3A_396 = arith.index_cast %parallel_loop3A_272 : i32 to index
        %parallel_loop3A_397 = arith.constant 112 : index
        %parallel_loop3A_398 = tpu.vector_load %arg7[%parallel_loop3A_396, %parallel_loop3A_397] {strides = array<i32>} : memref<200x128xf32, #tpu.memory_space<vmem>>, vector<1x16xf32>,
        %parallel_loop3A_399 = vector.shape_cast %parallel_loop3A_398 : vector<1x16xf32> to vector<16xf32>
        %parallel_loop3A_400 = vector.shape_cast %parallel_loop3A_395 : vector<16xf32> to vector<1x16xf32>
        tpu.vector_store %arg7[%parallel_loop3A_396, %parallel_loop3A_397], %parallel_loop3A_400 {strides = array<i32>} : memref<200x128xf32, #tpu.memory_space<vmem>>, vector<1x16xf32>,
      } {sc.loop_unroll_factor = 2 : i64, sc.parallel_access}
      %add3A_176 = arith.addi %mul3A_2, %add3A_145 : i32
      %dma_start3A_177 = arith.constant 0 : i32
      %dma_start3A_178 = arith.constant 0 : i32
      %dma_start3A_179 = tpu.memref_slice %arg5[%add3A_176, %dma_start3A_177, %dma_start3A_178] : memref<1024x200x128xf32, #tpu.memory_space<hbm>> -> memref<1x200x128xf32, #tpu.memory_space<hbm>>
      %dma_start3A_180 = tpu.memref_squeeze %dma_start3A_179 : memref<1x200x128xf32, #tpu.memory_space<hbm>> -> memref<200x128xf32, #tpu.memory_space<hbm>>
      %dma_start3A_181 = arith.constant 0 : i32
      %dma_start3A_182 = arith.constant 0 : i32
      %dma_start3A_183 = tpu.memref_slice %arg5[%add3A_176, %dma_start3A_181, %dma_start3A_182] : memref<1024x200x128xf32, #tpu.memory_space<hbm>> -> memref<1x200x128xf32, #tpu.memory_space<hbm>>
      %dma_start3A_184 = tpu.memref_squeeze %dma_start3A_183 : memref<1x200x128xf32, #tpu.memory_space<hbm>> -> memref<200x128xf32, #tpu.memory_space<hbm>>
      tpu.enqueue_dma source(%arg7 : memref<200x128xf32, #tpu.memory_space<vmem>>) target(%dma_start3A_184 : memref<200x128xf32, #tpu.memory_space<hbm>>) target_semaphore(%arg14 : memref<!tpu.dma_semaphore, #tpu.memory_space<semaphore_mem>>)
      %mul3A_185 = arith.constant 3 : i32
      %mul3A_186 = arith.muli %scan3A_140, %mul3A_185 : i32
      %add3A_187 = arith.constant 1 : i32
      %add3A_188 = arith.addi %mul3A_186, %add3A_187 : i32
      %add3A_189 = arith.constant 1 : i32
      %add3A_190 = arith.addi %add3A_188, %add3A_189 : i32
      %lt3A_191 = arith.constant 32 : i32
      %lt3A_192 = arith.cmpi slt, %add3A_190, %lt3A_191 : i32
      %convert_element_type3A_193 = arith.extui %lt3A_192 : i1 to i32
      %cond3A_194 = arith.constant 0 : i32
      %cond3A_195 = arith.cmpi ne, %convert_element_type3A_193, %cond3A_194 : i32
      scf.if %cond3A_195 {
        %ge3A = arith.constant 2 : i32
        %ge3A_272 = arith.cmpi sge, %add3A_188, %ge3A : i32
        %convert_element_type3A_273 = arith.extui %ge3A_272 : i1 to i32
        %cond3A_274 = arith.constant 0 : i32
        %cond3A_275 = arith.cmpi ne, %convert_element_type3A_273, %cond3A_274 : i32
        scf.if %cond3A_275 {
          %sub3A = arith.constant 2 : i32
          %sub3A_298 = arith.subi %add3A_188, %sub3A : i32
          %add3A_299 = arith.addi %mul3A_2, %sub3A_298 : i32
          %dma_wait3A_300 = arith.constant 0 : i32
          %dma_wait3A_301 = arith.constant 0 : i32
          %dma_wait3A_302 = tpu.memref_slice %arg5[%add3A_299, %dma_wait3A_300, %dma_wait3A_301] : memref<1024x200x128xf32, #tpu.memory_space<hbm>> -> memref<1x200x128xf32, #tpu.memory_space<hbm>>
          %dma_wait3A_303 = tpu.memref_squeeze %dma_wait3A_302 : memref<1x200x128xf32, #tpu.memory_space<hbm>> -> memref<200x128xf32, #tpu.memory_space<hbm>>
          %dma_wait3A_304 = arith.constant 0 : i32
          %dma_wait3A_305 = arith.constant 0 : i32
          %dma_wait3A_306 = tpu.memref_slice %arg5[%add3A_299, %dma_wait3A_304, %dma_wait3A_305] : memref<1024x200x128xf32, #tpu.memory_space<hbm>> -> memref<1x200x128xf32, #tpu.memory_space<hbm>>
          %dma_wait3A_307 = tpu.memref_squeeze %dma_wait3A_306 : memref<1x200x128xf32, #tpu.memory_space<hbm>> -> memref<200x128xf32, #tpu.memory_space<hbm>>
          tpu.wait_dma2 semaphore(%arg16 : memref<!tpu.dma_semaphore, #tpu.memory_space<semaphore_mem>>) src(%arg9 : memref<200x128xf32, #tpu.memory_space<vmem>>) dst(%dma_wait3A_307 : memref<200x128xf32, #tpu.memory_space<hbm>>)
        } else {
        }
        %add3A_276 = arith.constant 1 : i32
        %add3A_277 = arith.addi %add3A_188, %add3A_276 : i32
        %mul3A_278 = arith.constant 200 : i32
        %mul3A_279 = arith.muli %add3A_277, %mul3A_278 : i32
        %dma_start3A_280 = arith.constant 0 : i32
        %dma_start3A_281 = arith.constant 0 : i32
        %dma_start3A_282 = tpu.memref_slice %arg9[%dma_start3A_280, %dma_start3A_281] : memref<200x128xf32, #tpu.memory_space<vmem>> -> memref<104x128xf32, #tpu.memory_space<vmem>>
        %dma_start3A_283 = tpu.memref_slice %arg6[%mul3A_279] : memref<6400xi32, #tpu.memory_space<vmem>> -> memref<104xi32, #tpu.memory_space<vmem>>
        %dma_start3A_284 = arith.constant 0 : i32
        %dma_start3A_285 = arith.constant 0 : i32
        %dma_start3A_286 = tpu.memref_slice %arg3[%dma_start3A_284, %dma_start3A_285] : memref<1000000x128xf32, #tpu.memory_space<hbm>> -> memref<1000000x128xf32, #tpu.memory_space<hbm>>
        tpu.enqueue_indirect_dma source(%dma_start3A_286 : memref<1000000x128xf32, #tpu.memory_space<hbm>>) target(%dma_start3A_282 : memref<104x128xf32, #tpu.memory_space<vmem>>) offsets(%dma_start3A_283 : memref<104xi32, #tpu.memory_space<vmem>>) semaphore(%arg13 : memref<!tpu.dma_semaphore, #tpu.memory_space<semaphore_mem>>)
        %mul3A_287 = arith.constant 200 : i32
        %mul3A_288 = arith.muli %add3A_277, %mul3A_287 : i32
        %add3A_289 = arith.constant 104 : i32
        %add3A_290 = arith.addi %mul3A_288, %add3A_289 : i32
        %dma_start3A_291 = arith.constant 104 : i32
        %dma_start3A_292 = arith.constant 0 : i32
        %dma_start3A_293 = tpu.memref_slice %arg9[%dma_start3A_291, %dma_start3A_292] : memref<200x128xf32, #tpu.memory_space<vmem>> -> memref<96x128xf32, #tpu.memory_space<vmem>>
        %dma_start3A_294 = tpu.memref_slice %arg6[%add3A_290] : memref<6400xi32, #tpu.memory_space<vmem>> -> memref<96xi32, #tpu.memory_space<vmem>>
        %dma_start3A_295 = arith.constant 0 : i32
        %dma_start3A_296 = arith.constant 0 : i32
        %dma_start3A_297 = tpu.memref_slice %arg3[%dma_start3A_295, %dma_start3A_296] : memref<1000000x128xf32, #tpu.memory_space<hbm>> -> memref<1000000x128xf32, #tpu.memory_space<hbm>>
        tpu.enqueue_indirect_dma source(%dma_start3A_297 : memref<1000000x128xf32, #tpu.memory_space<hbm>>) target(%dma_start3A_293 : memref<96x128xf32, #tpu.memory_space<vmem>>) offsets(%dma_start3A_294 : memref<96xi32, #tpu.memory_space<vmem>>) semaphore(%arg13 : memref<!tpu.dma_semaphore, #tpu.memory_space<semaphore_mem>>)
      } else {
      }
      %mul3A_196 = arith.constant 200 : i32
      %mul3A_197 = arith.muli %add3A_188, %mul3A_196 : i32
      %dma_wait3A_198 = arith.constant 0 : i32
      %dma_wait3A_199 = arith.constant 0 : i32
      %dma_wait3A_200 = tpu.memref_slice %arg8[%dma_wait3A_198, %dma_wait3A_199] : memref<200x128xf32, #tpu.memory_space<vmem>> -> memref<104x128xf32, #tpu.memory_space<vmem>>
      %dma_wait3A_201 = tpu.memref_slice %arg6[%mul3A_197] : memref<6400xi32, #tpu.memory_space<vmem>> -> memref<104xi32, #tpu.memory_space<vmem>>
      %dma_wait3A_202 = arith.constant 0 : i32
      %dma_wait3A_203 = arith.constant 0 : i32
      %dma_wait3A_204 = tpu.memref_slice %arg3[%dma_wait3A_202, %dma_wait3A_203] : memref<1000000x128xf32, #tpu.memory_space<hbm>> -> memref<1000000x128xf32, #tpu.memory_space<hbm>>
      tpu.wait_indirect_dma semaphore(%arg12 : memref<!tpu.dma_semaphore, #tpu.memory_space<semaphore_mem>>) src(%dma_wait3A_204 : memref<1000000x128xf32, #tpu.memory_space<hbm>>) dst(%dma_wait3A_200 : memref<104x128xf32, #tpu.memory_space<vmem>>)
      %mul3A_205 = arith.constant 200 : i32
      %mul3A_206 = arith.muli %add3A_188, %mul3A_205 : i32
      %add3A_207 = arith.constant 104 : i32
      %add3A_208 = arith.addi %mul3A_206, %add3A_207 : i32
      %dma_wait3A_209 = arith.constant 104 : i32
      %dma_wait3A_210 = arith.constant 0 : i32
      %dma_wait3A_211 = tpu.memref_slice %arg8[%dma_wait3A_209, %dma_wait3A_210] : memref<200x128xf32, #tpu.memory_space<vmem>> -> memref<96x128xf32, #tpu.memory_space<vmem>>
      %dma_wait3A_212 = tpu.memref_slice %arg6[%add3A_208] : memref<6400xi32, #tpu.memory_space<vmem>> -> memref<96xi32, #tpu.memory_space<vmem>>
      %dma_wait3A_213 = arith.constant 0 : i32
      %dma_wait3A_214 = arith.constant 0 : i32
      %dma_wait3A_215 = tpu.memref_slice %arg3[%dma_wait3A_213, %dma_wait3A_214] : memref<1000000x128xf32, #tpu.memory_space<hbm>> -> memref<1000000x128xf32, #tpu.memory_space<hbm>>
      tpu.wait_indirect_dma semaphore(%arg12 : memref<!tpu.dma_semaphore, #tpu.memory_space<semaphore_mem>>) src(%dma_wait3A_215 : memref<1000000x128xf32, #tpu.memory_space<hbm>>) dst(%dma_wait3A_211 : memref<96x128xf32, #tpu.memory_space<vmem>>)
      %parallel_loop3A_216 = arith.constant 0 : i32
      %parallel_loop3A_217 = arith.constant 200 : i32
      %parallel_loop3A_218 = arith.constant 1 : i32
      scf.for %parallel_loop3A_272 = %parallel_loop3A_216 to %parallel_loop3A_217 step %parallel_loop3A_218  : i32 {
        %parallel_loop3A_273 = arith.index_cast %parallel_loop3A_272 : i32 to index
        %parallel_loop3A_274 = arith.constant 0 : index
        %parallel_loop3A_275 = tpu.vector_load %arg8[%parallel_loop3A_273, %parallel_loop3A_274] {strides = array<i32>} : memref<200x128xf32, #tpu.memory_space<vmem>>, vector<1x16xf32>,
        %parallel_loop3A_276 = vector.shape_cast %parallel_loop3A_275 : vector<1x16xf32> to vector<16xf32>
        %parallel_loop3A_277 = vector.broadcast %scan3A : f32 to vector<16xf32>
        %parallel_loop3A_278 = arith.mulf %parallel_loop3A_276, %parallel_loop3A_277 : vector<16xf32>
        %parallel_loop3A_279 = arith.index_cast %parallel_loop3A_272 : i32 to index
        %parallel_loop3A_280 = arith.constant 0 : index
        %parallel_loop3A_281 = tpu.vector_load %arg10[%parallel_loop3A_279, %parallel_loop3A_280] {strides = array<i32>} : memref<200x128xf32, #tpu.memory_space<vmem>>, vector<1x16xf32>,
        %parallel_loop3A_282 = vector.shape_cast %parallel_loop3A_281 : vector<1x16xf32> to vector<16xf32>
        %parallel_loop3A_283 = arith.addf %parallel_loop3A_278, %parallel_loop3A_282 : vector<16xf32>
        %parallel_loop3A_284 = arith.index_cast %parallel_loop3A_272 : i32 to index
        %parallel_loop3A_285 = arith.constant 0 : index
        %parallel_loop3A_286 = tpu.vector_load %arg8[%parallel_loop3A_284, %parallel_loop3A_285] {strides = array<i32>} : memref<200x128xf32, #tpu.memory_space<vmem>>, vector<1x16xf32>,
        %parallel_loop3A_287 = vector.shape_cast %parallel_loop3A_286 : vector<1x16xf32> to vector<16xf32>
        %parallel_loop3A_288 = vector.shape_cast %parallel_loop3A_283 : vector<16xf32> to vector<1x16xf32>
        tpu.vector_store %arg8[%parallel_loop3A_284, %parallel_loop3A_285], %parallel_loop3A_288 {strides = array<i32>} : memref<200x128xf32, #tpu.memory_space<vmem>>, vector<1x16xf32>,
        %parallel_loop3A_289 = arith.index_cast %parallel_loop3A_272 : i32 to index
        %parallel_loop3A_290 = arith.constant 16 : index
        %parallel_loop3A_291 = tpu.vector_load %arg8[%parallel_loop3A_289, %parallel_loop3A_290] {strides = array<i32>} : memref<200x128xf32, #tpu.memory_space<vmem>>, vector<1x16xf32>,
        %parallel_loop3A_292 = vector.shape_cast %parallel_loop3A_291 : vector<1x16xf32> to vector<16xf32>
        %parallel_loop3A_293 = vector.broadcast %scan3A : f32 to vector<16xf32>
        %parallel_loop3A_294 = arith.mulf %parallel_loop3A_292, %parallel_loop3A_293 : vector<16xf32>
        %parallel_loop3A_295 = arith.index_cast %parallel_loop3A_272 : i32 to index
        %parallel_loop3A_296 = arith.constant 16 : index
        %parallel_loop3A_297 = tpu.vector_load %arg10[%parallel_loop3A_295, %parallel_loop3A_296] {strides = array<i32>} : memref<200x128xf32, #tpu.memory_space<vmem>>, vector<1x16xf32>,
        %parallel_loop3A_298 = vector.shape_cast %parallel_loop3A_297 : vector<1x16xf32> to vector<16xf32>
        %parallel_loop3A_299 = arith.addf %parallel_loop3A_294, %parallel_loop3A_298 : vector<16xf32>
        %parallel_loop3A_300 = arith.index_cast %parallel_loop3A_272 : i32 to index
        %parallel_loop3A_301 = arith.constant 16 : index
        %parallel_loop3A_302 = tpu.vector_load %arg8[%parallel_loop3A_300, %parallel_loop3A_301] {strides = array<i32>} : memref<200x128xf32, #tpu.memory_space<vmem>>, vector<1x16xf32>,
        %parallel_loop3A_303 = vector.shape_cast %parallel_loop3A_302 : vector<1x16xf32> to vector<16xf32>
        %parallel_loop3A_304 = vector.shape_cast %parallel_loop3A_299 : vector<16xf32> to vector<1x16xf32>
        tpu.vector_store %arg8[%parallel_loop3A_300, %parallel_loop3A_301], %parallel_loop3A_304 {strides = array<i32>} : memref<200x128xf32, #tpu.memory_space<vmem>>, vector<1x16xf32>,
        %parallel_loop3A_305 = arith.index_cast %parallel_loop3A_272 : i32 to index
        %parallel_loop3A_306 = arith.constant 32 : index
        %parallel_loop3A_307 = tpu.vector_load %arg8[%parallel_loop3A_305, %parallel_loop3A_306] {strides = array<i32>} : memref<200x128xf32, #tpu.memory_space<vmem>>, vector<1x16xf32>,
        %parallel_loop3A_308 = vector.shape_cast %parallel_loop3A_307 : vector<1x16xf32> to vector<16xf32>
        %parallel_loop3A_309 = vector.broadcast %scan3A : f32 to vector<16xf32>
        %parallel_loop3A_310 = arith.mulf %parallel_loop3A_308, %parallel_loop3A_309 : vector<16xf32>
        %parallel_loop3A_311 = arith.index_cast %parallel_loop3A_272 : i32 to index
        %parallel_loop3A_312 = arith.constant 32 : index
        %parallel_loop3A_313 = tpu.vector_load %arg10[%parallel_loop3A_311, %parallel_loop3A_312] {strides = array<i32>} : memref<200x128xf32, #tpu.memory_space<vmem>>, vector<1x16xf32>,
        %parallel_loop3A_314 = vector.shape_cast %parallel_loop3A_313 : vector<1x16xf32> to vector<16xf32>
        %parallel_loop3A_315 = arith.addf %parallel_loop3A_310, %parallel_loop3A_314 : vector<16xf32>
        %parallel_loop3A_316 = arith.index_cast %parallel_loop3A_272 : i32 to index
        %parallel_loop3A_317 = arith.constant 32 : index
        %parallel_loop3A_318 = tpu.vector_load %arg8[%parallel_loop3A_316, %parallel_loop3A_317] {strides = array<i32>} : memref<200x128xf32, #tpu.memory_space<vmem>>, vector<1x16xf32>,
        %parallel_loop3A_319 = vector.shape_cast %parallel_loop3A_318 : vector<1x16xf32> to vector<16xf32>
        %parallel_loop3A_320 = vector.shape_cast %parallel_loop3A_315 : vector<16xf32> to vector<1x16xf32>
        tpu.vector_store %arg8[%parallel_loop3A_316, %parallel_loop3A_317], %parallel_loop3A_320 {strides = array<i32>} : memref<200x128xf32, #tpu.memory_space<vmem>>, vector<1x16xf32>,
        %parallel_loop3A_321 = arith.index_cast %parallel_loop3A_272 : i32 to index
        %parallel_loop3A_322 = arith.constant 48 : index
        %parallel_loop3A_323 = tpu.vector_load %arg8[%parallel_loop3A_321, %parallel_loop3A_322] {strides = array<i32>} : memref<200x128xf32, #tpu.memory_space<vmem>>, vector<1x16xf32>,
        %parallel_loop3A_324 = vector.shape_cast %parallel_loop3A_323 : vector<1x16xf32> to vector<16xf32>
        %parallel_loop3A_325 = vector.broadcast %scan3A : f32 to vector<16xf32>
        %parallel_loop3A_326 = arith.mulf %parallel_loop3A_324, %parallel_loop3A_325 : vector<16xf32>
        %parallel_loop3A_327 = arith.index_cast %parallel_loop3A_272 : i32 to index
        %parallel_loop3A_328 = arith.constant 48 : index
        %parallel_loop3A_329 = tpu.vector_load %arg10[%parallel_loop3A_327, %parallel_loop3A_328] {strides = array<i32>} : memref<200x128xf32, #tpu.memory_space<vmem>>, vector<1x16xf32>,
        %parallel_loop3A_330 = vector.shape_cast %parallel_loop3A_329 : vector<1x16xf32> to vector<16xf32>
        %parallel_loop3A_331 = arith.addf %parallel_loop3A_326, %parallel_loop3A_330 : vector<16xf32>
        %parallel_loop3A_332 = arith.index_cast %parallel_loop3A_272 : i32 to index
        %parallel_loop3A_333 = arith.constant 48 : index
        %parallel_loop3A_334 = tpu.vector_load %arg8[%parallel_loop3A_332, %parallel_loop3A_333] {strides = array<i32>} : memref<200x128xf32, #tpu.memory_space<vmem>>, vector<1x16xf32>,
        %parallel_loop3A_335 = vector.shape_cast %parallel_loop3A_334 : vector<1x16xf32> to vector<16xf32>
        %parallel_loop3A_336 = vector.shape_cast %parallel_loop3A_331 : vector<16xf32> to vector<1x16xf32>
        tpu.vector_store %arg8[%parallel_loop3A_332, %parallel_loop3A_333], %parallel_loop3A_336 {strides = array<i32>} : memref<200x128xf32, #tpu.memory_space<vmem>>, vector<1x16xf32>,
        %parallel_loop3A_337 = arith.index_cast %parallel_loop3A_272 : i32 to index
        %parallel_loop3A_338 = arith.constant 64 : index
        %parallel_loop3A_339 = tpu.vector_load %arg8[%parallel_loop3A_337, %parallel_loop3A_338] {strides = array<i32>} : memref<200x128xf32, #tpu.memory_space<vmem>>, vector<1x16xf32>,
        %parallel_loop3A_340 = vector.shape_cast %parallel_loop3A_339 : vector<1x16xf32> to vector<16xf32>
        %parallel_loop3A_341 = vector.broadcast %scan3A : f32 to vector<16xf32>
        %parallel_loop3A_342 = arith.mulf %parallel_loop3A_340, %parallel_loop3A_341 : vector<16xf32>
        %parallel_loop3A_343 = arith.index_cast %parallel_loop3A_272 : i32 to index
        %parallel_loop3A_344 = arith.constant 64 : index
        %parallel_loop3A_345 = tpu.vector_load %arg10[%parallel_loop3A_343, %parallel_loop3A_344] {strides = array<i32>} : memref<200x128xf32, #tpu.memory_space<vmem>>, vector<1x16xf32>,
        %parallel_loop3A_346 = vector.shape_cast %parallel_loop3A_345 : vector<1x16xf32> to vector<16xf32>
        %parallel_loop3A_347 = arith.addf %parallel_loop3A_342, %parallel_loop3A_346 : vector<16xf32>
        %parallel_loop3A_348 = arith.index_cast %parallel_loop3A_272 : i32 to index
        %parallel_loop3A_349 = arith.constant 64 : index
        %parallel_loop3A_350 = tpu.vector_load %arg8[%parallel_loop3A_348, %parallel_loop3A_349] {strides = array<i32>} : memref<200x128xf32, #tpu.memory_space<vmem>>, vector<1x16xf32>,
        %parallel_loop3A_351 = vector.shape_cast %parallel_loop3A_350 : vector<1x16xf32> to vector<16xf32>
        %parallel_loop3A_352 = vector.shape_cast %parallel_loop3A_347 : vector<16xf32> to vector<1x16xf32>
        tpu.vector_store %arg8[%parallel_loop3A_348, %parallel_loop3A_349], %parallel_loop3A_352 {strides = array<i32>} : memref<200x128xf32, #tpu.memory_space<vmem>>, vector<1x16xf32>,
        %parallel_loop3A_353 = arith.index_cast %parallel_loop3A_272 : i32 to index
        %parallel_loop3A_354 = arith.constant 80 : index
        %parallel_loop3A_355 = tpu.vector_load %arg8[%parallel_loop3A_353, %parallel_loop3A_354] {strides = array<i32>} : memref<200x128xf32, #tpu.memory_space<vmem>>, vector<1x16xf32>,
        %parallel_loop3A_356 = vector.shape_cast %parallel_loop3A_355 : vector<1x16xf32> to vector<16xf32>
        %parallel_loop3A_357 = vector.broadcast %scan3A : f32 to vector<16xf32>
        %parallel_loop3A_358 = arith.mulf %parallel_loop3A_356, %parallel_loop3A_357 : vector<16xf32>
        %parallel_loop3A_359 = arith.index_cast %parallel_loop3A_272 : i32 to index
        %parallel_loop3A_360 = arith.constant 80 : index
        %parallel_loop3A_361 = tpu.vector_load %arg10[%parallel_loop3A_359, %parallel_loop3A_360] {strides = array<i32>} : memref<200x128xf32, #tpu.memory_space<vmem>>, vector<1x16xf32>,
        %parallel_loop3A_362 = vector.shape_cast %parallel_loop3A_361 : vector<1x16xf32> to vector<16xf32>
        %parallel_loop3A_363 = arith.addf %parallel_loop3A_358, %parallel_loop3A_362 : vector<16xf32>
        %parallel_loop3A_364 = arith.index_cast %parallel_loop3A_272 : i32 to index
        %parallel_loop3A_365 = arith.constant 80 : index
        %parallel_loop3A_366 = tpu.vector_load %arg8[%parallel_loop3A_364, %parallel_loop3A_365] {strides = array<i32>} : memref<200x128xf32, #tpu.memory_space<vmem>>, vector<1x16xf32>,
        %parallel_loop3A_367 = vector.shape_cast %parallel_loop3A_366 : vector<1x16xf32> to vector<16xf32>
        %parallel_loop3A_368 = vector.shape_cast %parallel_loop3A_363 : vector<16xf32> to vector<1x16xf32>
        tpu.vector_store %arg8[%parallel_loop3A_364, %parallel_loop3A_365], %parallel_loop3A_368 {strides = array<i32>} : memref<200x128xf32, #tpu.memory_space<vmem>>, vector<1x16xf32>,
        %parallel_loop3A_369 = arith.index_cast %parallel_loop3A_272 : i32 to index
        %parallel_loop3A_370 = arith.constant 96 : index
        %parallel_loop3A_371 = tpu.vector_load %arg8[%parallel_loop3A_369, %parallel_loop3A_370] {strides = array<i32>} : memref<200x128xf32, #tpu.memory_space<vmem>>, vector<1x16xf32>,
        %parallel_loop3A_372 = vector.shape_cast %parallel_loop3A_371 : vector<1x16xf32> to vector<16xf32>
        %parallel_loop3A_373 = vector.broadcast %scan3A : f32 to vector<16xf32>
        %parallel_loop3A_374 = arith.mulf %parallel_loop3A_372, %parallel_loop3A_373 : vector<16xf32>
        %parallel_loop3A_375 = arith.index_cast %parallel_loop3A_272 : i32 to index
        %parallel_loop3A_376 = arith.constant 96 : index
        %parallel_loop3A_377 = tpu.vector_load %arg10[%parallel_loop3A_375, %parallel_loop3A_376] {strides = array<i32>} : memref<200x128xf32, #tpu.memory_space<vmem>>, vector<1x16xf32>,
        %parallel_loop3A_378 = vector.shape_cast %parallel_loop3A_377 : vector<1x16xf32> to vector<16xf32>
        %parallel_loop3A_379 = arith.addf %parallel_loop3A_374, %parallel_loop3A_378 : vector<16xf32>
        %parallel_loop3A_380 = arith.index_cast %parallel_loop3A_272 : i32 to index
        %parallel_loop3A_381 = arith.constant 96 : index
        %parallel_loop3A_382 = tpu.vector_load %arg8[%parallel_loop3A_380, %parallel_loop3A_381] {strides = array<i32>} : memref<200x128xf32, #tpu.memory_space<vmem>>, vector<1x16xf32>,
        %parallel_loop3A_383 = vector.shape_cast %parallel_loop3A_382 : vector<1x16xf32> to vector<16xf32>
        %parallel_loop3A_384 = vector.shape_cast %parallel_loop3A_379 : vector<16xf32> to vector<1x16xf32>
        tpu.vector_store %arg8[%parallel_loop3A_380, %parallel_loop3A_381], %parallel_loop3A_384 {strides = array<i32>} : memref<200x128xf32, #tpu.memory_space<vmem>>, vector<1x16xf32>,
        %parallel_loop3A_385 = arith.index_cast %parallel_loop3A_272 : i32 to index
        %parallel_loop3A_386 = arith.constant 112 : index
        %parallel_loop3A_387 = tpu.vector_load %arg8[%parallel_loop3A_385, %parallel_loop3A_386] {strides = array<i32>} : memref<200x128xf32, #tpu.memory_space<vmem>>, vector<1x16xf32>,
        %parallel_loop3A_388 = vector.shape_cast %parallel_loop3A_387 : vector<1x16xf32> to vector<16xf32>
        %parallel_loop3A_389 = vector.broadcast %scan3A : f32 to vector<16xf32>
        %parallel_loop3A_390 = arith.mulf %parallel_loop3A_388, %parallel_loop3A_389 : vector<16xf32>
        %parallel_loop3A_391 = arith.index_cast %parallel_loop3A_272 : i32 to index
        %parallel_loop3A_392 = arith.constant 112 : index
        %parallel_loop3A_393 = tpu.vector_load %arg10[%parallel_loop3A_391, %parallel_loop3A_392] {strides = array<i32>} : memref<200x128xf32, #tpu.memory_space<vmem>>, vector<1x16xf32>,
        %parallel_loop3A_394 = vector.shape_cast %parallel_loop3A_393 : vector<1x16xf32> to vector<16xf32>
        %parallel_loop3A_395 = arith.addf %parallel_loop3A_390, %parallel_loop3A_394 : vector<16xf32>
        %parallel_loop3A_396 = arith.index_cast %parallel_loop3A_272 : i32 to index
        %parallel_loop3A_397 = arith.constant 112 : index
        %parallel_loop3A_398 = tpu.vector_load %arg8[%parallel_loop3A_396, %parallel_loop3A_397] {strides = array<i32>} : memref<200x128xf32, #tpu.memory_space<vmem>>, vector<1x16xf32>,
        %parallel_loop3A_399 = vector.shape_cast %parallel_loop3A_398 : vector<1x16xf32> to vector<16xf32>
        %parallel_loop3A_400 = vector.shape_cast %parallel_loop3A_395 : vector<16xf32> to vector<1x16xf32>
        tpu.vector_store %arg8[%parallel_loop3A_396, %parallel_loop3A_397], %parallel_loop3A_400 {strides = array<i32>} : memref<200x128xf32, #tpu.memory_space<vmem>>, vector<1x16xf32>,
      } {sc.loop_unroll_factor = 2 : i64, sc.parallel_access}
      %add3A_219 = arith.addi %mul3A_2, %add3A_188 : i32
      %dma_start3A_220 = arith.constant 0 : i32
      %dma_start3A_221 = arith.constant 0 : i32
      %dma_start3A_222 = tpu.memref_slice %arg5[%add3A_219, %dma_start3A_220, %dma_start3A_221] : memref<1024x200x128xf32, #tpu.memory_space<hbm>> -> memref<1x200x128xf32, #tpu.memory_space<hbm>>
      %dma_start3A_223 = tpu.memref_squeeze %dma_start3A_222 : memref<1x200x128xf32, #tpu.memory_space<hbm>> -> memref<200x128xf32, #tpu.memory_space<hbm>>
      %dma_start3A_224 = arith.constant 0 : i32
      %dma_start3A_225 = arith.constant 0 : i32
      %dma_start3A_226 = tpu.memref_slice %arg5[%add3A_219, %dma_start3A_224, %dma_start3A_225] : memref<1024x200x128xf32, #tpu.memory_space<hbm>> -> memref<1x200x128xf32, #tpu.memory_space<hbm>>
      %dma_start3A_227 = tpu.memref_squeeze %dma_start3A_226 : memref<1x200x128xf32, #tpu.memory_space<hbm>> -> memref<200x128xf32, #tpu.memory_space<hbm>>
      tpu.enqueue_dma source(%arg8 : memref<200x128xf32, #tpu.memory_space<vmem>>) target(%dma_start3A_227 : memref<200x128xf32, #tpu.memory_space<hbm>>) target_semaphore(%arg15 : memref<!tpu.dma_semaphore, #tpu.memory_space<semaphore_mem>>)
      %mul3A_228 = arith.constant 3 : i32
      %mul3A_229 = arith.muli %scan3A_140, %mul3A_228 : i32
      %add3A_230 = arith.constant 2 : i32
      %add3A_231 = arith.addi %mul3A_229, %add3A_230 : i32
      %add3A_232 = arith.constant 1 : i32
      %add3A_233 = arith.addi %add3A_231, %add3A_232 : i32
      %lt3A_234 = arith.constant 32 : i32
      %lt3A_235 = arith.cmpi slt, %add3A_233, %lt3A_234 : i32
      %convert_element_type3A_236 = arith.extui %lt3A_235 : i1 to i32
      %cond3A_237 = arith.constant 0 : i32
      %cond3A_238 = arith.cmpi ne, %convert_element_type3A_236, %cond3A_237 : i32
      scf.if %cond3A_238 {
        %ge3A = arith.constant 2 : i32
        %ge3A_272 = arith.cmpi sge, %add3A_231, %ge3A : i32
        %convert_element_type3A_273 = arith.extui %ge3A_272 : i1 to i32
        %cond3A_274 = arith.constant 0 : i32
        %cond3A_275 = arith.cmpi ne, %convert_element_type3A_273, %cond3A_274 : i32
        scf.if %cond3A_275 {
          %sub3A = arith.constant 2 : i32
          %sub3A_298 = arith.subi %add3A_231, %sub3A : i32
          %add3A_299 = arith.addi %mul3A_2, %sub3A_298 : i32
          %dma_wait3A_300 = arith.constant 0 : i32
          %dma_wait3A_301 = arith.constant 0 : i32
          %dma_wait3A_302 = tpu.memref_slice %arg5[%add3A_299, %dma_wait3A_300, %dma_wait3A_301] : memref<1024x200x128xf32, #tpu.memory_space<hbm>> -> memref<1x200x128xf32, #tpu.memory_space<hbm>>
          %dma_wait3A_303 = tpu.memref_squeeze %dma_wait3A_302 : memref<1x200x128xf32, #tpu.memory_space<hbm>> -> memref<200x128xf32, #tpu.memory_space<hbm>>
          %dma_wait3A_304 = arith.constant 0 : i32
          %dma_wait3A_305 = arith.constant 0 : i32
          %dma_wait3A_306 = tpu.memref_slice %arg5[%add3A_299, %dma_wait3A_304, %dma_wait3A_305] : memref<1024x200x128xf32, #tpu.memory_space<hbm>> -> memref<1x200x128xf32, #tpu.memory_space<hbm>>
          %dma_wait3A_307 = tpu.memref_squeeze %dma_wait3A_306 : memref<1x200x128xf32, #tpu.memory_space<hbm>> -> memref<200x128xf32, #tpu.memory_space<hbm>>
          tpu.wait_dma2 semaphore(%arg14 : memref<!tpu.dma_semaphore, #tpu.memory_space<semaphore_mem>>) src(%arg7 : memref<200x128xf32, #tpu.memory_space<vmem>>) dst(%dma_wait3A_307 : memref<200x128xf32, #tpu.memory_space<hbm>>)
        } else {
        }
        %add3A_276 = arith.constant 1 : i32
        %add3A_277 = arith.addi %add3A_231, %add3A_276 : i32
        %mul3A_278 = arith.constant 200 : i32
        %mul3A_279 = arith.muli %add3A_277, %mul3A_278 : i32
        %dma_start3A_280 = arith.constant 0 : i32
        %dma_start3A_281 = arith.constant 0 : i32
        %dma_start3A_282 = tpu.memref_slice %arg7[%dma_start3A_280, %dma_start3A_281] : memref<200x128xf32, #tpu.memory_space<vmem>> -> memref<104x128xf32, #tpu.memory_space<vmem>>
        %dma_start3A_283 = tpu.memref_slice %arg6[%mul3A_279] : memref<6400xi32, #tpu.memory_space<vmem>> -> memref<104xi32, #tpu.memory_space<vmem>>
        %dma_start3A_284 = arith.constant 0 : i32
        %dma_start3A_285 = arith.constant 0 : i32
        %dma_start3A_286 = tpu.memref_slice %arg3[%dma_start3A_284, %dma_start3A_285] : memref<1000000x128xf32, #tpu.memory_space<hbm>> -> memref<1000000x128xf32, #tpu.memory_space<hbm>>
        tpu.enqueue_indirect_dma source(%dma_start3A_286 : memref<1000000x128xf32, #tpu.memory_space<hbm>>) target(%dma_start3A_282 : memref<104x128xf32, #tpu.memory_space<vmem>>) offsets(%dma_start3A_283 : memref<104xi32, #tpu.memory_space<vmem>>) semaphore(%arg11 : memref<!tpu.dma_semaphore, #tpu.memory_space<semaphore_mem>>)
        %mul3A_287 = arith.constant 200 : i32
        %mul3A_288 = arith.muli %add3A_277, %mul3A_287 : i32
        %add3A_289 = arith.constant 104 : i32
        %add3A_290 = arith.addi %mul3A_288, %add3A_289 : i32
        %dma_start3A_291 = arith.constant 104 : i32
        %dma_start3A_292 = arith.constant 0 : i32
        %dma_start3A_293 = tpu.memref_slice %arg7[%dma_start3A_291, %dma_start3A_292] : memref<200x128xf32, #tpu.memory_space<vmem>> -> memref<96x128xf32, #tpu.memory_space<vmem>>
        %dma_start3A_294 = tpu.memref_slice %arg6[%add3A_290] : memref<6400xi32, #tpu.memory_space<vmem>> -> memref<96xi32, #tpu.memory_space<vmem>>
        %dma_start3A_295 = arith.constant 0 : i32
        %dma_start3A_296 = arith.constant 0 : i32
        %dma_start3A_297 = tpu.memref_slice %arg3[%dma_start3A_295, %dma_start3A_296] : memref<1000000x128xf32, #tpu.memory_space<hbm>> -> memref<1000000x128xf32, #tpu.memory_space<hbm>>
        tpu.enqueue_indirect_dma source(%dma_start3A_297 : memref<1000000x128xf32, #tpu.memory_space<hbm>>) target(%dma_start3A_293 : memref<96x128xf32, #tpu.memory_space<vmem>>) offsets(%dma_start3A_294 : memref<96xi32, #tpu.memory_space<vmem>>) semaphore(%arg11 : memref<!tpu.dma_semaphore, #tpu.memory_space<semaphore_mem>>)
      } else {
      }
      %mul3A_239 = arith.constant 200 : i32
      %mul3A_240 = arith.muli %add3A_231, %mul3A_239 : i32
      %dma_wait3A_241 = arith.constant 0 : i32
      %dma_wait3A_242 = arith.constant 0 : i32
      %dma_wait3A_243 = tpu.memref_slice %arg9[%dma_wait3A_241, %dma_wait3A_242] : memref<200x128xf32, #tpu.memory_space<vmem>> -> memref<104x128xf32, #tpu.memory_space<vmem>>
      %dma_wait3A_244 = tpu.memref_slice %arg6[%mul3A_240] : memref<6400xi32, #tpu.memory_space<vmem>> -> memref<104xi32, #tpu.memory_space<vmem>>
      %dma_wait3A_245 = arith.constant 0 : i32
      %dma_wait3A_246 = arith.constant 0 : i32
      %dma_wait3A_247 = tpu.memref_slice %arg3[%dma_wait3A_245, %dma_wait3A_246] : memref<1000000x128xf32, #tpu.memory_space<hbm>> -> memref<1000000x128xf32, #tpu.memory_space<hbm>>
      tpu.wait_indirect_dma semaphore(%arg13 : memref<!tpu.dma_semaphore, #tpu.memory_space<semaphore_mem>>) src(%dma_wait3A_247 : memref<1000000x128xf32, #tpu.memory_space<hbm>>) dst(%dma_wait3A_243 : memref<104x128xf32, #tpu.memory_space<vmem>>)
      %mul3A_248 = arith.constant 200 : i32
      %mul3A_249 = arith.muli %add3A_231, %mul3A_248 : i32
      %add3A_250 = arith.constant 104 : i32
      %add3A_251 = arith.addi %mul3A_249, %add3A_250 : i32
      %dma_wait3A_252 = arith.constant 104 : i32
      %dma_wait3A_253 = arith.constant 0 : i32
      %dma_wait3A_254 = tpu.memref_slice %arg9[%dma_wait3A_252, %dma_wait3A_253] : memref<200x128xf32, #tpu.memory_space<vmem>> -> memref<96x128xf32, #tpu.memory_space<vmem>>
      %dma_wait3A_255 = tpu.memref_slice %arg6[%add3A_251] : memref<6400xi32, #tpu.memory_space<vmem>> -> memref<96xi32, #tpu.memory_space<vmem>>
      %dma_wait3A_256 = arith.constant 0 : i32
      %dma_wait3A_257 = arith.constant 0 : i32
      %dma_wait3A_258 = tpu.memref_slice %arg3[%dma_wait3A_256, %dma_wait3A_257] : memref<1000000x128xf32, #tpu.memory_space<hbm>> -> memref<1000000x128xf32, #tpu.memory_space<hbm>>
      tpu.wait_indirect_dma semaphore(%arg13 : memref<!tpu.dma_semaphore, #tpu.memory_space<semaphore_mem>>) src(%dma_wait3A_258 : memref<1000000x128xf32, #tpu.memory_space<hbm>>) dst(%dma_wait3A_254 : memref<96x128xf32, #tpu.memory_space<vmem>>)
      %parallel_loop3A_259 = arith.constant 0 : i32
      %parallel_loop3A_260 = arith.constant 200 : i32
      %parallel_loop3A_261 = arith.constant 1 : i32
      scf.for %parallel_loop3A_272 = %parallel_loop3A_259 to %parallel_loop3A_260 step %parallel_loop3A_261  : i32 {
        %parallel_loop3A_273 = arith.index_cast %parallel_loop3A_272 : i32 to index
        %parallel_loop3A_274 = arith.constant 0 : index
        %parallel_loop3A_275 = tpu.vector_load %arg9[%parallel_loop3A_273, %parallel_loop3A_274] {strides = array<i32>} : memref<200x128xf32, #tpu.memory_space<vmem>>, vector<1x16xf32>,
        %parallel_loop3A_276 = vector.shape_cast %parallel_loop3A_275 : vector<1x16xf32> to vector<16xf32>
        %parallel_loop3A_277 = vector.broadcast %scan3A : f32 to vector<16xf32>
        %parallel_loop3A_278 = arith.mulf %parallel_loop3A_276, %parallel_loop3A_277 : vector<16xf32>
        %parallel_loop3A_279 = arith.index_cast %parallel_loop3A_272 : i32 to index
        %parallel_loop3A_280 = arith.constant 0 : index
        %parallel_loop3A_281 = tpu.vector_load %arg10[%parallel_loop3A_279, %parallel_loop3A_280] {strides = array<i32>} : memref<200x128xf32, #tpu.memory_space<vmem>>, vector<1x16xf32>,
        %parallel_loop3A_282 = vector.shape_cast %parallel_loop3A_281 : vector<1x16xf32> to vector<16xf32>
        %parallel_loop3A_283 = arith.addf %parallel_loop3A_278, %parallel_loop3A_282 : vector<16xf32>
        %parallel_loop3A_284 = arith.index_cast %parallel_loop3A_272 : i32 to index
        %parallel_loop3A_285 = arith.constant 0 : index
        %parallel_loop3A_286 = tpu.vector_load %arg9[%parallel_loop3A_284, %parallel_loop3A_285] {strides = array<i32>} : memref<200x128xf32, #tpu.memory_space<vmem>>, vector<1x16xf32>,
        %parallel_loop3A_287 = vector.shape_cast %parallel_loop3A_286 : vector<1x16xf32> to vector<16xf32>
        %parallel_loop3A_288 = vector.shape_cast %parallel_loop3A_283 : vector<16xf32> to vector<1x16xf32>
        tpu.vector_store %arg9[%parallel_loop3A_284, %parallel_loop3A_285], %parallel_loop3A_288 {strides = array<i32>} : memref<200x128xf32, #tpu.memory_space<vmem>>, vector<1x16xf32>,
        %parallel_loop3A_289 = arith.index_cast %parallel_loop3A_272 : i32 to index
        %parallel_loop3A_290 = arith.constant 16 : index
        %parallel_loop3A_291 = tpu.vector_load %arg9[%parallel_loop3A_289, %parallel_loop3A_290] {strides = array<i32>} : memref<200x128xf32, #tpu.memory_space<vmem>>, vector<1x16xf32>,
        %parallel_loop3A_292 = vector.shape_cast %parallel_loop3A_291 : vector<1x16xf32> to vector<16xf32>
        %parallel_loop3A_293 = vector.broadcast %scan3A : f32 to vector<16xf32>
        %parallel_loop3A_294 = arith.mulf %parallel_loop3A_292, %parallel_loop3A_293 : vector<16xf32>
        %parallel_loop3A_295 = arith.index_cast %parallel_loop3A_272 : i32 to index
        %parallel_loop3A_296 = arith.constant 16 : index
        %parallel_loop3A_297 = tpu.vector_load %arg10[%parallel_loop3A_295, %parallel_loop3A_296] {strides = array<i32>} : memref<200x128xf32, #tpu.memory_space<vmem>>, vector<1x16xf32>,
        %parallel_loop3A_298 = vector.shape_cast %parallel_loop3A_297 : vector<1x16xf32> to vector<16xf32>
        %parallel_loop3A_299 = arith.addf %parallel_loop3A_294, %parallel_loop3A_298 : vector<16xf32>
        %parallel_loop3A_300 = arith.index_cast %parallel_loop3A_272 : i32 to index
        %parallel_loop3A_301 = arith.constant 16 : index
        %parallel_loop3A_302 = tpu.vector_load %arg9[%parallel_loop3A_300, %parallel_loop3A_301] {strides = array<i32>} : memref<200x128xf32, #tpu.memory_space<vmem>>, vector<1x16xf32>,
        %parallel_loop3A_303 = vector.shape_cast %parallel_loop3A_302 : vector<1x16xf32> to vector<16xf32>
        %parallel_loop3A_304 = vector.shape_cast %parallel_loop3A_299 : vector<16xf32> to vector<1x16xf32>
        tpu.vector_store %arg9[%parallel_loop3A_300, %parallel_loop3A_301], %parallel_loop3A_304 {strides = array<i32>} : memref<200x128xf32, #tpu.memory_space<vmem>>, vector<1x16xf32>,
        %parallel_loop3A_305 = arith.index_cast %parallel_loop3A_272 : i32 to index
        %parallel_loop3A_306 = arith.constant 32 : index
        %parallel_loop3A_307 = tpu.vector_load %arg9[%parallel_loop3A_305, %parallel_loop3A_306] {strides = array<i32>} : memref<200x128xf32, #tpu.memory_space<vmem>>, vector<1x16xf32>,
        %parallel_loop3A_308 = vector.shape_cast %parallel_loop3A_307 : vector<1x16xf32> to vector<16xf32>
        %parallel_loop3A_309 = vector.broadcast %scan3A : f32 to vector<16xf32>
        %parallel_loop3A_310 = arith.mulf %parallel_loop3A_308, %parallel_loop3A_309 : vector<16xf32>
        %parallel_loop3A_311 = arith.index_cast %parallel_loop3A_272 : i32 to index
        %parallel_loop3A_312 = arith.constant 32 : index
        %parallel_loop3A_313 = tpu.vector_load %arg10[%parallel_loop3A_311, %parallel_loop3A_312] {strides = array<i32>} : memref<200x128xf32, #tpu.memory_space<vmem>>, vector<1x16xf32>,
        %parallel_loop3A_314 = vector.shape_cast %parallel_loop3A_313 : vector<1x16xf32> to vector<16xf32>
        %parallel_loop3A_315 = arith.addf %parallel_loop3A_310, %parallel_loop3A_314 : vector<16xf32>
        %parallel_loop3A_316 = arith.index_cast %parallel_loop3A_272 : i32 to index
        %parallel_loop3A_317 = arith.constant 32 : index
        %parallel_loop3A_318 = tpu.vector_load %arg9[%parallel_loop3A_316, %parallel_loop3A_317] {strides = array<i32>} : memref<200x128xf32, #tpu.memory_space<vmem>>, vector<1x16xf32>,
        %parallel_loop3A_319 = vector.shape_cast %parallel_loop3A_318 : vector<1x16xf32> to vector<16xf32>
        %parallel_loop3A_320 = vector.shape_cast %parallel_loop3A_315 : vector<16xf32> to vector<1x16xf32>
        tpu.vector_store %arg9[%parallel_loop3A_316, %parallel_loop3A_317], %parallel_loop3A_320 {strides = array<i32>} : memref<200x128xf32, #tpu.memory_space<vmem>>, vector<1x16xf32>,
        %parallel_loop3A_321 = arith.index_cast %parallel_loop3A_272 : i32 to index
        %parallel_loop3A_322 = arith.constant 48 : index
        %parallel_loop3A_323 = tpu.vector_load %arg9[%parallel_loop3A_321, %parallel_loop3A_322] {strides = array<i32>} : memref<200x128xf32, #tpu.memory_space<vmem>>, vector<1x16xf32>,
        %parallel_loop3A_324 = vector.shape_cast %parallel_loop3A_323 : vector<1x16xf32> to vector<16xf32>
        %parallel_loop3A_325 = vector.broadcast %scan3A : f32 to vector<16xf32>
        %parallel_loop3A_326 = arith.mulf %parallel_loop3A_324, %parallel_loop3A_325 : vector<16xf32>
        %parallel_loop3A_327 = arith.index_cast %parallel_loop3A_272 : i32 to index
        %parallel_loop3A_328 = arith.constant 48 : index
        %parallel_loop3A_329 = tpu.vector_load %arg10[%parallel_loop3A_327, %parallel_loop3A_328] {strides = array<i32>} : memref<200x128xf32, #tpu.memory_space<vmem>>, vector<1x16xf32>,
        %parallel_loop3A_330 = vector.shape_cast %parallel_loop3A_329 : vector<1x16xf32> to vector<16xf32>
        %parallel_loop3A_331 = arith.addf %parallel_loop3A_326, %parallel_loop3A_330 : vector<16xf32>
        %parallel_loop3A_332 = arith.index_cast %parallel_loop3A_272 : i32 to index
        %parallel_loop3A_333 = arith.constant 48 : index
        %parallel_loop3A_334 = tpu.vector_load %arg9[%parallel_loop3A_332, %parallel_loop3A_333] {strides = array<i32>} : memref<200x128xf32, #tpu.memory_space<vmem>>, vector<1x16xf32>,
        %parallel_loop3A_335 = vector.shape_cast %parallel_loop3A_334 : vector<1x16xf32> to vector<16xf32>
        %parallel_loop3A_336 = vector.shape_cast %parallel_loop3A_331 : vector<16xf32> to vector<1x16xf32>
        tpu.vector_store %arg9[%parallel_loop3A_332, %parallel_loop3A_333], %parallel_loop3A_336 {strides = array<i32>} : memref<200x128xf32, #tpu.memory_space<vmem>>, vector<1x16xf32>,
        %parallel_loop3A_337 = arith.index_cast %parallel_loop3A_272 : i32 to index
        %parallel_loop3A_338 = arith.constant 64 : index
        %parallel_loop3A_339 = tpu.vector_load %arg9[%parallel_loop3A_337, %parallel_loop3A_338] {strides = array<i32>} : memref<200x128xf32, #tpu.memory_space<vmem>>, vector<1x16xf32>,
        %parallel_loop3A_340 = vector.shape_cast %parallel_loop3A_339 : vector<1x16xf32> to vector<16xf32>
        %parallel_loop3A_341 = vector.broadcast %scan3A : f32 to vector<16xf32>
        %parallel_loop3A_342 = arith.mulf %parallel_loop3A_340, %parallel_loop3A_341 : vector<16xf32>
        %parallel_loop3A_343 = arith.index_cast %parallel_loop3A_272 : i32 to index
        %parallel_loop3A_344 = arith.constant 64 : index
        %parallel_loop3A_345 = tpu.vector_load %arg10[%parallel_loop3A_343, %parallel_loop3A_344] {strides = array<i32>} : memref<200x128xf32, #tpu.memory_space<vmem>>, vector<1x16xf32>,
        %parallel_loop3A_346 = vector.shape_cast %parallel_loop3A_345 : vector<1x16xf32> to vector<16xf32>
        %parallel_loop3A_347 = arith.addf %parallel_loop3A_342, %parallel_loop3A_346 : vector<16xf32>
        %parallel_loop3A_348 = arith.index_cast %parallel_loop3A_272 : i32 to index
        %parallel_loop3A_349 = arith.constant 64 : index
        %parallel_loop3A_350 = tpu.vector_load %arg9[%parallel_loop3A_348, %parallel_loop3A_349] {strides = array<i32>} : memref<200x128xf32, #tpu.memory_space<vmem>>, vector<1x16xf32>,
        %parallel_loop3A_351 = vector.shape_cast %parallel_loop3A_350 : vector<1x16xf32> to vector<16xf32>
        %parallel_loop3A_352 = vector.shape_cast %parallel_loop3A_347 : vector<16xf32> to vector<1x16xf32>
        tpu.vector_store %arg9[%parallel_loop3A_348, %parallel_loop3A_349], %parallel_loop3A_352 {strides = array<i32>} : memref<200x128xf32, #tpu.memory_space<vmem>>, vector<1x16xf32>,
        %parallel_loop3A_353 = arith.index_cast %parallel_loop3A_272 : i32 to index
        %parallel_loop3A_354 = arith.constant 80 : index
        %parallel_loop3A_355 = tpu.vector_load %arg9[%parallel_loop3A_353, %parallel_loop3A_354] {strides = array<i32>} : memref<200x128xf32, #tpu.memory_space<vmem>>, vector<1x16xf32>,
        %parallel_loop3A_356 = vector.shape_cast %parallel_loop3A_355 : vector<1x16xf32> to vector<16xf32>
        %parallel_loop3A_357 = vector.broadcast %scan3A : f32 to vector<16xf32>
        %parallel_loop3A_358 = arith.mulf %parallel_loop3A_356, %parallel_loop3A_357 : vector<16xf32>
        %parallel_loop3A_359 = arith.index_cast %parallel_loop3A_272 : i32 to index
        %parallel_loop3A_360 = arith.constant 80 : index
        %parallel_loop3A_361 = tpu.vector_load %arg10[%parallel_loop3A_359, %parallel_loop3A_360] {strides = array<i32>} : memref<200x128xf32, #tpu.memory_space<vmem>>, vector<1x16xf32>,
        %parallel_loop3A_362 = vector.shape_cast %parallel_loop3A_361 : vector<1x16xf32> to vector<16xf32>
        %parallel_loop3A_363 = arith.addf %parallel_loop3A_358, %parallel_loop3A_362 : vector<16xf32>
        %parallel_loop3A_364 = arith.index_cast %parallel_loop3A_272 : i32 to index
        %parallel_loop3A_365 = arith.constant 80 : index
        %parallel_loop3A_366 = tpu.vector_load %arg9[%parallel_loop3A_364, %parallel_loop3A_365] {strides = array<i32>} : memref<200x128xf32, #tpu.memory_space<vmem>>, vector<1x16xf32>,
        %parallel_loop3A_367 = vector.shape_cast %parallel_loop3A_366 : vector<1x16xf32> to vector<16xf32>
        %parallel_loop3A_368 = vector.shape_cast %parallel_loop3A_363 : vector<16xf32> to vector<1x16xf32>
        tpu.vector_store %arg9[%parallel_loop3A_364, %parallel_loop3A_365], %parallel_loop3A_368 {strides = array<i32>} : memref<200x128xf32, #tpu.memory_space<vmem>>, vector<1x16xf32>,
        %parallel_loop3A_369 = arith.index_cast %parallel_loop3A_272 : i32 to index
        %parallel_loop3A_370 = arith.constant 96 : index
        %parallel_loop3A_371 = tpu.vector_load %arg9[%parallel_loop3A_369, %parallel_loop3A_370] {strides = array<i32>} : memref<200x128xf32, #tpu.memory_space<vmem>>, vector<1x16xf32>,
        %parallel_loop3A_372 = vector.shape_cast %parallel_loop3A_371 : vector<1x16xf32> to vector<16xf32>
        %parallel_loop3A_373 = vector.broadcast %scan3A : f32 to vector<16xf32>
        %parallel_loop3A_374 = arith.mulf %parallel_loop3A_372, %parallel_loop3A_373 : vector<16xf32>
        %parallel_loop3A_375 = arith.index_cast %parallel_loop3A_272 : i32 to index
        %parallel_loop3A_376 = arith.constant 96 : index
        %parallel_loop3A_377 = tpu.vector_load %arg10[%parallel_loop3A_375, %parallel_loop3A_376] {strides = array<i32>} : memref<200x128xf32, #tpu.memory_space<vmem>>, vector<1x16xf32>,
        %parallel_loop3A_378 = vector.shape_cast %parallel_loop3A_377 : vector<1x16xf32> to vector<16xf32>
        %parallel_loop3A_379 = arith.addf %parallel_loop3A_374, %parallel_loop3A_378 : vector<16xf32>
        %parallel_loop3A_380 = arith.index_cast %parallel_loop3A_272 : i32 to index
        %parallel_loop3A_381 = arith.constant 96 : index
        %parallel_loop3A_382 = tpu.vector_load %arg9[%parallel_loop3A_380, %parallel_loop3A_381] {strides = array<i32>} : memref<200x128xf32, #tpu.memory_space<vmem>>, vector<1x16xf32>,
        %parallel_loop3A_383 = vector.shape_cast %parallel_loop3A_382 : vector<1x16xf32> to vector<16xf32>
        %parallel_loop3A_384 = vector.shape_cast %parallel_loop3A_379 : vector<16xf32> to vector<1x16xf32>
        tpu.vector_store %arg9[%parallel_loop3A_380, %parallel_loop3A_381], %parallel_loop3A_384 {strides = array<i32>} : memref<200x128xf32, #tpu.memory_space<vmem>>, vector<1x16xf32>,
        %parallel_loop3A_385 = arith.index_cast %parallel_loop3A_272 : i32 to index
        %parallel_loop3A_386 = arith.constant 112 : index
        %parallel_loop3A_387 = tpu.vector_load %arg9[%parallel_loop3A_385, %parallel_loop3A_386] {strides = array<i32>} : memref<200x128xf32, #tpu.memory_space<vmem>>, vector<1x16xf32>,
        %parallel_loop3A_388 = vector.shape_cast %parallel_loop3A_387 : vector<1x16xf32> to vector<16xf32>
        %parallel_loop3A_389 = vector.broadcast %scan3A : f32 to vector<16xf32>
        %parallel_loop3A_390 = arith.mulf %parallel_loop3A_388, %parallel_loop3A_389 : vector<16xf32>
        %parallel_loop3A_391 = arith.index_cast %parallel_loop3A_272 : i32 to index
        %parallel_loop3A_392 = arith.constant 112 : index
        %parallel_loop3A_393 = tpu.vector_load %arg10[%parallel_loop3A_391, %parallel_loop3A_392] {strides = array<i32>} : memref<200x128xf32, #tpu.memory_space<vmem>>, vector<1x16xf32>,
        %parallel_loop3A_394 = vector.shape_cast %parallel_loop3A_393 : vector<1x16xf32> to vector<16xf32>
        %parallel_loop3A_395 = arith.addf %parallel_loop3A_390, %parallel_loop3A_394 : vector<16xf32>
        %parallel_loop3A_396 = arith.index_cast %parallel_loop3A_272 : i32 to index
        %parallel_loop3A_397 = arith.constant 112 : index
        %parallel_loop3A_398 = tpu.vector_load %arg9[%parallel_loop3A_396, %parallel_loop3A_397] {strides = array<i32>} : memref<200x128xf32, #tpu.memory_space<vmem>>, vector<1x16xf32>,
        %parallel_loop3A_399 = vector.shape_cast %parallel_loop3A_398 : vector<1x16xf32> to vector<16xf32>
        %parallel_loop3A_400 = vector.shape_cast %parallel_loop3A_395 : vector<16xf32> to vector<1x16xf32>
        tpu.vector_store %arg9[%parallel_loop3A_396, %parallel_loop3A_397], %parallel_loop3A_400 {strides = array<i32>} : memref<200x128xf32, #tpu.memory_space<vmem>>, vector<1x16xf32>,
      } {sc.loop_unroll_factor = 2 : i64, sc.parallel_access}
      %add3A_262 = arith.addi %mul3A_2, %add3A_231 : i32
      %dma_start3A_263 = arith.constant 0 : i32
      %dma_start3A_264 = arith.constant 0 : i32
      %dma_start3A_265 = tpu.memref_slice %arg5[%add3A_262, %dma_start3A_263, %dma_start3A_264] : memref<1024x200x128xf32, #tpu.memory_space<hbm>> -> memref<1x200x128xf32, #tpu.memory_space<hbm>>
      %dma_start3A_266 = tpu.memref_squeeze %dma_start3A_265 : memref<1x200x128xf32, #tpu.memory_space<hbm>> -> memref<200x128xf32, #tpu.memory_space<hbm>>
      %dma_start3A_267 = arith.constant 0 : i32
      %dma_start3A_268 = arith.constant 0 : i32
      %dma_start3A_269 = tpu.memref_slice %arg5[%add3A_262, %dma_start3A_267, %dma_start3A_268] : memref<1024x200x128xf32, #tpu.memory_space<hbm>> -> memref<1x200x128xf32, #tpu.memory_space<hbm>>
      %dma_start3A_270 = tpu.memref_squeeze %dma_start3A_269 : memref<1x200x128xf32, #tpu.memory_space<hbm>> -> memref<200x128xf32, #tpu.memory_space<hbm>>
      tpu.enqueue_dma source(%arg9 : memref<200x128xf32, #tpu.memory_space<vmem>>) target(%dma_start3A_270 : memref<200x128xf32, #tpu.memory_space<hbm>>) target_semaphore(%arg16 : memref<!tpu.dma_semaphore, #tpu.memory_space<semaphore_mem>>)
      %scan3A_271 = arith.constant 0 : i32
      scf.yield %scan3A_271 : i32
    }
    %scan3A_24 = arith.constant 10 : i32
    %add3A_25 = arith.constant 30 : i32
    %add3A_26 = arith.constant 1 : i32
    %add3A_27 = arith.addi %add3A_25, %add3A_26 : i32
    %lt3A = arith.constant 32 : i32
    %lt3A_28 = arith.cmpi slt, %add3A_27, %lt3A : i32
    %convert_element_type3A = arith.extui %lt3A_28 : i1 to i32
    %cond3A = arith.constant 30 : i32
    %cond3A_29 = arith.constant 0 : i32
    %cond3A_30 = arith.cmpi ne, %convert_element_type3A, %cond3A_29 : i32
    scf.if %cond3A_30 {
      %ge3A = arith.constant 2 : i32
      %ge3A_140 = arith.cmpi sge, %cond3A, %ge3A : i32
      %convert_element_type3A_141 = arith.extui %ge3A_140 : i1 to i32
      %cond3A_142 = arith.constant 0 : i32
      %cond3A_143 = arith.cmpi ne, %convert_element_type3A_141, %cond3A_142 : i32
      scf.if %cond3A_143 {
        %sub3A = arith.constant 2 : i32
        %sub3A_166 = arith.subi %cond3A, %sub3A : i32
        %add3A_167 = arith.addi %mul3A_2, %sub3A_166 : i32
        %dma_wait3A_168 = arith.constant 0 : i32
        %dma_wait3A_169 = arith.constant 0 : i32
        %dma_wait3A_170 = tpu.memref_slice %arg5[%add3A_167, %dma_wait3A_168, %dma_wait3A_169] : memref<1024x200x128xf32, #tpu.memory_space<hbm>> -> memref<1x200x128xf32, #tpu.memory_space<hbm>>
        %dma_wait3A_171 = tpu.memref_squeeze %dma_wait3A_170 : memref<1x200x128xf32, #tpu.memory_space<hbm>> -> memref<200x128xf32, #tpu.memory_space<hbm>>
        %dma_wait3A_172 = arith.constant 0 : i32
        %dma_wait3A_173 = arith.constant 0 : i32
        %dma_wait3A_174 = tpu.memref_slice %arg5[%add3A_167, %dma_wait3A_172, %dma_wait3A_173] : memref<1024x200x128xf32, #tpu.memory_space<hbm>> -> memref<1x200x128xf32, #tpu.memory_space<hbm>>
        %dma_wait3A_175 = tpu.memref_squeeze %dma_wait3A_174 : memref<1x200x128xf32, #tpu.memory_space<hbm>> -> memref<200x128xf32, #tpu.memory_space<hbm>>
        tpu.wait_dma2 semaphore(%arg15 : memref<!tpu.dma_semaphore, #tpu.memory_space<semaphore_mem>>) src(%arg8 : memref<200x128xf32, #tpu.memory_space<vmem>>) dst(%dma_wait3A_175 : memref<200x128xf32, #tpu.memory_space<hbm>>)
      } else {
      }
      %add3A_144 = arith.constant 1 : i32
      %add3A_145 = arith.addi %cond3A, %add3A_144 : i32
      %mul3A_146 = arith.constant 200 : i32
      %mul3A_147 = arith.muli %add3A_145, %mul3A_146 : i32
      %dma_start3A_148 = arith.constant 0 : i32
      %dma_start3A_149 = arith.constant 0 : i32
      %dma_start3A_150 = tpu.memref_slice %arg8[%dma_start3A_148, %dma_start3A_149] : memref<200x128xf32, #tpu.memory_space<vmem>> -> memref<104x128xf32, #tpu.memory_space<vmem>>
      %dma_start3A_151 = tpu.memref_slice %arg6[%mul3A_147] : memref<6400xi32, #tpu.memory_space<vmem>> -> memref<104xi32, #tpu.memory_space<vmem>>
      %dma_start3A_152 = arith.constant 0 : i32
      %dma_start3A_153 = arith.constant 0 : i32
      %dma_start3A_154 = tpu.memref_slice %arg3[%dma_start3A_152, %dma_start3A_153] : memref<1000000x128xf32, #tpu.memory_space<hbm>> -> memref<1000000x128xf32, #tpu.memory_space<hbm>>
      tpu.enqueue_indirect_dma source(%dma_start3A_154 : memref<1000000x128xf32, #tpu.memory_space<hbm>>) target(%dma_start3A_150 : memref<104x128xf32, #tpu.memory_space<vmem>>) offsets(%dma_start3A_151 : memref<104xi32, #tpu.memory_space<vmem>>) semaphore(%arg12 : memref<!tpu.dma_semaphore, #tpu.memory_space<semaphore_mem>>)
      %mul3A_155 = arith.constant 200 : i32
      %mul3A_156 = arith.muli %add3A_145, %mul3A_155 : i32
      %add3A_157 = arith.constant 104 : i32
      %add3A_158 = arith.addi %mul3A_156, %add3A_157 : i32
      %dma_start3A_159 = arith.constant 104 : i32
      %dma_start3A_160 = arith.constant 0 : i32
      %dma_start3A_161 = tpu.memref_slice %arg8[%dma_start3A_159, %dma_start3A_160] : memref<200x128xf32, #tpu.memory_space<vmem>> -> memref<96x128xf32, #tpu.memory_space<vmem>>
      %dma_start3A_162 = tpu.memref_slice %arg6[%add3A_158] : memref<6400xi32, #tpu.memory_space<vmem>> -> memref<96xi32, #tpu.memory_space<vmem>>
      %dma_start3A_163 = arith.constant 0 : i32
      %dma_start3A_164 = arith.constant 0 : i32
      %dma_start3A_165 = tpu.memref_slice %arg3[%dma_start3A_163, %dma_start3A_164] : memref<1000000x128xf32, #tpu.memory_space<hbm>> -> memref<1000000x128xf32, #tpu.memory_space<hbm>>
      tpu.enqueue_indirect_dma source(%dma_start3A_165 : memref<1000000x128xf32, #tpu.memory_space<hbm>>) target(%dma_start3A_161 : memref<96x128xf32, #tpu.memory_space<vmem>>) offsets(%dma_start3A_162 : memref<96xi32, #tpu.memory_space<vmem>>) semaphore(%arg12 : memref<!tpu.dma_semaphore, #tpu.memory_space<semaphore_mem>>)
    } else {
    }
    %mul3A_31 = arith.constant 30 : i32
    %mul3A_32 = arith.constant 200 : i32
    %mul3A_33 = arith.muli %mul3A_31, %mul3A_32 : i32
    %dma_wait3A = arith.constant 0 : i32
    %dma_wait3A_34 = arith.constant 0 : i32
    %dma_wait3A_35 = tpu.memref_slice %arg7[%dma_wait3A, %dma_wait3A_34] : memref<200x128xf32, #tpu.memory_space<vmem>> -> memref<104x128xf32, #tpu.memory_space<vmem>>
    %dma_wait3A_36 = tpu.memref_slice %arg6[%mul3A_33] : memref<6400xi32, #tpu.memory_space<vmem>> -> memref<104xi32, #tpu.memory_space<vmem>>
    %dma_wait3A_37 = arith.constant 0 : i32
    %dma_wait3A_38 = arith.constant 0 : i32
    %dma_wait3A_39 = tpu.memref_slice %arg3[%dma_wait3A_37, %dma_wait3A_38] : memref<1000000x128xf32, #tpu.memory_space<hbm>> -> memref<1000000x128xf32, #tpu.memory_space<hbm>>
    tpu.wait_indirect_dma semaphore(%arg11 : memref<!tpu.dma_semaphore, #tpu.memory_space<semaphore_mem>>) src(%dma_wait3A_39 : memref<1000000x128xf32, #tpu.memory_space<hbm>>) dst(%dma_wait3A_35 : memref<104x128xf32, #tpu.memory_space<vmem>>)
    %mul3A_40 = arith.constant 30 : i32
    %mul3A_41 = arith.constant 200 : i32
    %mul3A_42 = arith.muli %mul3A_40, %mul3A_41 : i32
    %add3A_43 = arith.constant 104 : i32
    %add3A_44 = arith.addi %mul3A_42, %add3A_43 : i32
    %dma_wait3A_45 = arith.constant 104 : i32
    %dma_wait3A_46 = arith.constant 0 : i32
    %dma_wait3A_47 = tpu.memref_slice %arg7[%dma_wait3A_45, %dma_wait3A_46] : memref<200x128xf32, #tpu.memory_space<vmem>> -> memref<96x128xf32, #tpu.memory_space<vmem>>
    %dma_wait3A_48 = tpu.memref_slice %arg6[%add3A_44] : memref<6400xi32, #tpu.memory_space<vmem>> -> memref<96xi32, #tpu.memory_space<vmem>>
    %dma_wait3A_49 = arith.constant 0 : i32
    %dma_wait3A_50 = arith.constant 0 : i32
    %dma_wait3A_51 = tpu.memref_slice %arg3[%dma_wait3A_49, %dma_wait3A_50] : memref<1000000x128xf32, #tpu.memory_space<hbm>> -> memref<1000000x128xf32, #tpu.memory_space<hbm>>
    tpu.wait_indirect_dma semaphore(%arg11 : memref<!tpu.dma_semaphore, #tpu.memory_space<semaphore_mem>>) src(%dma_wait3A_51 : memref<1000000x128xf32, #tpu.memory_space<hbm>>) dst(%dma_wait3A_47 : memref<96x128xf32, #tpu.memory_space<vmem>>)
    %parallel_loop3A = arith.constant 0 : i32
    %parallel_loop3A_52 = arith.constant 200 : i32
    %parallel_loop3A_53 = arith.constant 1 : i32
    %parallel_loop3A_54 = arith.constant 11.3137083 : f32
    scf.for %parallel_loop3A_140 = %parallel_loop3A to %parallel_loop3A_52 step %parallel_loop3A_53  : i32 {
      %parallel_loop3A_141 = arith.index_cast %parallel_loop3A_140 : i32 to index
      %parallel_loop3A_142 = arith.constant 0 : index
      %parallel_loop3A_143 = tpu.vector_load %arg7[%parallel_loop3A_141, %parallel_loop3A_142] {strides = array<i32>} : memref<200x128xf32, #tpu.memory_space<vmem>>, vector<1x16xf32>,
      %parallel_loop3A_144 = vector.shape_cast %parallel_loop3A_143 : vector<1x16xf32> to vector<16xf32>
      %parallel_loop3A_145 = vector.broadcast %parallel_loop3A_54 : f32 to vector<16xf32>
      %parallel_loop3A_146 = arith.mulf %parallel_loop3A_144, %parallel_loop3A_145 : vector<16xf32>
      %parallel_loop3A_147 = arith.index_cast %parallel_loop3A_140 : i32 to index
      %parallel_loop3A_148 = arith.constant 0 : index
      %parallel_loop3A_149 = tpu.vector_load %arg10[%parallel_loop3A_147, %parallel_loop3A_148] {strides = array<i32>} : memref<200x128xf32, #tpu.memory_space<vmem>>, vector<1x16xf32>,
      %parallel_loop3A_150 = vector.shape_cast %parallel_loop3A_149 : vector<1x16xf32> to vector<16xf32>
      %parallel_loop3A_151 = arith.addf %parallel_loop3A_146, %parallel_loop3A_150 : vector<16xf32>
      %parallel_loop3A_152 = arith.index_cast %parallel_loop3A_140 : i32 to index
      %parallel_loop3A_153 = arith.constant 0 : index
      %parallel_loop3A_154 = tpu.vector_load %arg7[%parallel_loop3A_152, %parallel_loop3A_153] {strides = array<i32>} : memref<200x128xf32, #tpu.memory_space<vmem>>, vector<1x16xf32>,
      %parallel_loop3A_155 = vector.shape_cast %parallel_loop3A_154 : vector<1x16xf32> to vector<16xf32>
      %parallel_loop3A_156 = vector.shape_cast %parallel_loop3A_151 : vector<16xf32> to vector<1x16xf32>
      tpu.vector_store %arg7[%parallel_loop3A_152, %parallel_loop3A_153], %parallel_loop3A_156 {strides = array<i32>} : memref<200x128xf32, #tpu.memory_space<vmem>>, vector<1x16xf32>,
      %parallel_loop3A_157 = arith.index_cast %parallel_loop3A_140 : i32 to index
      %parallel_loop3A_158 = arith.constant 16 : index
      %parallel_loop3A_159 = tpu.vector_load %arg7[%parallel_loop3A_157, %parallel_loop3A_158] {strides = array<i32>} : memref<200x128xf32, #tpu.memory_space<vmem>>, vector<1x16xf32>,
      %parallel_loop3A_160 = vector.shape_cast %parallel_loop3A_159 : vector<1x16xf32> to vector<16xf32>
      %parallel_loop3A_161 = vector.broadcast %parallel_loop3A_54 : f32 to vector<16xf32>
      %parallel_loop3A_162 = arith.mulf %parallel_loop3A_160, %parallel_loop3A_161 : vector<16xf32>
      %parallel_loop3A_163 = arith.index_cast %parallel_loop3A_140 : i32 to index
      %parallel_loop3A_164 = arith.constant 16 : index
      %parallel_loop3A_165 = tpu.vector_load %arg10[%parallel_loop3A_163, %parallel_loop3A_164] {strides = array<i32>} : memref<200x128xf32, #tpu.memory_space<vmem>>, vector<1x16xf32>,
      %parallel_loop3A_166 = vector.shape_cast %parallel_loop3A_165 : vector<1x16xf32> to vector<16xf32>
      %parallel_loop3A_167 = arith.addf %parallel_loop3A_162, %parallel_loop3A_166 : vector<16xf32>
      %parallel_loop3A_168 = arith.index_cast %parallel_loop3A_140 : i32 to index
      %parallel_loop3A_169 = arith.constant 16 : index
      %parallel_loop3A_170 = tpu.vector_load %arg7[%parallel_loop3A_168, %parallel_loop3A_169] {strides = array<i32>} : memref<200x128xf32, #tpu.memory_space<vmem>>, vector<1x16xf32>,
      %parallel_loop3A_171 = vector.shape_cast %parallel_loop3A_170 : vector<1x16xf32> to vector<16xf32>
      %parallel_loop3A_172 = vector.shape_cast %parallel_loop3A_167 : vector<16xf32> to vector<1x16xf32>
      tpu.vector_store %arg7[%parallel_loop3A_168, %parallel_loop3A_169], %parallel_loop3A_172 {strides = array<i32>} : memref<200x128xf32, #tpu.memory_space<vmem>>, vector<1x16xf32>,
      %parallel_loop3A_173 = arith.index_cast %parallel_loop3A_140 : i32 to index
      %parallel_loop3A_174 = arith.constant 32 : index
      %parallel_loop3A_175 = tpu.vector_load %arg7[%parallel_loop3A_173, %parallel_loop3A_174] {strides = array<i32>} : memref<200x128xf32, #tpu.memory_space<vmem>>, vector<1x16xf32>,
      %parallel_loop3A_176 = vector.shape_cast %parallel_loop3A_175 : vector<1x16xf32> to vector<16xf32>
      %parallel_loop3A_177 = vector.broadcast %parallel_loop3A_54 : f32 to vector<16xf32>
      %parallel_loop3A_178 = arith.mulf %parallel_loop3A_176, %parallel_loop3A_177 : vector<16xf32>
      %parallel_loop3A_179 = arith.index_cast %parallel_loop3A_140 : i32 to index
      %parallel_loop3A_180 = arith.constant 32 : index
      %parallel_loop3A_181 = tpu.vector_load %arg10[%parallel_loop3A_179, %parallel_loop3A_180] {strides = array<i32>} : memref<200x128xf32, #tpu.memory_space<vmem>>, vector<1x16xf32>,
      %parallel_loop3A_182 = vector.shape_cast %parallel_loop3A_181 : vector<1x16xf32> to vector<16xf32>
      %parallel_loop3A_183 = arith.addf %parallel_loop3A_178, %parallel_loop3A_182 : vector<16xf32>
      %parallel_loop3A_184 = arith.index_cast %parallel_loop3A_140 : i32 to index
      %parallel_loop3A_185 = arith.constant 32 : index
      %parallel_loop3A_186 = tpu.vector_load %arg7[%parallel_loop3A_184, %parallel_loop3A_185] {strides = array<i32>} : memref<200x128xf32, #tpu.memory_space<vmem>>, vector<1x16xf32>,
      %parallel_loop3A_187 = vector.shape_cast %parallel_loop3A_186 : vector<1x16xf32> to vector<16xf32>
      %parallel_loop3A_188 = vector.shape_cast %parallel_loop3A_183 : vector<16xf32> to vector<1x16xf32>
      tpu.vector_store %arg7[%parallel_loop3A_184, %parallel_loop3A_185], %parallel_loop3A_188 {strides = array<i32>} : memref<200x128xf32, #tpu.memory_space<vmem>>, vector<1x16xf32>,
      %parallel_loop3A_189 = arith.index_cast %parallel_loop3A_140 : i32 to index
      %parallel_loop3A_190 = arith.constant 48 : index
      %parallel_loop3A_191 = tpu.vector_load %arg7[%parallel_loop3A_189, %parallel_loop3A_190] {strides = array<i32>} : memref<200x128xf32, #tpu.memory_space<vmem>>, vector<1x16xf32>,
      %parallel_loop3A_192 = vector.shape_cast %parallel_loop3A_191 : vector<1x16xf32> to vector<16xf32>
      %parallel_loop3A_193 = vector.broadcast %parallel_loop3A_54 : f32 to vector<16xf32>
      %parallel_loop3A_194 = arith.mulf %parallel_loop3A_192, %parallel_loop3A_193 : vector<16xf32>
      %parallel_loop3A_195 = arith.index_cast %parallel_loop3A_140 : i32 to index
      %parallel_loop3A_196 = arith.constant 48 : index
      %parallel_loop3A_197 = tpu.vector_load %arg10[%parallel_loop3A_195, %parallel_loop3A_196] {strides = array<i32>} : memref<200x128xf32, #tpu.memory_space<vmem>>, vector<1x16xf32>,
      %parallel_loop3A_198 = vector.shape_cast %parallel_loop3A_197 : vector<1x16xf32> to vector<16xf32>
      %parallel_loop3A_199 = arith.addf %parallel_loop3A_194, %parallel_loop3A_198 : vector<16xf32>
      %parallel_loop3A_200 = arith.index_cast %parallel_loop3A_140 : i32 to index
      %parallel_loop3A_201 = arith.constant 48 : index
      %parallel_loop3A_202 = tpu.vector_load %arg7[%parallel_loop3A_200, %parallel_loop3A_201] {strides = array<i32>} : memref<200x128xf32, #tpu.memory_space<vmem>>, vector<1x16xf32>,
      %parallel_loop3A_203 = vector.shape_cast %parallel_loop3A_202 : vector<1x16xf32> to vector<16xf32>
      %parallel_loop3A_204 = vector.shape_cast %parallel_loop3A_199 : vector<16xf32> to vector<1x16xf32>
      tpu.vector_store %arg7[%parallel_loop3A_200, %parallel_loop3A_201], %parallel_loop3A_204 {strides = array<i32>} : memref<200x128xf32, #tpu.memory_space<vmem>>, vector<1x16xf32>,
      %parallel_loop3A_205 = arith.index_cast %parallel_loop3A_140 : i32 to index
      %parallel_loop3A_206 = arith.constant 64 : index
      %parallel_loop3A_207 = tpu.vector_load %arg7[%parallel_loop3A_205, %parallel_loop3A_206] {strides = array<i32>} : memref<200x128xf32, #tpu.memory_space<vmem>>, vector<1x16xf32>,
      %parallel_loop3A_208 = vector.shape_cast %parallel_loop3A_207 : vector<1x16xf32> to vector<16xf32>
      %parallel_loop3A_209 = vector.broadcast %parallel_loop3A_54 : f32 to vector<16xf32>
      %parallel_loop3A_210 = arith.mulf %parallel_loop3A_208, %parallel_loop3A_209 : vector<16xf32>
      %parallel_loop3A_211 = arith.index_cast %parallel_loop3A_140 : i32 to index
      %parallel_loop3A_212 = arith.constant 64 : index
      %parallel_loop3A_213 = tpu.vector_load %arg10[%parallel_loop3A_211, %parallel_loop3A_212] {strides = array<i32>} : memref<200x128xf32, #tpu.memory_space<vmem>>, vector<1x16xf32>,
      %parallel_loop3A_214 = vector.shape_cast %parallel_loop3A_213 : vector<1x16xf32> to vector<16xf32>
      %parallel_loop3A_215 = arith.addf %parallel_loop3A_210, %parallel_loop3A_214 : vector<16xf32>
      %parallel_loop3A_216 = arith.index_cast %parallel_loop3A_140 : i32 to index
      %parallel_loop3A_217 = arith.constant 64 : index
      %parallel_loop3A_218 = tpu.vector_load %arg7[%parallel_loop3A_216, %parallel_loop3A_217] {strides = array<i32>} : memref<200x128xf32, #tpu.memory_space<vmem>>, vector<1x16xf32>,
      %parallel_loop3A_219 = vector.shape_cast %parallel_loop3A_218 : vector<1x16xf32> to vector<16xf32>
      %parallel_loop3A_220 = vector.shape_cast %parallel_loop3A_215 : vector<16xf32> to vector<1x16xf32>
      tpu.vector_store %arg7[%parallel_loop3A_216, %parallel_loop3A_217], %parallel_loop3A_220 {strides = array<i32>} : memref<200x128xf32, #tpu.memory_space<vmem>>, vector<1x16xf32>,
      %parallel_loop3A_221 = arith.index_cast %parallel_loop3A_140 : i32 to index
      %parallel_loop3A_222 = arith.constant 80 : index
      %parallel_loop3A_223 = tpu.vector_load %arg7[%parallel_loop3A_221, %parallel_loop3A_222] {strides = array<i32>} : memref<200x128xf32, #tpu.memory_space<vmem>>, vector<1x16xf32>,
      %parallel_loop3A_224 = vector.shape_cast %parallel_loop3A_223 : vector<1x16xf32> to vector<16xf32>
      %parallel_loop3A_225 = vector.broadcast %parallel_loop3A_54 : f32 to vector<16xf32>
      %parallel_loop3A_226 = arith.mulf %parallel_loop3A_224, %parallel_loop3A_225 : vector<16xf32>
      %parallel_loop3A_227 = arith.index_cast %parallel_loop3A_140 : i32 to index
      %parallel_loop3A_228 = arith.constant 80 : index
      %parallel_loop3A_229 = tpu.vector_load %arg10[%parallel_loop3A_227, %parallel_loop3A_228] {strides = array<i32>} : memref<200x128xf32, #tpu.memory_space<vmem>>, vector<1x16xf32>,
      %parallel_loop3A_230 = vector.shape_cast %parallel_loop3A_229 : vector<1x16xf32> to vector<16xf32>
      %parallel_loop3A_231 = arith.addf %parallel_loop3A_226, %parallel_loop3A_230 : vector<16xf32>
      %parallel_loop3A_232 = arith.index_cast %parallel_loop3A_140 : i32 to index
      %parallel_loop3A_233 = arith.constant 80 : index
      %parallel_loop3A_234 = tpu.vector_load %arg7[%parallel_loop3A_232, %parallel_loop3A_233] {strides = array<i32>} : memref<200x128xf32, #tpu.memory_space<vmem>>, vector<1x16xf32>,
      %parallel_loop3A_235 = vector.shape_cast %parallel_loop3A_234 : vector<1x16xf32> to vector<16xf32>
      %parallel_loop3A_236 = vector.shape_cast %parallel_loop3A_231 : vector<16xf32> to vector<1x16xf32>
      tpu.vector_store %arg7[%parallel_loop3A_232, %parallel_loop3A_233], %parallel_loop3A_236 {strides = array<i32>} : memref<200x128xf32, #tpu.memory_space<vmem>>, vector<1x16xf32>,
      %parallel_loop3A_237 = arith.index_cast %parallel_loop3A_140 : i32 to index
      %parallel_loop3A_238 = arith.constant 96 : index
      %parallel_loop3A_239 = tpu.vector_load %arg7[%parallel_loop3A_237, %parallel_loop3A_238] {strides = array<i32>} : memref<200x128xf32, #tpu.memory_space<vmem>>, vector<1x16xf32>,
      %parallel_loop3A_240 = vector.shape_cast %parallel_loop3A_239 : vector<1x16xf32> to vector<16xf32>
      %parallel_loop3A_241 = vector.broadcast %parallel_loop3A_54 : f32 to vector<16xf32>
      %parallel_loop3A_242 = arith.mulf %parallel_loop3A_240, %parallel_loop3A_241 : vector<16xf32>
      %parallel_loop3A_243 = arith.index_cast %parallel_loop3A_140 : i32 to index
      %parallel_loop3A_244 = arith.constant 96 : index
      %parallel_loop3A_245 = tpu.vector_load %arg10[%parallel_loop3A_243, %parallel_loop3A_244] {strides = array<i32>} : memref<200x128xf32, #tpu.memory_space<vmem>>, vector<1x16xf32>,
      %parallel_loop3A_246 = vector.shape_cast %parallel_loop3A_245 : vector<1x16xf32> to vector<16xf32>
      %parallel_loop3A_247 = arith.addf %parallel_loop3A_242, %parallel_loop3A_246 : vector<16xf32>
      %parallel_loop3A_248 = arith.index_cast %parallel_loop3A_140 : i32 to index
      %parallel_loop3A_249 = arith.constant 96 : index
      %parallel_loop3A_250 = tpu.vector_load %arg7[%parallel_loop3A_248, %parallel_loop3A_249] {strides = array<i32>} : memref<200x128xf32, #tpu.memory_space<vmem>>, vector<1x16xf32>,
      %parallel_loop3A_251 = vector.shape_cast %parallel_loop3A_250 : vector<1x16xf32> to vector<16xf32>
      %parallel_loop3A_252 = vector.shape_cast %parallel_loop3A_247 : vector<16xf32> to vector<1x16xf32>
      tpu.vector_store %arg7[%parallel_loop3A_248, %parallel_loop3A_249], %parallel_loop3A_252 {strides = array<i32>} : memref<200x128xf32, #tpu.memory_space<vmem>>, vector<1x16xf32>,
      %parallel_loop3A_253 = arith.index_cast %parallel_loop3A_140 : i32 to index
      %parallel_loop3A_254 = arith.constant 112 : index
      %parallel_loop3A_255 = tpu.vector_load %arg7[%parallel_loop3A_253, %parallel_loop3A_254] {strides = array<i32>} : memref<200x128xf32, #tpu.memory_space<vmem>>, vector<1x16xf32>,
      %parallel_loop3A_256 = vector.shape_cast %parallel_loop3A_255 : vector<1x16xf32> to vector<16xf32>
      %parallel_loop3A_257 = vector.broadcast %parallel_loop3A_54 : f32 to vector<16xf32>
      %parallel_loop3A_258 = arith.mulf %parallel_loop3A_256, %parallel_loop3A_257 : vector<16xf32>
      %parallel_loop3A_259 = arith.index_cast %parallel_loop3A_140 : i32 to index
      %parallel_loop3A_260 = arith.constant 112 : index
      %parallel_loop3A_261 = tpu.vector_load %arg10[%parallel_loop3A_259, %parallel_loop3A_260] {strides = array<i32>} : memref<200x128xf32, #tpu.memory_space<vmem>>, vector<1x16xf32>,
      %parallel_loop3A_262 = vector.shape_cast %parallel_loop3A_261 : vector<1x16xf32> to vector<16xf32>
      %parallel_loop3A_263 = arith.addf %parallel_loop3A_258, %parallel_loop3A_262 : vector<16xf32>
      %parallel_loop3A_264 = arith.index_cast %parallel_loop3A_140 : i32 to index
      %parallel_loop3A_265 = arith.constant 112 : index
      %parallel_loop3A_266 = tpu.vector_load %arg7[%parallel_loop3A_264, %parallel_loop3A_265] {strides = array<i32>} : memref<200x128xf32, #tpu.memory_space<vmem>>, vector<1x16xf32>,
      %parallel_loop3A_267 = vector.shape_cast %parallel_loop3A_266 : vector<1x16xf32> to vector<16xf32>
      %parallel_loop3A_268 = vector.shape_cast %parallel_loop3A_263 : vector<16xf32> to vector<1x16xf32>
      tpu.vector_store %arg7[%parallel_loop3A_264, %parallel_loop3A_265], %parallel_loop3A_268 {strides = array<i32>} : memref<200x128xf32, #tpu.memory_space<vmem>>, vector<1x16xf32>,
    } {sc.loop_unroll_factor = 2 : i64, sc.parallel_access}
    %add3A_55 = arith.constant 30 : i32
    %add3A_56 = arith.addi %mul3A_2, %add3A_55 : i32
    %dma_start3A_57 = arith.constant 0 : i32
    %dma_start3A_58 = arith.constant 0 : i32
    %dma_start3A_59 = tpu.memref_slice %arg5[%add3A_56, %dma_start3A_57, %dma_start3A_58] : memref<1024x200x128xf32, #tpu.memory_space<hbm>> -> memref<1x200x128xf32, #tpu.memory_space<hbm>>
    %dma_start3A_60 = tpu.memref_squeeze %dma_start3A_59 : memref<1x200x128xf32, #tpu.memory_space<hbm>> -> memref<200x128xf32, #tpu.memory_space<hbm>>
    %dma_start3A_61 = arith.constant 0 : i32
    %dma_start3A_62 = arith.constant 0 : i32
    %dma_start3A_63 = tpu.memref_slice %arg5[%add3A_56, %dma_start3A_61, %dma_start3A_62] : memref<1024x200x128xf32, #tpu.memory_space<hbm>> -> memref<1x200x128xf32, #tpu.memory_space<hbm>>
    %dma_start3A_64 = tpu.memref_squeeze %dma_start3A_63 : memref<1x200x128xf32, #tpu.memory_space<hbm>> -> memref<200x128xf32, #tpu.memory_space<hbm>>
    tpu.enqueue_dma source(%arg7 : memref<200x128xf32, #tpu.memory_space<vmem>>) target(%dma_start3A_64 : memref<200x128xf32, #tpu.memory_space<hbm>>) target_semaphore(%arg14 : memref<!tpu.dma_semaphore, #tpu.memory_space<semaphore_mem>>)
    %add3A_65 = arith.constant 31 : i32
    %add3A_66 = arith.constant 1 : i32
    %add3A_67 = arith.addi %add3A_65, %add3A_66 : i32
    %lt3A_68 = arith.constant 32 : i32
    %lt3A_69 = arith.cmpi slt, %add3A_67, %lt3A_68 : i32
    %convert_element_type3A_70 = arith.extui %lt3A_69 : i1 to i32
    %cond3A_71 = arith.constant 31 : i32
    %cond3A_72 = arith.constant 0 : i32
    %cond3A_73 = arith.cmpi ne, %convert_element_type3A_70, %cond3A_72 : i32
    scf.if %cond3A_73 {
      %ge3A = arith.constant 2 : i32
      %ge3A_140 = arith.cmpi sge, %cond3A_71, %ge3A : i32
      %convert_element_type3A_141 = arith.extui %ge3A_140 : i1 to i32
      %cond3A_142 = arith.constant 0 : i32
      %cond3A_143 = arith.cmpi ne, %convert_element_type3A_141, %cond3A_142 : i32
      scf.if %cond3A_143 {
        %sub3A = arith.constant 2 : i32
        %sub3A_166 = arith.subi %cond3A_71, %sub3A : i32
        %add3A_167 = arith.addi %mul3A_2, %sub3A_166 : i32
        %dma_wait3A_168 = arith.constant 0 : i32
        %dma_wait3A_169 = arith.constant 0 : i32
        %dma_wait3A_170 = tpu.memref_slice %arg5[%add3A_167, %dma_wait3A_168, %dma_wait3A_169] : memref<1024x200x128xf32, #tpu.memory_space<hbm>> -> memref<1x200x128xf32, #tpu.memory_space<hbm>>
        %dma_wait3A_171 = tpu.memref_squeeze %dma_wait3A_170 : memref<1x200x128xf32, #tpu.memory_space<hbm>> -> memref<200x128xf32, #tpu.memory_space<hbm>>
        %dma_wait3A_172 = arith.constant 0 : i32
        %dma_wait3A_173 = arith.constant 0 : i32
        %dma_wait3A_174 = tpu.memref_slice %arg5[%add3A_167, %dma_wait3A_172, %dma_wait3A_173] : memref<1024x200x128xf32, #tpu.memory_space<hbm>> -> memref<1x200x128xf32, #tpu.memory_space<hbm>>
        %dma_wait3A_175 = tpu.memref_squeeze %dma_wait3A_174 : memref<1x200x128xf32, #tpu.memory_space<hbm>> -> memref<200x128xf32, #tpu.memory_space<hbm>>
        tpu.wait_dma2 semaphore(%arg16 : memref<!tpu.dma_semaphore, #tpu.memory_space<semaphore_mem>>) src(%arg9 : memref<200x128xf32, #tpu.memory_space<vmem>>) dst(%dma_wait3A_175 : memref<200x128xf32, #tpu.memory_space<hbm>>)
      } else {
      }
      %add3A_144 = arith.constant 1 : i32
      %add3A_145 = arith.addi %cond3A_71, %add3A_144 : i32
      %mul3A_146 = arith.constant 200 : i32
      %mul3A_147 = arith.muli %add3A_145, %mul3A_146 : i32
      %dma_start3A_148 = arith.constant 0 : i32
      %dma_start3A_149 = arith.constant 0 : i32
      %dma_start3A_150 = tpu.memref_slice %arg9[%dma_start3A_148, %dma_start3A_149] : memref<200x128xf32, #tpu.memory_space<vmem>> -> memref<104x128xf32, #tpu.memory_space<vmem>>
      %dma_start3A_151 = tpu.memref_slice %arg6[%mul3A_147] : memref<6400xi32, #tpu.memory_space<vmem>> -> memref<104xi32, #tpu.memory_space<vmem>>
      %dma_start3A_152 = arith.constant 0 : i32
      %dma_start3A_153 = arith.constant 0 : i32
      %dma_start3A_154 = tpu.memref_slice %arg3[%dma_start3A_152, %dma_start3A_153] : memref<1000000x128xf32, #tpu.memory_space<hbm>> -> memref<1000000x128xf32, #tpu.memory_space<hbm>>
      tpu.enqueue_indirect_dma source(%dma_start3A_154 : memref<1000000x128xf32, #tpu.memory_space<hbm>>) target(%dma_start3A_150 : memref<104x128xf32, #tpu.memory_space<vmem>>) offsets(%dma_start3A_151 : memref<104xi32, #tpu.memory_space<vmem>>) semaphore(%arg13 : memref<!tpu.dma_semaphore, #tpu.memory_space<semaphore_mem>>)
      %mul3A_155 = arith.constant 200 : i32
      %mul3A_156 = arith.muli %add3A_145, %mul3A_155 : i32
      %add3A_157 = arith.constant 104 : i32
      %add3A_158 = arith.addi %mul3A_156, %add3A_157 : i32
      %dma_start3A_159 = arith.constant 104 : i32
      %dma_start3A_160 = arith.constant 0 : i32
      %dma_start3A_161 = tpu.memref_slice %arg9[%dma_start3A_159, %dma_start3A_160] : memref<200x128xf32, #tpu.memory_space<vmem>> -> memref<96x128xf32, #tpu.memory_space<vmem>>
      %dma_start3A_162 = tpu.memref_slice %arg6[%add3A_158] : memref<6400xi32, #tpu.memory_space<vmem>> -> memref<96xi32, #tpu.memory_space<vmem>>
      %dma_start3A_163 = arith.constant 0 : i32
      %dma_start3A_164 = arith.constant 0 : i32
      %dma_start3A_165 = tpu.memref_slice %arg3[%dma_start3A_163, %dma_start3A_164] : memref<1000000x128xf32, #tpu.memory_space<hbm>> -> memref<1000000x128xf32, #tpu.memory_space<hbm>>
      tpu.enqueue_indirect_dma source(%dma_start3A_165 : memref<1000000x128xf32, #tpu.memory_space<hbm>>) target(%dma_start3A_161 : memref<96x128xf32, #tpu.memory_space<vmem>>) offsets(%dma_start3A_162 : memref<96xi32, #tpu.memory_space<vmem>>) semaphore(%arg13 : memref<!tpu.dma_semaphore, #tpu.memory_space<semaphore_mem>>)
    } else {
    }
    %mul3A_74 = arith.constant 31 : i32
    %mul3A_75 = arith.constant 200 : i32
    %mul3A_76 = arith.muli %mul3A_74, %mul3A_75 : i32
    %dma_wait3A_77 = arith.constant 0 : i32
    %dma_wait3A_78 = arith.constant 0 : i32
    %dma_wait3A_79 = tpu.memref_slice %arg8[%dma_wait3A_77, %dma_wait3A_78] : memref<200x128xf32, #tpu.memory_space<vmem>> -> memref<104x128xf32, #tpu.memory_space<vmem>>
    %dma_wait3A_80 = tpu.memref_slice %arg6[%mul3A_76] : memref<6400xi32, #tpu.memory_space<vmem>> -> memref<104xi32, #tpu.memory_space<vmem>>
    %dma_wait3A_81 = arith.constant 0 : i32
    %dma_wait3A_82 = arith.constant 0 : i32
    %dma_wait3A_83 = tpu.memref_slice %arg3[%dma_wait3A_81, %dma_wait3A_82] : memref<1000000x128xf32, #tpu.memory_space<hbm>> -> memref<1000000x128xf32, #tpu.memory_space<hbm>>
    tpu.wait_indirect_dma semaphore(%arg12 : memref<!tpu.dma_semaphore, #tpu.memory_space<semaphore_mem>>) src(%dma_wait3A_83 : memref<1000000x128xf32, #tpu.memory_space<hbm>>) dst(%dma_wait3A_79 : memref<104x128xf32, #tpu.memory_space<vmem>>)
    %mul3A_84 = arith.constant 31 : i32
    %mul3A_85 = arith.constant 200 : i32
    %mul3A_86 = arith.muli %mul3A_84, %mul3A_85 : i32
    %add3A_87 = arith.constant 104 : i32
    %add3A_88 = arith.addi %mul3A_86, %add3A_87 : i32
    %dma_wait3A_89 = arith.constant 104 : i32
    %dma_wait3A_90 = arith.constant 0 : i32
    %dma_wait3A_91 = tpu.memref_slice %arg8[%dma_wait3A_89, %dma_wait3A_90] : memref<200x128xf32, #tpu.memory_space<vmem>> -> memref<96x128xf32, #tpu.memory_space<vmem>>
    %dma_wait3A_92 = tpu.memref_slice %arg6[%add3A_88] : memref<6400xi32, #tpu.memory_space<vmem>> -> memref<96xi32, #tpu.memory_space<vmem>>
    %dma_wait3A_93 = arith.constant 0 : i32
    %dma_wait3A_94 = arith.constant 0 : i32
    %dma_wait3A_95 = tpu.memref_slice %arg3[%dma_wait3A_93, %dma_wait3A_94] : memref<1000000x128xf32, #tpu.memory_space<hbm>> -> memref<1000000x128xf32, #tpu.memory_space<hbm>>
    tpu.wait_indirect_dma semaphore(%arg12 : memref<!tpu.dma_semaphore, #tpu.memory_space<semaphore_mem>>) src(%dma_wait3A_95 : memref<1000000x128xf32, #tpu.memory_space<hbm>>) dst(%dma_wait3A_91 : memref<96x128xf32, #tpu.memory_space<vmem>>)
    %parallel_loop3A_96 = arith.constant 0 : i32
    %parallel_loop3A_97 = arith.constant 200 : i32
    %parallel_loop3A_98 = arith.constant 1 : i32
    %parallel_loop3A_99 = arith.constant 11.3137083 : f32
    scf.for %parallel_loop3A_140 = %parallel_loop3A_96 to %parallel_loop3A_97 step %parallel_loop3A_98  : i32 {
      %parallel_loop3A_141 = arith.index_cast %parallel_loop3A_140 : i32 to index
      %parallel_loop3A_142 = arith.constant 0 : index
      %parallel_loop3A_143 = tpu.vector_load %arg8[%parallel_loop3A_141, %parallel_loop3A_142] {strides = array<i32>} : memref<200x128xf32, #tpu.memory_space<vmem>>, vector<1x16xf32>,
      %parallel_loop3A_144 = vector.shape_cast %parallel_loop3A_143 : vector<1x16xf32> to vector<16xf32>
      %parallel_loop3A_145 = vector.broadcast %parallel_loop3A_99 : f32 to vector<16xf32>
      %parallel_loop3A_146 = arith.mulf %parallel_loop3A_144, %parallel_loop3A_145 : vector<16xf32>
      %parallel_loop3A_147 = arith.index_cast %parallel_loop3A_140 : i32 to index
      %parallel_loop3A_148 = arith.constant 0 : index
      %parallel_loop3A_149 = tpu.vector_load %arg10[%parallel_loop3A_147, %parallel_loop3A_148] {strides = array<i32>} : memref<200x128xf32, #tpu.memory_space<vmem>>, vector<1x16xf32>,
      %parallel_loop3A_150 = vector.shape_cast %parallel_loop3A_149 : vector<1x16xf32> to vector<16xf32>
      %parallel_loop3A_151 = arith.addf %parallel_loop3A_146, %parallel_loop3A_150 : vector<16xf32>
      %parallel_loop3A_152 = arith.index_cast %parallel_loop3A_140 : i32 to index
      %parallel_loop3A_153 = arith.constant 0 : index
      %parallel_loop3A_154 = tpu.vector_load %arg8[%parallel_loop3A_152, %parallel_loop3A_153] {strides = array<i32>} : memref<200x128xf32, #tpu.memory_space<vmem>>, vector<1x16xf32>,
      %parallel_loop3A_155 = vector.shape_cast %parallel_loop3A_154 : vector<1x16xf32> to vector<16xf32>
      %parallel_loop3A_156 = vector.shape_cast %parallel_loop3A_151 : vector<16xf32> to vector<1x16xf32>
      tpu.vector_store %arg8[%parallel_loop3A_152, %parallel_loop3A_153], %parallel_loop3A_156 {strides = array<i32>} : memref<200x128xf32, #tpu.memory_space<vmem>>, vector<1x16xf32>,
      %parallel_loop3A_157 = arith.index_cast %parallel_loop3A_140 : i32 to index
      %parallel_loop3A_158 = arith.constant 16 : index
      %parallel_loop3A_159 = tpu.vector_load %arg8[%parallel_loop3A_157, %parallel_loop3A_158] {strides = array<i32>} : memref<200x128xf32, #tpu.memory_space<vmem>>, vector<1x16xf32>,
      %parallel_loop3A_160 = vector.shape_cast %parallel_loop3A_159 : vector<1x16xf32> to vector<16xf32>
      %parallel_loop3A_161 = vector.broadcast %parallel_loop3A_99 : f32 to vector<16xf32>
      %parallel_loop3A_162 = arith.mulf %parallel_loop3A_160, %parallel_loop3A_161 : vector<16xf32>
      %parallel_loop3A_163 = arith.index_cast %parallel_loop3A_140 : i32 to index
      %parallel_loop3A_164 = arith.constant 16 : index
      %parallel_loop3A_165 = tpu.vector_load %arg10[%parallel_loop3A_163, %parallel_loop3A_164] {strides = array<i32>} : memref<200x128xf32, #tpu.memory_space<vmem>>, vector<1x16xf32>,
      %parallel_loop3A_166 = vector.shape_cast %parallel_loop3A_165 : vector<1x16xf32> to vector<16xf32>
      %parallel_loop3A_167 = arith.addf %parallel_loop3A_162, %parallel_loop3A_166 : vector<16xf32>
      %parallel_loop3A_168 = arith.index_cast %parallel_loop3A_140 : i32 to index
      %parallel_loop3A_169 = arith.constant 16 : index
      %parallel_loop3A_170 = tpu.vector_load %arg8[%parallel_loop3A_168, %parallel_loop3A_169] {strides = array<i32>} : memref<200x128xf32, #tpu.memory_space<vmem>>, vector<1x16xf32>,
      %parallel_loop3A_171 = vector.shape_cast %parallel_loop3A_170 : vector<1x16xf32> to vector<16xf32>
      %parallel_loop3A_172 = vector.shape_cast %parallel_loop3A_167 : vector<16xf32> to vector<1x16xf32>
      tpu.vector_store %arg8[%parallel_loop3A_168, %parallel_loop3A_169], %parallel_loop3A_172 {strides = array<i32>} : memref<200x128xf32, #tpu.memory_space<vmem>>, vector<1x16xf32>,
      %parallel_loop3A_173 = arith.index_cast %parallel_loop3A_140 : i32 to index
      %parallel_loop3A_174 = arith.constant 32 : index
      %parallel_loop3A_175 = tpu.vector_load %arg8[%parallel_loop3A_173, %parallel_loop3A_174] {strides = array<i32>} : memref<200x128xf32, #tpu.memory_space<vmem>>, vector<1x16xf32>,
      %parallel_loop3A_176 = vector.shape_cast %parallel_loop3A_175 : vector<1x16xf32> to vector<16xf32>
      %parallel_loop3A_177 = vector.broadcast %parallel_loop3A_99 : f32 to vector<16xf32>
      %parallel_loop3A_178 = arith.mulf %parallel_loop3A_176, %parallel_loop3A_177 : vector<16xf32>
      %parallel_loop3A_179 = arith.index_cast %parallel_loop3A_140 : i32 to index
      %parallel_loop3A_180 = arith.constant 32 : index
      %parallel_loop3A_181 = tpu.vector_load %arg10[%parallel_loop3A_179, %parallel_loop3A_180] {strides = array<i32>} : memref<200x128xf32, #tpu.memory_space<vmem>>, vector<1x16xf32>,
      %parallel_loop3A_182 = vector.shape_cast %parallel_loop3A_181 : vector<1x16xf32> to vector<16xf32>
      %parallel_loop3A_183 = arith.addf %parallel_loop3A_178, %parallel_loop3A_182 : vector<16xf32>
      %parallel_loop3A_184 = arith.index_cast %parallel_loop3A_140 : i32 to index
      %parallel_loop3A_185 = arith.constant 32 : index
      %parallel_loop3A_186 = tpu.vector_load %arg8[%parallel_loop3A_184, %parallel_loop3A_185] {strides = array<i32>} : memref<200x128xf32, #tpu.memory_space<vmem>>, vector<1x16xf32>,
      %parallel_loop3A_187 = vector.shape_cast %parallel_loop3A_186 : vector<1x16xf32> to vector<16xf32>
      %parallel_loop3A_188 = vector.shape_cast %parallel_loop3A_183 : vector<16xf32> to vector<1x16xf32>
      tpu.vector_store %arg8[%parallel_loop3A_184, %parallel_loop3A_185], %parallel_loop3A_188 {strides = array<i32>} : memref<200x128xf32, #tpu.memory_space<vmem>>, vector<1x16xf32>,
      %parallel_loop3A_189 = arith.index_cast %parallel_loop3A_140 : i32 to index
      %parallel_loop3A_190 = arith.constant 48 : index
      %parallel_loop3A_191 = tpu.vector_load %arg8[%parallel_loop3A_189, %parallel_loop3A_190] {strides = array<i32>} : memref<200x128xf32, #tpu.memory_space<vmem>>, vector<1x16xf32>,
      %parallel_loop3A_192 = vector.shape_cast %parallel_loop3A_191 : vector<1x16xf32> to vector<16xf32>
      %parallel_loop3A_193 = vector.broadcast %parallel_loop3A_99 : f32 to vector<16xf32>
      %parallel_loop3A_194 = arith.mulf %parallel_loop3A_192, %parallel_loop3A_193 : vector<16xf32>
      %parallel_loop3A_195 = arith.index_cast %parallel_loop3A_140 : i32 to index
      %parallel_loop3A_196 = arith.constant 48 : index
      %parallel_loop3A_197 = tpu.vector_load %arg10[%parallel_loop3A_195, %parallel_loop3A_196] {strides = array<i32>} : memref<200x128xf32, #tpu.memory_space<vmem>>, vector<1x16xf32>,
      %parallel_loop3A_198 = vector.shape_cast %parallel_loop3A_197 : vector<1x16xf32> to vector<16xf32>
      %parallel_loop3A_199 = arith.addf %parallel_loop3A_194, %parallel_loop3A_198 : vector<16xf32>
      %parallel_loop3A_200 = arith.index_cast %parallel_loop3A_140 : i32 to index
      %parallel_loop3A_201 = arith.constant 48 : index
      %parallel_loop3A_202 = tpu.vector_load %arg8[%parallel_loop3A_200, %parallel_loop3A_201] {strides = array<i32>} : memref<200x128xf32, #tpu.memory_space<vmem>>, vector<1x16xf32>,
      %parallel_loop3A_203 = vector.shape_cast %parallel_loop3A_202 : vector<1x16xf32> to vector<16xf32>
      %parallel_loop3A_204 = vector.shape_cast %parallel_loop3A_199 : vector<16xf32> to vector<1x16xf32>
      tpu.vector_store %arg8[%parallel_loop3A_200, %parallel_loop3A_201], %parallel_loop3A_204 {strides = array<i32>} : memref<200x128xf32, #tpu.memory_space<vmem>>, vector<1x16xf32>,
      %parallel_loop3A_205 = arith.index_cast %parallel_loop3A_140 : i32 to index
      %parallel_loop3A_206 = arith.constant 64 : index
      %parallel_loop3A_207 = tpu.vector_load %arg8[%parallel_loop3A_205, %parallel_loop3A_206] {strides = array<i32>} : memref<200x128xf32, #tpu.memory_space<vmem>>, vector<1x16xf32>,
      %parallel_loop3A_208 = vector.shape_cast %parallel_loop3A_207 : vector<1x16xf32> to vector<16xf32>
      %parallel_loop3A_209 = vector.broadcast %parallel_loop3A_99 : f32 to vector<16xf32>
      %parallel_loop3A_210 = arith.mulf %parallel_loop3A_208, %parallel_loop3A_209 : vector<16xf32>
      %parallel_loop3A_211 = arith.index_cast %parallel_loop3A_140 : i32 to index
      %parallel_loop3A_212 = arith.constant 64 : index
      %parallel_loop3A_213 = tpu.vector_load %arg10[%parallel_loop3A_211, %parallel_loop3A_212] {strides = array<i32>} : memref<200x128xf32, #tpu.memory_space<vmem>>, vector<1x16xf32>,
      %parallel_loop3A_214 = vector.shape_cast %parallel_loop3A_213 : vector<1x16xf32> to vector<16xf32>
      %parallel_loop3A_215 = arith.addf %parallel_loop3A_210, %parallel_loop3A_214 : vector<16xf32>
      %parallel_loop3A_216 = arith.index_cast %parallel_loop3A_140 : i32 to index
      %parallel_loop3A_217 = arith.constant 64 : index
      %parallel_loop3A_218 = tpu.vector_load %arg8[%parallel_loop3A_216, %parallel_loop3A_217] {strides = array<i32>} : memref<200x128xf32, #tpu.memory_space<vmem>>, vector<1x16xf32>,
      %parallel_loop3A_219 = vector.shape_cast %parallel_loop3A_218 : vector<1x16xf32> to vector<16xf32>
      %parallel_loop3A_220 = vector.shape_cast %parallel_loop3A_215 : vector<16xf32> to vector<1x16xf32>
      tpu.vector_store %arg8[%parallel_loop3A_216, %parallel_loop3A_217], %parallel_loop3A_220 {strides = array<i32>} : memref<200x128xf32, #tpu.memory_space<vmem>>, vector<1x16xf32>,
      %parallel_loop3A_221 = arith.index_cast %parallel_loop3A_140 : i32 to index
      %parallel_loop3A_222 = arith.constant 80 : index
      %parallel_loop3A_223 = tpu.vector_load %arg8[%parallel_loop3A_221, %parallel_loop3A_222] {strides = array<i32>} : memref<200x128xf32, #tpu.memory_space<vmem>>, vector<1x16xf32>,
      %parallel_loop3A_224 = vector.shape_cast %parallel_loop3A_223 : vector<1x16xf32> to vector<16xf32>
      %parallel_loop3A_225 = vector.broadcast %parallel_loop3A_99 : f32 to vector<16xf32>
      %parallel_loop3A_226 = arith.mulf %parallel_loop3A_224, %parallel_loop3A_225 : vector<16xf32>
      %parallel_loop3A_227 = arith.index_cast %parallel_loop3A_140 : i32 to index
      %parallel_loop3A_228 = arith.constant 80 : index
      %parallel_loop3A_229 = tpu.vector_load %arg10[%parallel_loop3A_227, %parallel_loop3A_228] {strides = array<i32>} : memref<200x128xf32, #tpu.memory_space<vmem>>, vector<1x16xf32>,
      %parallel_loop3A_230 = vector.shape_cast %parallel_loop3A_229 : vector<1x16xf32> to vector<16xf32>
      %parallel_loop3A_231 = arith.addf %parallel_loop3A_226, %parallel_loop3A_230 : vector<16xf32>
      %parallel_loop3A_232 = arith.index_cast %parallel_loop3A_140 : i32 to index
      %parallel_loop3A_233 = arith.constant 80 : index
      %parallel_loop3A_234 = tpu.vector_load %arg8[%parallel_loop3A_232, %parallel_loop3A_233] {strides = array<i32>} : memref<200x128xf32, #tpu.memory_space<vmem>>, vector<1x16xf32>,
      %parallel_loop3A_235 = vector.shape_cast %parallel_loop3A_234 : vector<1x16xf32> to vector<16xf32>
      %parallel_loop3A_236 = vector.shape_cast %parallel_loop3A_231 : vector<16xf32> to vector<1x16xf32>
      tpu.vector_store %arg8[%parallel_loop3A_232, %parallel_loop3A_233], %parallel_loop3A_236 {strides = array<i32>} : memref<200x128xf32, #tpu.memory_space<vmem>>, vector<1x16xf32>,
      %parallel_loop3A_237 = arith.index_cast %parallel_loop3A_140 : i32 to index
      %parallel_loop3A_238 = arith.constant 96 : index
      %parallel_loop3A_239 = tpu.vector_load %arg8[%parallel_loop3A_237, %parallel_loop3A_238] {strides = array<i32>} : memref<200x128xf32, #tpu.memory_space<vmem>>, vector<1x16xf32>,
      %parallel_loop3A_240 = vector.shape_cast %parallel_loop3A_239 : vector<1x16xf32> to vector<16xf32>
      %parallel_loop3A_241 = vector.broadcast %parallel_loop3A_99 : f32 to vector<16xf32>
      %parallel_loop3A_242 = arith.mulf %parallel_loop3A_240, %parallel_loop3A_241 : vector<16xf32>
      %parallel_loop3A_243 = arith.index_cast %parallel_loop3A_140 : i32 to index
      %parallel_loop3A_244 = arith.constant 96 : index
      %parallel_loop3A_245 = tpu.vector_load %arg10[%parallel_loop3A_243, %parallel_loop3A_244] {strides = array<i32>} : memref<200x128xf32, #tpu.memory_space<vmem>>, vector<1x16xf32>,
      %parallel_loop3A_246 = vector.shape_cast %parallel_loop3A_245 : vector<1x16xf32> to vector<16xf32>
      %parallel_loop3A_247 = arith.addf %parallel_loop3A_242, %parallel_loop3A_246 : vector<16xf32>
      %parallel_loop3A_248 = arith.index_cast %parallel_loop3A_140 : i32 to index
      %parallel_loop3A_249 = arith.constant 96 : index
      %parallel_loop3A_250 = tpu.vector_load %arg8[%parallel_loop3A_248, %parallel_loop3A_249] {strides = array<i32>} : memref<200x128xf32, #tpu.memory_space<vmem>>, vector<1x16xf32>,
      %parallel_loop3A_251 = vector.shape_cast %parallel_loop3A_250 : vector<1x16xf32> to vector<16xf32>
      %parallel_loop3A_252 = vector.shape_cast %parallel_loop3A_247 : vector<16xf32> to vector<1x16xf32>
      tpu.vector_store %arg8[%parallel_loop3A_248, %parallel_loop3A_249], %parallel_loop3A_252 {strides = array<i32>} : memref<200x128xf32, #tpu.memory_space<vmem>>, vector<1x16xf32>,
      %parallel_loop3A_253 = arith.index_cast %parallel_loop3A_140 : i32 to index
      %parallel_loop3A_254 = arith.constant 112 : index
      %parallel_loop3A_255 = tpu.vector_load %arg8[%parallel_loop3A_253, %parallel_loop3A_254] {strides = array<i32>} : memref<200x128xf32, #tpu.memory_space<vmem>>, vector<1x16xf32>,
      %parallel_loop3A_256 = vector.shape_cast %parallel_loop3A_255 : vector<1x16xf32> to vector<16xf32>
      %parallel_loop3A_257 = vector.broadcast %parallel_loop3A_99 : f32 to vector<16xf32>
      %parallel_loop3A_258 = arith.mulf %parallel_loop3A_256, %parallel_loop3A_257 : vector<16xf32>
      %parallel_loop3A_259 = arith.index_cast %parallel_loop3A_140 : i32 to index
      %parallel_loop3A_260 = arith.constant 112 : index
      %parallel_loop3A_261 = tpu.vector_load %arg10[%parallel_loop3A_259, %parallel_loop3A_260] {strides = array<i32>} : memref<200x128xf32, #tpu.memory_space<vmem>>, vector<1x16xf32>,
      %parallel_loop3A_262 = vector.shape_cast %parallel_loop3A_261 : vector<1x16xf32> to vector<16xf32>
      %parallel_loop3A_263 = arith.addf %parallel_loop3A_258, %parallel_loop3A_262 : vector<16xf32>
      %parallel_loop3A_264 = arith.index_cast %parallel_loop3A_140 : i32 to index
      %parallel_loop3A_265 = arith.constant 112 : index
      %parallel_loop3A_266 = tpu.vector_load %arg8[%parallel_loop3A_264, %parallel_loop3A_265] {strides = array<i32>} : memref<200x128xf32, #tpu.memory_space<vmem>>, vector<1x16xf32>,
      %parallel_loop3A_267 = vector.shape_cast %parallel_loop3A_266 : vector<1x16xf32> to vector<16xf32>
      %parallel_loop3A_268 = vector.shape_cast %parallel_loop3A_263 : vector<16xf32> to vector<1x16xf32>
      tpu.vector_store %arg8[%parallel_loop3A_264, %parallel_loop3A_265], %parallel_loop3A_268 {strides = array<i32>} : memref<200x128xf32, #tpu.memory_space<vmem>>, vector<1x16xf32>,
    } {sc.loop_unroll_factor = 2 : i64, sc.parallel_access}
    %add3A_100 = arith.constant 31 : i32
    %add3A_101 = arith.addi %mul3A_2, %add3A_100 : i32
    %dma_start3A_102 = arith.constant 0 : i32
    %dma_start3A_103 = arith.constant 0 : i32
    %dma_start3A_104 = tpu.memref_slice %arg5[%add3A_101, %dma_start3A_102, %dma_start3A_103] : memref<1024x200x128xf32, #tpu.memory_space<hbm>> -> memref<1x200x128xf32, #tpu.memory_space<hbm>>
    %dma_start3A_105 = tpu.memref_squeeze %dma_start3A_104 : memref<1x200x128xf32, #tpu.memory_space<hbm>> -> memref<200x128xf32, #tpu.memory_space<hbm>>
    %dma_start3A_106 = arith.constant 0 : i32
    %dma_start3A_107 = arith.constant 0 : i32
    %dma_start3A_108 = tpu.memref_slice %arg5[%add3A_101, %dma_start3A_106, %dma_start3A_107] : memref<1024x200x128xf32, #tpu.memory_space<hbm>> -> memref<1x200x128xf32, #tpu.memory_space<hbm>>
    %dma_start3A_109 = tpu.memref_squeeze %dma_start3A_108 : memref<1x200x128xf32, #tpu.memory_space<hbm>> -> memref<200x128xf32, #tpu.memory_space<hbm>>
    tpu.enqueue_dma source(%arg8 : memref<200x128xf32, #tpu.memory_space<vmem>>) target(%dma_start3A_109 : memref<200x128xf32, #tpu.memory_space<hbm>>) target_semaphore(%arg15 : memref<!tpu.dma_semaphore, #tpu.memory_space<semaphore_mem>>)
    %add3A_110 = arith.constant 29 : i32
    %add3A_111 = arith.addi %mul3A_2, %add3A_110 : i32
    %dma_wait3A_112 = arith.constant 0 : i32
    %dma_wait3A_113 = arith.constant 0 : i32
    %dma_wait3A_114 = tpu.memref_slice %arg5[%add3A_111, %dma_wait3A_112, %dma_wait3A_113] : memref<1024x200x128xf32, #tpu.memory_space<hbm>> -> memref<1x200x128xf32, #tpu.memory_space<hbm>>
    %dma_wait3A_115 = tpu.memref_squeeze %dma_wait3A_114 : memref<1x200x128xf32, #tpu.memory_space<hbm>> -> memref<200x128xf32, #tpu.memory_space<hbm>>
    %dma_wait3A_116 = arith.constant 0 : i32
    %dma_wait3A_117 = arith.constant 0 : i32
    %dma_wait3A_118 = tpu.memref_slice %arg5[%add3A_111, %dma_wait3A_116, %dma_wait3A_117] : memref<1024x200x128xf32, #tpu.memory_space<hbm>> -> memref<1x200x128xf32, #tpu.memory_space<hbm>>
    %dma_wait3A_119 = tpu.memref_squeeze %dma_wait3A_118 : memref<1x200x128xf32, #tpu.memory_space<hbm>> -> memref<200x128xf32, #tpu.memory_space<hbm>>
    tpu.wait_dma2 semaphore(%arg16 : memref<!tpu.dma_semaphore, #tpu.memory_space<semaphore_mem>>) src(%arg9 : memref<200x128xf32, #tpu.memory_space<vmem>>) dst(%dma_wait3A_119 : memref<200x128xf32, #tpu.memory_space<hbm>>)
    %add3A_120 = arith.constant 30 : i32
    %add3A_121 = arith.addi %mul3A_2, %add3A_120 : i32
    %dma_wait3A_122 = arith.constant 0 : i32
    %dma_wait3A_123 = arith.constant 0 : i32
    %dma_wait3A_124 = tpu.memref_slice %arg5[%add3A_121, %dma_wait3A_122, %dma_wait3A_123] : memref<1024x200x128xf32, #tpu.memory_space<hbm>> -> memref<1x200x128xf32, #tpu.memory_space<hbm>>
    %dma_wait3A_125 = tpu.memref_squeeze %dma_wait3A_124 : memref<1x200x128xf32, #tpu.memory_space<hbm>> -> memref<200x128xf32, #tpu.memory_space<hbm>>
    %dma_wait3A_126 = arith.constant 0 : i32
    %dma_wait3A_127 = arith.constant 0 : i32
    %dma_wait3A_128 = tpu.memref_slice %arg5[%add3A_121, %dma_wait3A_126, %dma_wait3A_127] : memref<1024x200x128xf32, #tpu.memory_space<hbm>> -> memref<1x200x128xf32, #tpu.memory_space<hbm>>
    %dma_wait3A_129 = tpu.memref_squeeze %dma_wait3A_128 : memref<1x200x128xf32, #tpu.memory_space<hbm>> -> memref<200x128xf32, #tpu.memory_space<hbm>>
    tpu.wait_dma2 semaphore(%arg14 : memref<!tpu.dma_semaphore, #tpu.memory_space<semaphore_mem>>) src(%arg7 : memref<200x128xf32, #tpu.memory_space<vmem>>) dst(%dma_wait3A_129 : memref<200x128xf32, #tpu.memory_space<hbm>>)
    %add3A_130 = arith.constant 31 : i32
    %add3A_131 = arith.addi %mul3A_2, %add3A_130 : i32
    %dma_wait3A_132 = arith.constant 0 : i32
    %dma_wait3A_133 = arith.constant 0 : i32
    %dma_wait3A_134 = tpu.memref_slice %arg5[%add3A_131, %dma_wait3A_132, %dma_wait3A_133] : memref<1024x200x128xf32, #tpu.memory_space<hbm>> -> memref<1x200x128xf32, #tpu.memory_space<hbm>>
    %dma_wait3A_135 = tpu.memref_squeeze %dma_wait3A_134 : memref<1x200x128xf32, #tpu.memory_space<hbm>> -> memref<200x128xf32, #tpu.memory_space<hbm>>
    %dma_wait3A_136 = arith.constant 0 : i32
    %dma_wait3A_137 = arith.constant 0 : i32
    %dma_wait3A_138 = tpu.memref_slice %arg5[%add3A_131, %dma_wait3A_136, %dma_wait3A_137] : memref<1024x200x128xf32, #tpu.memory_space<hbm>> -> memref<1x200x128xf32, #tpu.memory_space<hbm>>
    %dma_wait3A_139 = tpu.memref_squeeze %dma_wait3A_138 : memref<1x200x128xf32, #tpu.memory_space<hbm>> -> memref<200x128xf32, #tpu.memory_space<hbm>>
    tpu.wait_dma2 semaphore(%arg15 : memref<!tpu.dma_semaphore, #tpu.memory_space<semaphore_mem>>) src(%arg8 : memref<200x128xf32, #tpu.memory_space<vmem>>) dst(%dma_wait3A_139 : memref<200x128xf32, #tpu.memory_space<hbm>>)
    return
  }
}

</mosaic_0001>

<sc_bundles>
// kernel: _run.3.cloned.1.call-start
scs
__scs_entry_jumppad:
0x0: {  	(pc) =	sbr.rel $0x88, $3  }
0x1: {  	(tag) =	ssettag $0x0;
	lr =	simm.s32 $0x1  }
0x2: {  	[smem:$0x3F9E] =	sst lr;
	_ =	strace $0xD0000000  }
0x3: {  	_ = 	snop  }
0x4: {  	_ = 	snop  }
0x5: {  	_ = 	snop  }
0x6: {  	_ = 	snop  }
0x7: {  	_ = 	snop  }
__scs_overlays_trampoline_lowered:
0x8: {  	[smem:$0x3FAD] =	sst s0  }
0x9: {  	[smem:$0x3FAE] =	sst s1  }
0xa: {  	[smem:$0x3FAF] =	sst s2  }
0xb: {  	[smem:$0x3FB0] =	sst s3  }
0xc: {  	[smem:$0x3FB1] =	sst s4  }
0xd: {  	[smem:$0x3FB2] =	sst s5  }
0xe: {  	[smem:$0x3FB3] =	sst s6  }
0xf: {  	[smem:$0x3FB4] =	sst s7  }
0x10: {  	[smem:$0x3FB5] =	sst s8  }
0x11: {  	[smem:$0x3FB6] =	sst s9;
	s0 =	simm.s32 @!p0 $0x0  }
0x12: {  	s1 =	sld [smem:$0x3F9C];
	s0 =	simm.s32 @p0 $0x1  }
0x13: {  	[smem:$0x3FB7] =	sst s0;
	s0 =	simm.s32 @!p1 $0x0  }
0x14: {  	s2 =	sld [smem:$0x3F9B];
	s0 =	simm.s32 @p1 $0x1  }
0x15: {  	[smem:$0x3FB8] =	sst s0;
	s0 =	simm.s32 @!p2 $0x0  }
0x16: {  	s3 =	sld [smem:$0x3FDB];
	s0 =	simm.s32 @p2 $0x1  }
0x17: {  	s4 =	simm.s32 $0x1BF5;
	[smem:$0x3FBA] =	sst s0  }
0x18: {  	s0 =	sld [smem:$0x3F9D];
	_ =	swait.ge [sflag:s4], $0x0  }
0x19: {  	s7 =	sld [smem:$0x3F9E]  }
0x1a: {  	s8 =	sadd.s32 $0xFFFFE003, lr  }
0x1b: {  	s9 =	sadd.s32 $0xFFFFFEF7, lr;
	s5 =	simm.s32 $0xFFFFFFFF;
	p2 =	slt.u32 s8, $0xFFFFF086  }
0x1c: {  	p1 =	slt.u32 s9, $0xF7A;
	s5 =	simm.s32 @!p2 $0x0  }
0x1d: {  	s5 =	simm.s32 @p1 $0x1;
	p0 =	seq.s32 s7, s2  }
0x1e: {  	s7 =	smul.u32 @!p0 $0xF7A, s2;
	p2 =	seq.s32 @!p0 s5, $0x0  }
0x1f: {  	s9 =	smul.u32 $0xF7A, s1;
	s8 =	simm.s32 @!p0 $0x1BF5;
	p2 =	por !p2, p0  }
0x20: {  	[sflag:s8] =	ssyncset.s32 @!p0 $0xFFFFF086;
	s6 =	sadd.s32 @!p0 s3, s7;
	s7 =	simm.s32 @!p0 $0x108  }
0x21: {  	s3 =	sadd.s32 s3, s9;
	s6 =	sadd.s32 @!p0 $0x88, s6;
	s7 =	simm.s32 @p2 $0x1082  }
0x22: {  	[simem:s7], [sflag:s8] =	dma.local @!p0 [hbm:s6], $0xF7A  }
0x23: {  	s9 =	sor.u32 $0xD0000000, s2;
	s6 =	simm.s32 $0x108;
	_ =	swait.ge @!p0 [sflag:s8], $0x0  }
0x24: {  	s3 =	sadd.s32 $0x88, s3;
	s6 =	simm.s32 @!p1 $0x1082;
	[sflag:s4] =	ssyncset.s32 $0xFFFFF086  }
0x25: {  	[simem:s6], [sflag:s4] =	dma.local [hbm:s3], $0xF7A  }
0x26: {  	[smem:$0x3F9E] =	sst s1;
	(tag) =	ssettag s2;
	_ =	strace s9  }
0x27: {  	s1 =	sld [smem:$0x3FAE]  }
0x28: {  	s2 =	sld [smem:$0x3FAF]  }
0x29: {  	s4 =	sld [smem:$0x3FB1]  }
0x2a: {  	p0 =	seq.s32 s5, $0x0;
	s5 =	sld [smem:$0x3FB2]  }
0x2b: {  	s6 =	sld [smem:$0x3FB3]  }
0x2c: {  	s7 =	sld [smem:$0x3FB4]  }
0x2d: {  	s3 =	simm.s32 $0x108;
	s8 =	sld [smem:$0x3FB5]  }
0x2e: {  	s3 =	simm.s32 @!p0 $0x1082;
	s9 =	sld [smem:$0x3FB6]  }
0x2f: {  	lr =	sadd.s32 s0, s3;
	s0 =	sld [smem:$0x3FAD]  }
0x30: {  	s3 =	sld [smem:$0x3FB0]  }
0x31: {  	[smem:$0x3FB9] =	sst s10  }
0x32: {  	s10 =	sld [smem:$0x3FB7];
	_ =	sdelay $0x3  }
0x33: {  	p0 =	seq.s32 s10, $0x1;
	s10 =	sld [smem:$0x3FB9];
	_ =	sdelay $0x3  }
0x34: {  	[smem:$0x3FB9] =	sst s10  }
0x35: {  	s10 =	sld [smem:$0x3FB8];
	_ =	sdelay $0x3  }
0x36: {  	p1 =	seq.s32 s10, $0x1;
	s10 =	sld [smem:$0x3FB9];
	_ =	sdelay $0x3  }
0x37: {  	[smem:$0x3FB9] =	sst s10  }
0x38: {  	s10 =	sld [smem:$0x3FBA]  }
0x39: {  	_ = 	snop;
	(pc) =	sbr.ind lr, $3  }
0x3a: {  	_ = 	snop  }
0x3b: {  	_ = 	snop  }
0x3c: {  	p2 =	seq.s32 s10, $0x1;
	s10 =	sld [smem:$0x3FB9]  }
0x3d: {  	_ =	shalt  }
0x3e: {  	_ =	shalt  }
0x3f: {  	_ =	shalt  }
0x40: {  	_ =	shalt  }
0x41: {  	_ =	shalt  }
0x42: {  	_ =	shalt  }
0x43: {  	_ =	shalt  }
0x44: {  	_ =	shalt  }
0x45: {  	_ =	shalt  }
0x46: {  	_ =	shalt  }
0x47: {  	_ =	shalt  }
0x48: {  	_ =	shalt  }
0x49: {  	_ =	shalt  }
0x4a: {  	_ =	shalt  }
0x4b: {  	_ =	shalt  }
0x4c: {  	_ =	shalt  }
0x4d: {  	_ =	shalt  }
0x4e: {  	_ =	shalt  }
0x4f: {  	_ =	shalt  }
0x50: {  	_ =	shalt  }
0x51: {  	_ =	shalt  }
0x52: {  	_ =	shalt  }
0x53: {  	_ =	shalt  }
0x54: {  	_ =	shalt  }
0x55: {  	_ =	shalt  }
0x56: {  	_ =	shalt  }
0x57: {  	_ =	shalt  }
0x58: {  	_ =	shalt  }
0x59: {  	_ =	shalt  }
0x5a: {  	_ =	shalt  }
0x5b: {  	_ =	shalt  }
0x5c: {  	_ =	shalt  }
0x5d: {  	_ =	shalt  }
0x5e: {  	_ =	shalt  }
0x5f: {  	_ =	shalt  }
0x60: {  	_ =	shalt  }
0x61: {  	_ =	shalt  }
0x62: {  	_ =	shalt  }
0x63: {  	_ =	shalt  }
0x64: {  	_ =	shalt  }
0x65: {  	_ =	shalt  }
0x66: {  	_ =	shalt  }
0x67: {  	_ =	shalt  }
0x68: {  	_ =	shalt  }
0x69: {  	_ =	shalt  }
0x6a: {  	_ =	shalt  }
0x6b: {  	_ =	shalt  }
0x6c: {  	_ =	shalt  }
0x6d: {  	_ =	shalt  }
0x6e: {  	_ =	shalt  }
0x6f: {  	_ =	shalt  }
0x70: {  	_ =	shalt  }
0x71: {  	_ =	shalt  }
0x72: {  	_ =	shalt  }
0x73: {  	_ =	shalt  }
0x74: {  	_ =	shalt  }
0x75: {  	_ =	shalt  }
0x76: {  	_ =	shalt  }
0x77: {  	_ =	shalt  }
0x78: {  	_ =	shalt  }
0x79: {  	_ =	shalt  }
0x7a: {  	_ =	shalt  }
0x7b: {  	_ =	shalt  }
0x7c: {  	_ =	shalt  }
0x7d: {  	_ =	shalt  }
0x7e: {  	_ =	shalt  }
0x7f: {  	_ =	shalt  }
0x80: {  	_ =	shalt  }
0x81: {  	_ =	shalt  }
0x82: {  	_ =	shalt  }
0x83: {  	_ =	shalt  }
0x84: {  	_ =	shalt  }
0x85: {  	_ =	shalt  }
0x86: {  	_ =	shalt  }
0x87: {  	_ =	shalt  }
.Lfunc_end0:
.L_simem_size_0:
called_computation_lowered:
.L_overlay_start_0:
0x88: {  	s2 =	sld [smem:$0x3FD9]  }
0x89: {  	s3 =	sld [smem:$0x3FFE];
	_ =	sdelay $0x1  }
0x8a: {  	s1 =	srdreg.scid  }
0x8b: {  	s0 =	sand.u32 $0x1, s1  }
0x8c: {  	s18 =	sshll.u32 s0, $0xA;
	s2 =	sadd.s32 s3, s2  }
0x8d: {  	s2 =	sadd.s32 s2, s18  }
0x8e: {  	[smem:$0x3FC5] =	sst s2  }
0x8f: {  	_ = 	snop  }
0x90: {  	s2 =	sld [smem:$0x3FC9]  }
0x91: {  	s19 =	sld [smem:$0x3FC8]  }
0x92: {  	s4 =	sld [smem:$0x3FC7]  }
0x93: {  	s5 =	sld [smem:$0x3FD0];
	(tm) =	ssettm $0x1  }
0x94: {  	s6 =	sld [smem:$0x3FFB];
	_ =	sdelay $0x3  }
0x95: {  	_ =	strace s6  }
0x96: {  	s6 =	sld [smem:$0x3FFC];
	_ =	sdelay $0x3  }
0x97: {  	_ =	strace s6  }
0x98: {  	s6 =	sld [smem:$0x3FFD];
	_ =	sdelay $0x3  }
0x99: {  	_ =	strace s6  }
0x9a: {  	_ =	strace $0x8FFFFFFF  }
0x9b: {  	s20 =	sld [smem:$0x3FDB];
	_ =	sdelay $0x1  }
0x9c: {  	s7 =	simm.s32 $_scs_section_size  }
0x9d: {  	s8 =	simm.s32 $_size__tile_overlayer_lowered;
	s9 =	simm.s32 $_tile_overlayer_lowered  }
0x9e: {  	s23 =	simm.s32 $0x1BFF;
	s22 =	sshll.u32 s9, $0x1;
	s6 =	sadd.s32 s7, s20  }
0x9f: {  	s10 =	simm.s32 $0x0;
	s21 =	sshll.u32 s8, $0x1;
	s8 =	sadd.s32 s22, s6  }
0xa0: {  	[timem:s10], [sflag:s23] =	dma.local [hbm:s8], s21  }
0xa1: {  	_ =	swait.ge [sflag:s23], s21  }
0xa2: {  	s7 =	ssub.s32 $0x0, s21;
	[sflag:s23] =	ssyncset.done $0x0  }
0xa3: {  	[sflag:s23] =	ssyncadd.s32 s7;
	_ =	sdelay $0x1  }
0xa4: {  	s24 =	simm.s32 $0x1B8B  }
0xa5: {  	_ =	swait.ge [sflag:s24], $0x1  }
0xa6: {  	[sflag:s24] =	ssyncset.done $0x0  }
0xa7: {  	s25 =	simm.s32 $0x1B8E;
	[sflag:s24] =	ssyncadd.s32 $0xFFFFFFFF  }
0xa8: {  	s26 =	simm.s32 $execute0_lowered;
	[smem:$0x3FD2] =	sst s25  }
0xa9: {  	s7 =	sshll.u32 s26, $0x1;
	_ =	strace $0x80000046;
	[dreg:$0x1] =	wrdreg $0xFFFFFFFF  }
0xaa: {  	s28 =	simm.s32 $_size_execute0_lowered;
	s6 =	sadd.s32 s6, s7;
	[dreg:$0x0] =	wrdreg $0x0  }
0xab: {  	s7 =	sshll.u32 s28, $0x1;
	[dreg:$0x2] =	wrdreg s6  }
0xac: {  	[dreg:$0x3] =	wrdreg s7  }
0xad: {  	[dreg:$0x4] =	wrdreg $0xC0  }
0xae: {  	_ =	task [dreg:s10], $0x5FFFF  }
0xaf: {  	[dreg:$0x1] =	wrdreg $0xFFFFFFFF  }
0xb0: {  	[dreg:$0x0] =	wrdreg $0x60  }
0xb1: {  	[dreg:$0x2] =	wrdreg s2  }
0xb2: {  	[dreg:$0x3] =	wrdreg s19  }
0xb3: {  	[dreg:$0x4] =	wrdreg s4  }
0xb4: {  	[dreg:$0x5] =	wrdreg s5  }
0xb5: {  	[dreg:$0x6] =	wrdreg $0x9  }
0xb6: {  	_ =	task.clear_ibuf [dreg:s10], $0x7FFFF;
	_ =	strace $0x90000046  }
0xb7: {  	s29 =	simm.s32 $0x9;
	_ =	strace $0x80000048  }
0xb8: {  	_ =	swait.ge [sflag:s29], $0x1  }
0xb9: {  	[sflag:s29] =	ssyncadd.s32 $0xFFFFFFFF  }
0xba: {  	_ =	strace $0x90000048  }
0xbb: {  	_ =	sfence  }
0xbc: {  	s30 =	sld [smem:$0x0];
	_ =	sdelay $0x2  }
0xbd: {  	s31 =	sshll.u32 s1, $0xD;
	s1 =	sshrl.u32 s1, $0x2  }
0xbe: {  	s3 =	sand.u32 $0x4000, s31;
	s1 =	sadd.s32 s1, s30  }
0xbf: {  	s0 =	sor.u32 s3, s0;
	s1 =	sshll.u32 s1, $0x11  }
0xc0: {  	s0 =	sor.u32 s1, s0  }
0xc1: {  	s0 =	sadd.s32 $0x8F2B, s0  }
0xc2: {  	[sflag:s0] =	ssyncadd.remote.s32 $0x1  }
0xc3: {  	_ =	sfence.sel $0xFFFF  }
0xc4: {  	[dreg:$0x0] =	wrdreg $0xFFFFFFFF;
	(pc) =	sbr.abs _section_cstart, $3  }
0xc5: {  	[dreg:$0x1] =	wrdreg $0xFFFFFFFF  }
0xc6: {  	_ =	task.clear_ibuf [dreg:s10], $0x2FFFF;
	_ =	strace $0x9FFFFFFF  }
0xc7: {  	(tm) =	ssettm $0x7FFFFFFF  }
tec
execute0_lowered:
.L_overlay_start_1:
0x0: {  	(tag) =	ssettag $0x1  }
0x1: {  	s2 =	rddreg [dreg:$0x0]  }
0x2: {  	s0 =	srdreg.scid;
	s1 =	rddreg [dreg:$0x1]  }
0x3: {  	s7 =	stileid.u32;
	s4 =	rddreg [dreg:$0x3];
	s5 =	simm.s32 $0x0  }
0x4: {  	s14 =	simm.s32 $0x68;
	s15 =	simm.s32 $0x1900;
	s16 =	simm.s32 $0x60  }
0x5: {  	s17 =	simm.s32 $0x4D00;
	s19 =	simm.s32 $0x7;
	s20 =	simm.s32 $0x7D00  }
0x6: {  	s21 =	simm.s32 $0xB100;
	s22 =	simm.s32 $0x1;
	s23 =	simm.s32 $0xE100  }
0x7: {  	s24 =	simm.s32 $0x11500;
	s28 =	simm.s32 $0x3;
	s0 =	sand.u32 $0x1, s0  }
0x8: {  	s29 =	simm.s32 $0x5;
	[smem:$0x7FF] =	sst s5;
	s3 =	sshll.u32 s0, $0x4  }
0x9: {  	_ =	strace $0x80000047;
	s0 =	ssub.s32 $0x2, s0;
	s3 =	sor.u32 s7, s3  }
0xa: {  	s9 =	sshrl.u32 s0, $0x1;
	s6 =	sshrl.u32 s3, $0x3;
	s8 =	smul.u32 $0xC8000, s3  }
0xb: {  	s7 =	sshll.u32 s7, $0x7;
	s0 =	ssub.s32 s0, s9;
	s6 =	smul.u32 $0xC800, s6  }
0xc: {  	s7 =	sand.u32 $0x380, s7;
	s0 =	smax.u32 s0, $0x1;
	s25 =	sshrl.u32 s8, $0x3  }
0xd: {  	[dreg:$0x8] =	wrdreg s0;
	s6 =	sor.u32 s7, s6;
	s7 =	sadd.s32 s4, s25  }
0xe: {  	s0 =	simm.s32 $0x0;
	s25 =	simm.s32 $0x2;
	s30 =	sadd.s32 $0x17700, s7  }
0xf: {  	s26 =	sshrl.u32 s6, $0x3;
	s31 =	sadd.s32 $0x18380, s7;
	[dreg:$0x6] =	wrdreg s30  }
0x10: {  	s6 =	sshll.u32 s3, $0x5;
	s2 =	sadd.s32 s2, s26;
	[dreg:$0x7] =	wrdreg s31  }
0x11: {  	s26 =	simm.s32 $0x4;
	[dreg:$0x5] =	wrdreg s2;
	s2 =	simm.s32 $0x6  }
.LBB2_1:
0x12: {  	s3 =	rddreg [dreg:$0x5]  }
0x13: {  	s7 =	simm.s32 $0x80;
	s8 =	simm.s32 $0x400;
	s30 =	simm.s32 $0x8  }
0x14: {  	[tilespmem:s5], [sflag:$0x8] =	stream.strided.gather [hbm4b:s3+s7], $0x1900, s8, s7, $0x38;
	[tilespmem:$0x1A900] =	vst v63  }
0x15: {  	_ =	swait.ge [sflag:s30], $0x1900  }
0x16: {  	[sflag:s30] =	ssyncset.done $0x0  }
0x17: {  	[sflag:s30] =	ssyncadd.s32 $0xFFFFE700  }
0x18: {  	[tilespmem:s15], [sflag:$0x1] =	stream.indirect.gather [hbm4b:s1+s14], $0x80, s5, s14, $0xb8;
	[tilespmem:$0x1A900] =	vst v63  }
0x19: {  	_ = 	snop  }
0x1a: {  	[tilespmem:s17], [sflag:$0x1] =	stream.indirect.gather [hbm4b:s1+s16], $0x80, s14, s16, $0xb8;
	[tilespmem:$0x1A900] =	vst v63  }
0x1b: {  	s31 =	simm.s32 $0x14500;
	s3 =	rddreg [dreg:$0x2]  }
0x1c: {  	[tilespmem:s31], [sflag:$0x7] =	stream.linear.gather [hbm4b:s3+s5], $0x6400, $0x38;
	[tilespmem:$0x1A900] =	vst v63  }
0x1d: {  	_ =	swait.ge [sflag:s19], $0x6400  }
0x1e: {  	[sflag:s19] =	ssyncset.done $0x0  }
0x1f: {  	s3 =	simm.s32 $0x0;
	[sflag:s19] =	ssyncadd.s32 $0xFFFF9C00  }
.LBB2_2:
0x20: {  	s12 =	smul.u32 $0x3, s3  }
0x21: {  	p0 =	seq.s32 s3, $0x0  }
0x22: {  	s7 =	simm.s32 @!p0 $0x5;
	s11 =	sadd.s32 $0x1, s12  }
0x23: {  	_ =	swait.ge @!p0 [sflag:s7], $0x6400;
	s8 =	smul.u32 $0x320, s11  }
0x24: {  	[sflag:s7] =	ssyncset.done @!p0 $0x0  }
0x25: {  	[sflag:s7] =	ssyncadd.s32 @!p0 $0xFFFF9C00;
	s18 =	sshra.s32 s8, $0x2  }
0x26: {  	[tilespmem:s20], [sflag:$0x2] =	stream.indirect.gather [hbm4b:s1+s14], $0x80, s18, s14, $0xb8;
	[tilespmem:$0x1A900] =	vst v63  }
0x27: {  	s7 =	sadd.s32 $0x68, s18  }
0x28: {  	[tilespmem:s21], [sflag:$0x2] =	stream.indirect.gather [hbm4b:s1+s16], $0x80, s7, s16, $0xb8;
	[tilespmem:$0x1A900] =	vst v63  }
0x29: {  	_ =	swait.ge [sflag:s22], $0x3400  }
0x2a: {  	[sflag:s22] =	ssyncset.done $0x0  }
0x2b: {  	[sflag:s22] =	ssyncadd.s32 $0xFFFFCC00  }
0x2c: {  	_ =	swait.ge [sflag:s22], $0x3000  }
0x2d: {  	[sflag:s22] =	ssyncset.done $0x0  }
0x2e: {  	s18 =	simm.s32 $0x1980;
	[sflag:s22] =	ssyncadd.s32 $0xFFFFD000  }
0x2f: {  	v0 =	vld [tilespmem:s18+$0x0]  }
0x30: {  	s9 =	simm.s32 $0x14580  }
0x31: {  	v1 =	vld [tilespmem:s9+$0x0];
	_ =	sdelay $0x2  }
0x32: {  	v2 =	vld [tilespmem:s18+$0xFFFFFF80];
	v0 =	vmul.f32 $1.131370830e+01, v0;
	_ =	sdelay $0x1  }
0x33: {  	v3 =	vld [tilespmem:s9+$0xFFFFFF80];
	v0 =	vadd.f32 v1, v0  }
0x34: {  	v1 =	vld [tilespmem:s18+$0x10]  }
0x35: {  	[tilespmem:s18+$0x0] =	vst v0  }
0x36: {  	v0 =	vmul.f32 $1.131370830e+01, v2;
	v2 =	vld [tilespmem:s9+$0x10];
	_ =	sdelay $0x1  }
0x37: {  	v0 =	vadd.f32 v3, v0  }
0x38: {  	v4 =	vld [tilespmem:s18+$0xFFFFFF90];
	v1 =	vmul.f32 $1.131370830e+01, v1  }
0x39: {  	[tilespmem:s18+$0xFFFFFF80] =	vst v0  }
0x3a: {  	v0 =	vld [tilespmem:s9+$0xFFFFFF90];
	v1 =	vadd.f32 v2, v1  }
0x3b: {  	v2 =	vld [tilespmem:s18+$0x20]  }
0x3c: {  	v5 =	vld [tilespmem:s18+$0xFFFFFFA0];
	[tilespmem:s18+$0x10] =	vst v1  }
0x3d: {  	v1 =	vmul.f32 $1.131370830e+01, v4;
	v4 =	vld [tilespmem:s9+$0x20]  }
0x3e: {  	v6 =	vld [tilespmem:s18+$0xFFFFFFC0]  }
0x3f: {  	s30 =	simm.s32 $0x1A80;
	v7 =	vld [tilespmem:s18+$0xFFFFFFD0]  }
0x40: {  	s31 =	simm.s32 $0x14680;
	v8 =	vld [tilespmem:s30+$0x0];
	v0 =	vadd.f32 v0, v1;
	v1 =	vmul.f32 $1.131370830e+01, v2  }
0x41: {  	v9 =	vld [tilespmem:s31+$0x0]  }
0x42: {  	v10 =	vld [tilespmem:s31+$0xFFFFFF80];
	v1 =	vadd.f32 v4, v1  }
0x43: {  	v2 =	vld [tilespmem:s18+$0x30];
	[tilespmem:s18+$0xFFFFFF90] =	vst v0  }
0x44: {  	v0 =	vld [tilespmem:s9+$0xFFFFFFA0];
	[tilespmem:s18+$0x20] =	vst v1  }
0x45: {  	v4 =	vld [tilespmem:s9+$0x30]  }
0x46: {  	v12 =	vld [tilespmem:s30+$0xFFFFFF90]  }
0x47: {  	v13 =	vld [tilespmem:s30+$0xFFFFFFA0];
	v5 =	vmul.f32 $1.131370830e+01, v5  }
0x48: {  	s8 =	simm.s32 $0x14780;
	v14 =	vld [tilespmem:s18+$0x70];
	v2 =	vmul.f32 $1.131370830e+01, v2  }
0x49: {  	s7 =	simm.s32 $0x1B80;
	v15 =	vld [tilespmem:s8+$0x0];
	v5 =	vadd.f32 v0, v5  }
0x4a: {  	v17 =	vld [tilespmem:s7+$0xFFFFFF80];
	v2 =	vadd.f32 v4, v2  }
0x4b: {  	[tilespmem:s18+$0xFFFFFFA0] =	vst v5;
	v5 =	vmul.f32 $1.131370830e+01, v8;
	v8 =	vld [tilespmem:s18+$0x40]  }
0x4c: {  	[tilespmem:s18+$0x30] =	vst v2;
	v2 =	vld [tilespmem:s30+$0xFFFFFF80]  }
0x4d: {  	v5 =	vadd.f32 v9, v5;
	v11 =	vld [tilespmem:s9+$0x40]  }
0x4e: {  	v9 =	vld [tilespmem:s30+$0x10]  }
0x4f: {  	v18 =	vld [tilespmem:s8+$0xFFFFFF80];
	[tilespmem:s30+$0x0] =	vst v5  }
0x50: {  	v5 =	vld [tilespmem:s31+$0x10];
	v8 =	vmul.f32 $1.131370830e+01, v8  }
0x51: {  	v3 =	vld [tilespmem:s18+$0xFFFFFFB0];
	v2 =	vmul.f32 $1.131370830e+01, v2  }
0x52: {  	v19 =	vld [tilespmem:s7+$0xFFFFFF90];
	v8 =	vadd.f32 v11, v8  }
0x53: {  	v4 =	vld [tilespmem:s9+$0xFFFFFFB0];
	v9 =	vmul.f32 $1.131370830e+01, v9;
	v2 =	vadd.f32 v10, v2  }
0x54: {  	v54 =	vld [tilespmem:s7+$0x10];
	[tilespmem:s18+$0x40] =	vst v8  }
0x55: {  	v5 =	vadd.f32 v5, v9;
	v8 =	vld [tilespmem:s30+$0x20];
	[tilespmem:s30+$0xFFFFFF80] =	vst v2  }
0x56: {  	v2 =	vmul.f32 $1.131370830e+01, v3;
	v3 =	vld [tilespmem:s31+$0xFFFFFF90]  }
0x57: {  	v11 =	vld [tilespmem:s18+$0x50];
	[tilespmem:s30+$0x10] =	vst v5  }
0x58: {  	v9 =	vld [tilespmem:s31+$0x20];
	v2 =	vadd.f32 v4, v2  }
0x59: {  	v5 =	vmul.f32 $1.131370830e+01, v12;
	v4 =	vld [tilespmem:s9+$0x50]  }
0x5a: {  	v57 =	vld [tilespmem:s7+$0x20];
	[tilespmem:s18+$0xFFFFFFB0] =	vst v2  }
0x5b: {  	v8 =	vmul.f32 $1.131370830e+01, v8;
	v12 =	vld [tilespmem:s9+$0xFFFFFFC0];
	v3 =	vadd.f32 v3, v5  }
0x5c: {  	v59 =	vld [tilespmem:s7+$0xFFFFFFD0];
	v11 =	vmul.f32 $1.131370830e+01, v11  }
0x5d: {  	v8 =	vadd.f32 v9, v8;
	v9 =	vld [tilespmem:s30+$0x30];
	[tilespmem:s30+$0xFFFFFF90] =	vst v3  }
0x5e: {  	v6 =	vmul.f32 $1.131370830e+01, v6;
	v4 =	vadd.f32 v4, v11;
	v3 =	vld [tilespmem:s31+$0xFFFFFFA0]  }
0x5f: {  	v62 =	vld [tilespmem:s7+$0x30];
	[tilespmem:s30+$0x20] =	vst v8  }
0x60: {  	[tilespmem:s18+$0x50] =	vst v4;
	v4 =	vadd.f32 v12, v6;
	v6 =	vld [tilespmem:s31+$0x30]  }
0x61: {  	v1 =	vld [tilespmem:s18+$0xFFFFFFE0];
	v8 =	vmul.f32 $1.131370830e+01, v13  }
0x62: {  	v0 =	vld [tilespmem:s18+$0xFFFFFFF0]  }
0x63: {  	v10 =	vld [tilespmem:s30+$0xFFFFFFB0];
	v3 =	vadd.f32 v3, v8;
	v8 =	vmul.f32 $1.131370830e+01, v9  }
0x64: {  	v2 =	vld [tilespmem:s30+$0xFFFFFFC0]  }
0x65: {  	v5 =	vld [tilespmem:s30+$0xFFFFFFD0];
	[tilespmem:s30+$0xFFFFFFA0] =	vst v3;
	v3 =	vadd.f32 v6, v8  }
0x66: {  	v8 =	vld [tilespmem:s7+$0x0]  }
0x67: {  	[tilespmem:s30+$0x30] =	vst v3;
	v3 =	vld [tilespmem:s30+$0x40]  }
0x68: {  	v11 =	vld [tilespmem:s18+$0x60]  }
0x69: {  	v16 =	vld [tilespmem:s31+$0x40]  }
0x6a: {  	v13 =	vld [tilespmem:s30+$0xFFFFFFE0]  }
0x6b: {  	v12 =	vld [tilespmem:s9+$0x60];
	[tilespmem:s18+$0xFFFFFFC0] =	vst v4;
	v8 =	vmul.f32 $1.131370830e+01, v8  }
0x6c: {  	v4 =	vld [tilespmem:s9+$0xFFFFFFD0];
	v3 =	vmul.f32 $1.131370830e+01, v3  }
0x6d: {  	v6 =	vld [tilespmem:s31+$0xFFFFFFB0];
	v8 =	vadd.f32 v15, v8  }
0x6e: {  	v11 =	vmul.f32 $1.131370830e+01, v11;
	v9 =	vld [tilespmem:s30+$0xFFFFFFF0];
	v3 =	vadd.f32 v16, v3  }
0x6f: {  	v17 =	vmul.f32 $1.131370830e+01, v17;
	[tilespmem:s7+$0x0] =	vst v8;
	v8 =	vld [tilespmem:s30+$0x50]  }
0x70: {  	v10 =	vmul.f32 $1.131370830e+01, v10;
	v11 =	vadd.f32 v12, v11;
	[tilespmem:s30+$0x40] =	vst v3;
	v3 =	vld [tilespmem:s8+$0x10]  }
0x71: {  	v7 =	vmul.f32 $1.131370830e+01, v7;
	v12 =	vadd.f32 v18, v17;
	v55 =	vld [tilespmem:s31+$0x50]  }
0x72: {  	[tilespmem:s18+$0x60] =	vst v11;
	v11 =	vld [tilespmem:s7+$0xFFFFFFB0];
	v6 =	vadd.f32 v6, v10  }
0x73: {  	[tilespmem:s7+$0xFFFFFF80] =	vst v12;
	v12 =	vld [tilespmem:s7+$0xFFFFFFC0];
	v4 =	vadd.f32 v4, v7;
	v16 =	vmul.f32 $1.131370830e+01, v54  }
0x74: {  	[tilespmem:s30+$0xFFFFFFB0] =	vst v6;
	v6 =	vld [tilespmem:s8+$0xFFFFFF90];
	v8 =	vmul.f32 $1.131370830e+01, v8  }
0x75: {  	[tilespmem:s18+$0xFFFFFFD0] =	vst v4;
	v56 =	vld [tilespmem:s31+$0xFFFFFFC0];
	v3 =	vadd.f32 v3, v16  }
0x76: {  	v4 =	vld [tilespmem:s9+$0xFFFFFFE0];
	v8 =	vadd.f32 v55, v8  }
0x77: {  	v58 =	vmul.f32 $1.131370830e+01, v19;
	[tilespmem:s7+$0x10] =	vst v3;
	v3 =	vld [tilespmem:s30+$0x60]  }
0x78: {  	v2 =	vmul.f32 $1.131370830e+01, v2;
	[tilespmem:s30+$0x50] =	vst v8;
	v7 =	vld [tilespmem:s8+$0x20]  }
0x79: {  	v6 =	vadd.f32 v6, v58;
	v8 =	vld [tilespmem:s31+$0x60]  }
0x7a: {  	v15 =	vld [tilespmem:s7+$0xFFFFFFA0];
	v2 =	vadd.f32 v56, v2  }
0x7b: {  	v60 =	vmul.f32 $1.131370830e+01, v57;
	v10 =	vld [tilespmem:s9+$0x70];
	[tilespmem:s7+$0xFFFFFF90] =	vst v6  }
0x7c: {  	[tilespmem:s30+$0xFFFFFFC0] =	vst v2;
	v2 =	vld [tilespmem:s8+$0xFFFFFFA0];
	v3 =	vmul.f32 $1.131370830e+01, v3  }
0x7d: {  	v61 =	vld [tilespmem:s31+$0xFFFFFFD0];
	v7 =	vadd.f32 v7, v60  }
0x7e: {  	v1 =	vmul.f32 $1.131370830e+01, v1;
	v6 =	vld [tilespmem:s7+$0xFFFFFFE0];
	v3 =	vadd.f32 v8, v3  }
0x7f: {  	v8 =	vmul.f32 $1.131370830e+01, v15;
	v15 =	vld [tilespmem:s30+$0x70];
	[tilespmem:s7+$0x20] =	vst v7  }
0x80: {  	v1 =	vadd.f32 v4, v1;
	v4 =	vmul.f32 $1.131370830e+01, v5;
	[tilespmem:s30+$0x60] =	vst v3;
	v63 =	vld [tilespmem:s8+$0x30]  }
0x81: {  	v0 =	vmul.f32 $1.131370830e+01, v0;
	v3 =	vmul.f32 $1.131370830e+01, v14;
	v14 =	vadd.f32 v2, v8;
	v7 =	vld [tilespmem:s31+$0x70]  }
0x82: {  	v5 =	vmul.f32 $1.131370830e+01, v11;
	[tilespmem:s18+$0xFFFFFFE0] =	vst v1;
	v2 =	vmul.f32 $1.131370830e+01, v13;
	v13 =	vadd.f32 v61, v4;
	v8 =	vld [tilespmem:s7+$0xFFFFFFF0]  }
0x83: {  	v1 =	vmul.f32 $1.131370830e+01, v9;
	v9 =	vld [tilespmem:s9+$0xFFFFFFF0];
	v10 =	vadd.f32 v10, v3;
	[tilespmem:s7+$0xFFFFFFA0] =	vst v14;
	v14 =	vmul.f32 $1.131370830e+01, v62  }
0x84: {  	v4 =	vmul.f32 $1.131370830e+01, v12;
	[tilespmem:s30+$0xFFFFFFD0] =	vst v13;
	v12 =	vld [tilespmem:s8+$0xFFFFFFB0];
	v11 =	vmul.f32 $1.131370830e+01, v15  }
0x85: {  	s10 =	simm.s32 $0x4;
	s13 =	simm.s32 $0x1C80;
	s9 =	simm.s32 $0x14780;
	v6 =	vmul.f32 $1.131370830e+01, v6;
	v3 =	vmul.f32 $1.131370830e+01, v59;
	[tilespmem:s18+$0x70] =	vst v10;
	v10 =	vld [tilespmem:s31+$0xFFFFFFE0];
	v13 =	vadd.f32 v63, v14  }
.LBB2_3:
0x86: {  	v14 =	vld [tilespmem:s13+$0x0];
	v7 =	vadd.f32 v7, v11  }
0x87: {  	s10 =	sadd.s32 $0x2, s10;
	s8 =	sadd.s32 $0x100, s8;
	v8 =	vmul.f32 $1.131370830e+01, v8;
	[tilespmem:s7+$0x30] =	vst v13;
	v11 =	vld [tilespmem:s7+$0x40]  }
0x88: {  	p1 =	slt.u32 s10, $0xC6;
	v13 =	vld [tilespmem:s8+$0x0];
	[tilespmem:s30+$0x70] =	vst v7;
	v7 =	vadd.f32 v9, v0;
	v0 =	vmov v1  }
0x89: {  	v5 =	vadd.f32 v12, v5;
	v9 =	vld [tilespmem:s9+$0x40];
	v1 =	vmov v8  }
0x8a: {  	v8 =	vld [tilespmem:s13+$0xFFFFFF80];
	v10 =	vadd.f32 v10, v2;
	[tilespmem:s18+$0xFFFFFFF0] =	vst v7;
	v2 =	vmov v6;
	s18 =	smov.u32 s30;
	s30 =	smov.u32 s7;
	s7 =	smov.u32 s13  }
0x8b: {  	v6 =	vld [tilespmem:s8+$0xFFFFFF80];
	v7 =	vmul.f32 $1.131370830e+01, v14;
	[tilespmem:s30+$0xFFFFFFB0] =	vst v5  }
0x8c: {  	v5 =	vld [tilespmem:s13+$0xFFFFFF90];
	v11 =	vmul.f32 $1.131370830e+01, v11;
	[tilespmem:s18+$0xFFFFFFE0] =	vst v10  }
0x8d: {  	v10 =	vld [tilespmem:s13+$0xFFFFFFA0];
	v7 =	vadd.f32 v13, v7  }
0x8e: {  	v12 =	vld [tilespmem:s13+$0x10];
	v9 =	vadd.f32 v9, v11  }
0x8f: {  	v8 =	vmul.f32 $1.131370830e+01, v8;
	[tilespmem:s13+$0x0] =	vst v7;
	v7 =	vld [tilespmem:s30+$0x50]  }
0x90: {  	v11 =	vld [tilespmem:s8+$0x10];
	[tilespmem:s30+$0x40] =	vst v9  }
0x91: {  	v6 =	vadd.f32 v6, v8;
	v8 =	vmul.f32 $1.131370830e+01, v5;
	v5 =	vld [tilespmem:s9+$0x50]  }
0x92: {  	v9 =	vmul.f32 $1.131370830e+01, v10;
	v10 =	vld [tilespmem:s13+$0xFFFFFFB0]  }
0x93: {  	[tilespmem:s13+$0xFFFFFF80] =	vst v6;
	v6 =	vld [tilespmem:s13+$0xFFFFFFC0];
	v12 =	vmul.f32 $1.131370830e+01, v12  }
0x94: {  	v13 =	vld [tilespmem:s8+$0xFFFFFF90];
	v7 =	vmul.f32 $1.131370830e+01, v7  }
0x95: {  	v11 =	vadd.f32 v11, v12;
	v12 =	vld [tilespmem:s9+$0xFFFFFFC0]  }
0x96: {  	v14 =	vld [tilespmem:s13+$0x20];
	v7 =	vadd.f32 v5, v7  }
0x97: {  	v5 =	vmul.f32 $1.131370830e+01, v10;
	[tilespmem:s13+$0x10] =	vst v11;
	v10 =	vld [tilespmem:s30+$0x60]  }
0x98: {  	v6 =	vmul.f32 $1.131370830e+01, v6;
	v11 =	vld [tilespmem:s8+$0x20];
	[tilespmem:s30+$0x50] =	vst v7  }
0x99: {  	v7 =	vadd.f32 v13, v8;
	v8 =	vld [tilespmem:s9+$0x60]  }
0x9a: {  	v13 =	vld [tilespmem:s13+$0xFFFFFFD0];
	v12 =	vadd.f32 v12, v4;
	v4 =	vmov v6  }
0x9b: {  	[tilespmem:s13+$0xFFFFFF90] =	vst v7;
	v6 =	vld [tilespmem:s13+$0xFFFFFFE0];
	v7 =	vmul.f32 $1.131370830e+01, v14  }
0x9c: {  	v14 =	vld [tilespmem:s8+$0xFFFFFFA0];
	[tilespmem:s30+$0xFFFFFFC0] =	vst v12;
	v10 =	vmul.f32 $1.131370830e+01, v10  }
0x9d: {  	v7 =	vadd.f32 v11, v7;
	v11 =	vld [tilespmem:s9+$0xFFFFFFD0]  }
0x9e: {  	v12 =	vld [tilespmem:s13+$0x30];
	v8 =	vadd.f32 v8, v10  }
0x9f: {  	v10 =	vmul.f32 $1.131370830e+01, v13;
	[tilespmem:s13+$0x20] =	vst v7;
	v13 =	vld [tilespmem:s30+$0x70]  }
0xa0: {  	v6 =	vmul.f32 $1.131370830e+01, v6;
	v15 =	vld [tilespmem:s8+$0x30];
	[tilespmem:s30+$0x60] =	vst v8  }
.Ltmp0:
0xa1: {  	v9 =	vadd.f32 v14, v9;
	v7 =	vld [tilespmem:s9+$0x70];
	(pc) =	sbr.rel @p1 .LBB2_3-.Ltmp0, $4  }
0xa2: {  	v8 =	vld [tilespmem:s13+$0xFFFFFFF0];
	v11 =	vadd.f32 v11, v3;
	v3 =	vmov v10  }
0xa3: {  	[tilespmem:s13+$0xFFFFFFA0] =	vst v9;
	v10 =	vmul.f32 $1.131370830e+01, v12;
	v9 =	vld [tilespmem:s31+$0xFFFFFFF0];
	s31 =	smov.u32 s9;
	s9 =	smov.u32 s8  }
0xa4: {  	v12 =	vld [tilespmem:s8+$0xFFFFFFB0];
	[tilespmem:s30+$0xFFFFFFD0] =	vst v11;
	v11 =	vmul.f32 $1.131370830e+01, v13  }
0xa5: {  	s13 =	sadd.s32 $0x100, s13;
	v13 =	vadd.f32 v15, v10;
	v10 =	vld [tilespmem:s31+$0xFFFFFFE0]  }
0xa6: {  	_ =	sdelay $0x2  }
0xa7: {  	[tilespmem:s7+$0x30] =	vst v13;
	v13 =	vld [tilespmem:s7+$0x40];
	v5 =	vadd.f32 v12, v5;
	_ =	sdelay $0x1  }
0xa8: {  	v12 =	vld [tilespmem:s9+$0x40];
	[tilespmem:s7+$0xFFFFFFB0] =	vst v5  }
0xa9: {  	v5 =	vld [tilespmem:s9+$0xFFFFFFC0];
	_ =	sdelay $0x1  }
0xaa: {  	v13 =	vmul.f32 $1.131370830e+01, v13;
	_ =	sdelay $0x1  }
0xab: {  	v12 =	vadd.f32 v12, v13  }
0xac: {  	v13 =	vld [tilespmem:s7+$0x50];
	v4 =	vadd.f32 v5, v4  }
0xad: {  	[tilespmem:s7+$0x40] =	vst v12  }
0xae: {  	v5 =	vld [tilespmem:s9+$0x50];
	[tilespmem:s7+$0xFFFFFFC0] =	vst v4  }
0xaf: {  	v4 =	vld [tilespmem:s9+$0xFFFFFFD0];
	_ =	sdelay $0x1  }
0xb0: {  	v12 =	vmul.f32 $1.131370830e+01, v13;
	_ =	sdelay $0x1  }
0xb1: {  	v5 =	vadd.f32 v5, v12  }
0xb2: {  	v12 =	vld [tilespmem:s7+$0x60];
	v3 =	vadd.f32 v4, v3  }
0xb3: {  	[tilespmem:s7+$0x50] =	vst v5  }
0xb4: {  	v4 =	vld [tilespmem:s9+$0x60];
	[tilespmem:s7+$0xFFFFFFD0] =	vst v3  }
0xb5: {  	v3 =	vld [tilespmem:s9+$0xFFFFFFE0];
	_ =	sdelay $0x1  }
0xb6: {  	v5 =	vmul.f32 $1.131370830e+01, v12  }
0xb7: {  	v2 =	vadd.f32 v10, v2  }
0xb8: {  	v4 =	vadd.f32 v4, v5  }
0xb9: {  	[tilespmem:s30+$0xFFFFFFE0] =	vst v2;
	v5 =	vld [tilespmem:s7+$0x70];
	v3 =	vadd.f32 v3, v6  }
0xba: {  	[tilespmem:s7+$0x60] =	vst v4;
	v4 =	vld [tilespmem:s31+$0xFFFFFFF0]  }
0xbb: {  	v2 =	vld [tilespmem:s9+$0x70];
	[tilespmem:s7+$0xFFFFFFE0] =	vst v3  }
0xbc: {  	v3 =	vld [tilespmem:s9+$0xFFFFFFF0]  }
0xbd: {  	v0 =	vadd.f32 v9, v0  }
0xbe: {  	v6 =	vadd.f32 v7, v11;
	v5 =	vmul.f32 $1.131370830e+01, v5  }
0xbf: {  	[tilespmem:s18+$0xFFFFFFF0] =	vst v0;
	v7 =	vmul.f32 $1.131370830e+01, v8;
	v0 =	vadd.f32 v4, v1  }
0xc0: {  	s8 =	sadd.s32 s6, s12;
	[tilespmem:s30+$0x70] =	vst v6;
	v2 =	vadd.f32 v2, v5  }
0xc1: {  	s8 =	smul.u32 $0xC80, s8;
	[tilespmem:s30+$0xFFFFFFF0] =	vst v0;
	v1 =	vadd.f32 v3, v7  }
0xc2: {  	[tilespmem:s7+$0x70] =	vst v2  }
0xc3: {  	s12 =	sadd.s32 $0x2, s12;
	s8 =	sadd.s32 s4, s8;
	[tilespmem:s7+$0xFFFFFFF0] =	vst v1;
	s7 =	simm.s32 @!p0 $0x6  }
0xc4: {  	[hbm4b:s8+s5] =	stream.linear.scatter [tilespmem:s15], [sflag:$0x4], $0x6400, $0x38;
	[tilespmem:$0x1A900] =	vst v63  }
0xc5: {  	s9 =	smul.u32 $0x320, s12;
	_ =	swait.ge @!p0 [sflag:s7], $0x6400  }
0xc6: {  	[sflag:s7] =	ssyncset.done @!p0 $0x0  }
0xc7: {  	s10 =	sshra.s32 s9, $0x2;
	[sflag:s7] =	ssyncadd.s32 @!p0 $0xFFFF9C00  }
0xc8: {  	[tilespmem:s23], [sflag:$0x3] =	stream.indirect.gather [hbm4b:s1+s14], $0x80, s10, s14, $0xb8;
	[tilespmem:$0x1A900] =	vst v63  }
0xc9: {  	s7 =	sadd.s32 $0x68, s10  }
0xca: {  	[tilespmem:s24], [sflag:$0x3] =	stream.indirect.gather [hbm4b:s1+s16], $0x80, s7, s16, $0xb8;
	[tilespmem:$0x1A900] =	vst v63  }
0xcb: {  	_ =	swait.ge [sflag:s25], $0x3400  }
0xcc: {  	[sflag:s25] =	ssyncset.done $0x0  }
0xcd: {  	[sflag:s25] =	ssyncadd.s32 $0xFFFFCC00  }
0xce: {  	_ =	swait.ge [sflag:s25], $0x3000  }
0xcf: {  	[sflag:s25] =	ssyncset.done $0x0  }
0xd0: {  	s18 =	simm.s32 $0x7D80;
	[sflag:s25] =	ssyncadd.s32 $0xFFFFD000  }
0xd1: {  	v0 =	vld [tilespmem:s18+$0x0]  }
0xd2: {  	s13 =	simm.s32 $0x14580  }
0xd3: {  	v1 =	vld [tilespmem:s13+$0x0];
	_ =	sdelay $0x2  }
0xd4: {  	v2 =	vld [tilespmem:s18+$0xFFFFFF80];
	v0 =	vmul.f32 $1.131370830e+01, v0;
	_ =	sdelay $0x1  }
0xd5: {  	v3 =	vld [tilespmem:s13+$0xFFFFFF80];
	v0 =	vadd.f32 v1, v0  }
0xd6: {  	v1 =	vld [tilespmem:s18+$0x10]  }
0xd7: {  	[tilespmem:s18+$0x0] =	vst v0  }
0xd8: {  	v0 =	vmul.f32 $1.131370830e+01, v2;
	v2 =	vld [tilespmem:s13+$0x10];
	_ =	sdelay $0x1  }
0xd9: {  	v0 =	vadd.f32 v3, v0  }
0xda: {  	v4 =	vld [tilespmem:s18+$0xFFFFFF90];
	v1 =	vmul.f32 $1.131370830e+01, v1  }
0xdb: {  	[tilespmem:s18+$0xFFFFFF80] =	vst v0  }
0xdc: {  	v0 =	vld [tilespmem:s13+$0xFFFFFF90];
	v1 =	vadd.f32 v2, v1  }
0xdd: {  	v2 =	vld [tilespmem:s18+$0x20]  }
0xde: {  	v5 =	vld [tilespmem:s18+$0xFFFFFFA0];
	[tilespmem:s18+$0x10] =	vst v1  }
0xdf: {  	v1 =	vmul.f32 $1.131370830e+01, v4;
	v4 =	vld [tilespmem:s13+$0x20]  }
0xe0: {  	v6 =	vld [tilespmem:s18+$0xFFFFFFC0]  }
0xe1: {  	s30 =	simm.s32 $0x7E80;
	v7 =	vld [tilespmem:s18+$0xFFFFFFD0]  }
0xe2: {  	s31 =	simm.s32 $0x14680;
	v8 =	vld [tilespmem:s30+$0x0];
	v0 =	vadd.f32 v0, v1;
	v1 =	vmul.f32 $1.131370830e+01, v2  }
0xe3: {  	v9 =	vld [tilespmem:s31+$0x0]  }
0xe4: {  	v10 =	vld [tilespmem:s31+$0xFFFFFF80];
	v1 =	vadd.f32 v4, v1  }
0xe5: {  	v2 =	vld [tilespmem:s18+$0x30];
	[tilespmem:s18+$0xFFFFFF90] =	vst v0  }
0xe6: {  	v0 =	vld [tilespmem:s13+$0xFFFFFFA0];
	[tilespmem:s18+$0x20] =	vst v1  }
0xe7: {  	v4 =	vld [tilespmem:s13+$0x30]  }
0xe8: {  	v12 =	vld [tilespmem:s30+$0xFFFFFF90]  }
0xe9: {  	v13 =	vld [tilespmem:s30+$0xFFFFFFA0];
	v5 =	vmul.f32 $1.131370830e+01, v5  }
0xea: {  	s8 =	simm.s32 $0x14780;
	v14 =	vld [tilespmem:s18+$0x70];
	v2 =	vmul.f32 $1.131370830e+01, v2  }
0xeb: {  	s7 =	simm.s32 $0x7F80;
	v15 =	vld [tilespmem:s8+$0x0];
	v5 =	vadd.f32 v0, v5  }
0xec: {  	v17 =	vld [tilespmem:s7+$0xFFFFFF80];
	v2 =	vadd.f32 v4, v2  }
0xed: {  	[tilespmem:s18+$0xFFFFFFA0] =	vst v5;
	v5 =	vmul.f32 $1.131370830e+01, v8;
	v8 =	vld [tilespmem:s18+$0x40]  }
0xee: {  	[tilespmem:s18+$0x30] =	vst v2;
	v2 =	vld [tilespmem:s30+$0xFFFFFF80]  }
0xef: {  	v5 =	vadd.f32 v9, v5;
	v11 =	vld [tilespmem:s13+$0x40]  }
0xf0: {  	v9 =	vld [tilespmem:s30+$0x10]  }
0xf1: {  	v18 =	vld [tilespmem:s8+$0xFFFFFF80];
	[tilespmem:s30+$0x0] =	vst v5  }
0xf2: {  	v5 =	vld [tilespmem:s31+$0x10];
	v8 =	vmul.f32 $1.131370830e+01, v8  }
0xf3: {  	v3 =	vld [tilespmem:s18+$0xFFFFFFB0];
	v2 =	vmul.f32 $1.131370830e+01, v2  }
0xf4: {  	v19 =	vld [tilespmem:s7+$0xFFFFFF90];
	v8 =	vadd.f32 v11, v8  }
0xf5: {  	v4 =	vld [tilespmem:s13+$0xFFFFFFB0];
	v9 =	vmul.f32 $1.131370830e+01, v9;
	v2 =	vadd.f32 v10, v2  }
0xf6: {  	v54 =	vld [tilespmem:s7+$0x10];
	[tilespmem:s18+$0x40] =	vst v8  }
0xf7: {  	v5 =	vadd.f32 v5, v9;
	v8 =	vld [tilespmem:s30+$0x20];
	[tilespmem:s30+$0xFFFFFF80] =	vst v2  }
0xf8: {  	v2 =	vmul.f32 $1.131370830e+01, v3;
	v3 =	vld [tilespmem:s31+$0xFFFFFF90]  }
0xf9: {  	v11 =	vld [tilespmem:s18+$0x50];
	[tilespmem:s30+$0x10] =	vst v5  }
0xfa: {  	v9 =	vld [tilespmem:s31+$0x20];
	v2 =	vadd.f32 v4, v2  }
0xfb: {  	v5 =	vmul.f32 $1.131370830e+01, v12;
	v4 =	vld [tilespmem:s13+$0x50]  }
0xfc: {  	v57 =	vld [tilespmem:s7+$0x20];
	[tilespmem:s18+$0xFFFFFFB0] =	vst v2  }
0xfd: {  	v8 =	vmul.f32 $1.131370830e+01, v8;
	v12 =	vld [tilespmem:s13+$0xFFFFFFC0];
	v3 =	vadd.f32 v3, v5  }
0xfe: {  	v59 =	vld [tilespmem:s7+$0xFFFFFFD0];
	v11 =	vmul.f32 $1.131370830e+01, v11  }
0xff: {  	v8 =	vadd.f32 v9, v8;
	v9 =	vld [tilespmem:s30+$0x30];
	[tilespmem:s30+$0xFFFFFF90] =	vst v3  }
0x100: {  	v6 =	vmul.f32 $1.131370830e+01, v6;
	v4 =	vadd.f32 v4, v11;
	v3 =	vld [tilespmem:s31+$0xFFFFFFA0]  }
0x101: {  	v62 =	vld [tilespmem:s7+$0x30];
	[tilespmem:s30+$0x20] =	vst v8  }
0x102: {  	[tilespmem:s18+$0x50] =	vst v4;
	v4 =	vadd.f32 v12, v6;
	v6 =	vld [tilespmem:s31+$0x30]  }
0x103: {  	v1 =	vld [tilespmem:s18+$0xFFFFFFE0];
	v8 =	vmul.f32 $1.131370830e+01, v13  }
0x104: {  	v0 =	vld [tilespmem:s18+$0xFFFFFFF0]  }
0x105: {  	v10 =	vld [tilespmem:s30+$0xFFFFFFB0];
	v3 =	vadd.f32 v3, v8;
	v8 =	vmul.f32 $1.131370830e+01, v9  }
0x106: {  	v2 =	vld [tilespmem:s30+$0xFFFFFFC0]  }
0x107: {  	v5 =	vld [tilespmem:s30+$0xFFFFFFD0];
	[tilespmem:s30+$0xFFFFFFA0] =	vst v3;
	v3 =	vadd.f32 v6, v8  }
0x108: {  	v8 =	vld [tilespmem:s7+$0x0]  }
0x109: {  	[tilespmem:s30+$0x30] =	vst v3;
	v3 =	vld [tilespmem:s30+$0x40]  }
0x10a: {  	v11 =	vld [tilespmem:s18+$0x60]  }
0x10b: {  	v16 =	vld [tilespmem:s31+$0x40]  }
0x10c: {  	v13 =	vld [tilespmem:s30+$0xFFFFFFE0]  }
0x10d: {  	v12 =	vld [tilespmem:s13+$0x60];
	[tilespmem:s18+$0xFFFFFFC0] =	vst v4;
	v8 =	vmul.f32 $1.131370830e+01, v8  }
0x10e: {  	v4 =	vld [tilespmem:s13+$0xFFFFFFD0];
	v3 =	vmul.f32 $1.131370830e+01, v3  }
0x10f: {  	v6 =	vld [tilespmem:s31+$0xFFFFFFB0];
	v8 =	vadd.f32 v15, v8  }
0x110: {  	v11 =	vmul.f32 $1.131370830e+01, v11;
	v9 =	vld [tilespmem:s30+$0xFFFFFFF0];
	v3 =	vadd.f32 v16, v3  }
0x111: {  	v17 =	vmul.f32 $1.131370830e+01, v17;
	[tilespmem:s7+$0x0] =	vst v8;
	v8 =	vld [tilespmem:s30+$0x50]  }
0x112: {  	v10 =	vmul.f32 $1.131370830e+01, v10;
	v11 =	vadd.f32 v12, v11;
	[tilespmem:s30+$0x40] =	vst v3;
	v3 =	vld [tilespmem:s8+$0x10]  }
0x113: {  	v7 =	vmul.f32 $1.131370830e+01, v7;
	v12 =	vadd.f32 v18, v17;
	v55 =	vld [tilespmem:s31+$0x50]  }
0x114: {  	[tilespmem:s18+$0x60] =	vst v11;
	v11 =	vld [tilespmem:s7+$0xFFFFFFB0];
	v6 =	vadd.f32 v6, v10  }
0x115: {  	[tilespmem:s7+$0xFFFFFF80] =	vst v12;
	v12 =	vld [tilespmem:s7+$0xFFFFFFC0];
	v4 =	vadd.f32 v4, v7;
	v16 =	vmul.f32 $1.131370830e+01, v54  }
0x116: {  	[tilespmem:s30+$0xFFFFFFB0] =	vst v6;
	v6 =	vld [tilespmem:s8+$0xFFFFFF90];
	v8 =	vmul.f32 $1.131370830e+01, v8  }
0x117: {  	[tilespmem:s18+$0xFFFFFFD0] =	vst v4;
	v56 =	vld [tilespmem:s31+$0xFFFFFFC0];
	v3 =	vadd.f32 v3, v16  }
0x118: {  	v4 =	vld [tilespmem:s13+$0xFFFFFFE0];
	v8 =	vadd.f32 v55, v8  }
0x119: {  	v58 =	vmul.f32 $1.131370830e+01, v19;
	[tilespmem:s7+$0x10] =	vst v3;
	v3 =	vld [tilespmem:s30+$0x60]  }
0x11a: {  	v2 =	vmul.f32 $1.131370830e+01, v2;
	[tilespmem:s30+$0x50] =	vst v8;
	v7 =	vld [tilespmem:s8+$0x20]  }
0x11b: {  	v6 =	vadd.f32 v6, v58;
	v8 =	vld [tilespmem:s31+$0x60]  }
0x11c: {  	v15 =	vld [tilespmem:s7+$0xFFFFFFA0];
	v2 =	vadd.f32 v56, v2  }
0x11d: {  	v60 =	vmul.f32 $1.131370830e+01, v57;
	v10 =	vld [tilespmem:s13+$0x70];
	[tilespmem:s7+$0xFFFFFF90] =	vst v6  }
0x11e: {  	[tilespmem:s30+$0xFFFFFFC0] =	vst v2;
	v2 =	vld [tilespmem:s8+$0xFFFFFFA0];
	v3 =	vmul.f32 $1.131370830e+01, v3  }
0x11f: {  	v61 =	vld [tilespmem:s31+$0xFFFFFFD0];
	v7 =	vadd.f32 v7, v60  }
0x120: {  	v1 =	vmul.f32 $1.131370830e+01, v1;
	v6 =	vld [tilespmem:s7+$0xFFFFFFE0];
	v3 =	vadd.f32 v8, v3  }
0x121: {  	v8 =	vmul.f32 $1.131370830e+01, v15;
	v15 =	vld [tilespmem:s30+$0x70];
	[tilespmem:s7+$0x20] =	vst v7  }
0x122: {  	v1 =	vadd.f32 v4, v1;
	v4 =	vmul.f32 $1.131370830e+01, v5;
	[tilespmem:s30+$0x60] =	vst v3;
	v63 =	vld [tilespmem:s8+$0x30]  }
0x123: {  	v0 =	vmul.f32 $1.131370830e+01, v0;
	v3 =	vmul.f32 $1.131370830e+01, v14;
	v14 =	vadd.f32 v2, v8;
	v7 =	vld [tilespmem:s31+$0x70]  }
0x124: {  	v5 =	vmul.f32 $1.131370830e+01, v11;
	[tilespmem:s18+$0xFFFFFFE0] =	vst v1;
	v2 =	vmul.f32 $1.131370830e+01, v13;
	v13 =	vadd.f32 v61, v4;
	v8 =	vld [tilespmem:s7+$0xFFFFFFF0]  }
0x125: {  	v1 =	vmul.f32 $1.131370830e+01, v9;
	v9 =	vld [tilespmem:s13+$0xFFFFFFF0];
	v10 =	vadd.f32 v10, v3;
	[tilespmem:s7+$0xFFFFFFA0] =	vst v14;
	v14 =	vmul.f32 $1.131370830e+01, v62  }
0x126: {  	v4 =	vmul.f32 $1.131370830e+01, v12;
	[tilespmem:s30+$0xFFFFFFD0] =	vst v13;
	v12 =	vld [tilespmem:s8+$0xFFFFFFB0];
	v11 =	vmul.f32 $1.131370830e+01, v15  }
0x127: {  	s9 =	simm.s32 $0x14780;
	s10 =	simm.s32 $0x4;
	s13 =	simm.s32 $0x8080;
	v6 =	vmul.f32 $1.131370830e+01, v6;
	v3 =	vmul.f32 $1.131370830e+01, v59;
	[tilespmem:s18+$0x70] =	vst v10;
	v10 =	vld [tilespmem:s31+$0xFFFFFFE0];
	v13 =	vadd.f32 v63, v14  }
.LBB2_5:
0x128: {  	v14 =	vld [tilespmem:s13+$0x0];
	v7 =	vadd.f32 v7, v11  }
0x129: {  	s10 =	sadd.s32 $0x2, s10;
	s8 =	sadd.s32 $0x100, s8;
	v8 =	vmul.f32 $1.131370830e+01, v8;
	[tilespmem:s7+$0x30] =	vst v13;
	v11 =	vld [tilespmem:s7+$0x40]  }
0x12a: {  	p0 =	slt.u32 s10, $0xC6;
	v13 =	vld [tilespmem:s8+$0x0];
	[tilespmem:s30+$0x70] =	vst v7;
	v7 =	vadd.f32 v9, v0;
	v0 =	vmov v1  }
0x12b: {  	v5 =	vadd.f32 v12, v5;
	v9 =	vld [tilespmem:s9+$0x40];
	v1 =	vmov v8  }
0x12c: {  	v8 =	vld [tilespmem:s13+$0xFFFFFF80];
	v10 =	vadd.f32 v10, v2;
	[tilespmem:s18+$0xFFFFFFF0] =	vst v7;
	v2 =	vmov v6;
	s18 =	smov.u32 s30;
	s30 =	smov.u32 s7;
	s7 =	smov.u32 s13  }
0x12d: {  	v6 =	vld [tilespmem:s8+$0xFFFFFF80];
	v7 =	vmul.f32 $1.131370830e+01, v14;
	[tilespmem:s30+$0xFFFFFFB0] =	vst v5  }
0x12e: {  	v5 =	vld [tilespmem:s13+$0xFFFFFF90];
	v11 =	vmul.f32 $1.131370830e+01, v11;
	[tilespmem:s18+$0xFFFFFFE0] =	vst v10  }
0x12f: {  	v10 =	vld [tilespmem:s13+$0xFFFFFFA0];
	v7 =	vadd.f32 v13, v7  }
0x130: {  	v12 =	vld [tilespmem:s13+$0x10];
	v9 =	vadd.f32 v9, v11  }
0x131: {  	v8 =	vmul.f32 $1.131370830e+01, v8;
	[tilespmem:s13+$0x0] =	vst v7;
	v7 =	vld [tilespmem:s30+$0x50]  }
0x132: {  	v11 =	vld [tilespmem:s8+$0x10];
	[tilespmem:s30+$0x40] =	vst v9  }
0x133: {  	v6 =	vadd.f32 v6, v8;
	v8 =	vmul.f32 $1.131370830e+01, v5;
	v5 =	vld [tilespmem:s9+$0x50]  }
0x134: {  	v9 =	vmul.f32 $1.131370830e+01, v10;
	v10 =	vld [tilespmem:s13+$0xFFFFFFB0]  }
0x135: {  	[tilespmem:s13+$0xFFFFFF80] =	vst v6;
	v6 =	vld [tilespmem:s13+$0xFFFFFFC0];
	v12 =	vmul.f32 $1.131370830e+01, v12  }
0x136: {  	v13 =	vld [tilespmem:s8+$0xFFFFFF90];
	v7 =	vmul.f32 $1.131370830e+01, v7  }
0x137: {  	v11 =	vadd.f32 v11, v12;
	v12 =	vld [tilespmem:s9+$0xFFFFFFC0]  }
0x138: {  	v14 =	vld [tilespmem:s13+$0x20];
	v7 =	vadd.f32 v5, v7  }
0x139: {  	v5 =	vmul.f32 $1.131370830e+01, v10;
	[tilespmem:s13+$0x10] =	vst v11;
	v10 =	vld [tilespmem:s30+$0x60]  }
0x13a: {  	v6 =	vmul.f32 $1.131370830e+01, v6;
	v11 =	vld [tilespmem:s8+$0x20];
	[tilespmem:s30+$0x50] =	vst v7  }
0x13b: {  	v7 =	vadd.f32 v13, v8;
	v8 =	vld [tilespmem:s9+$0x60]  }
0x13c: {  	v13 =	vld [tilespmem:s13+$0xFFFFFFD0];
	v12 =	vadd.f32 v12, v4;
	v4 =	vmov v6  }
0x13d: {  	[tilespmem:s13+$0xFFFFFF90] =	vst v7;
	v6 =	vld [tilespmem:s13+$0xFFFFFFE0];
	v7 =	vmul.f32 $1.131370830e+01, v14  }
0x13e: {  	v14 =	vld [tilespmem:s8+$0xFFFFFFA0];
	[tilespmem:s30+$0xFFFFFFC0] =	vst v12;
	v10 =	vmul.f32 $1.131370830e+01, v10  }
0x13f: {  	v7 =	vadd.f32 v11, v7;
	v11 =	vld [tilespmem:s9+$0xFFFFFFD0]  }
0x140: {  	v12 =	vld [tilespmem:s13+$0x30];
	v8 =	vadd.f32 v8, v10  }
0x141: {  	v10 =	vmul.f32 $1.131370830e+01, v13;
	[tilespmem:s13+$0x20] =	vst v7;
	v13 =	vld [tilespmem:s30+$0x70]  }
0x142: {  	v6 =	vmul.f32 $1.131370830e+01, v6;
	v15 =	vld [tilespmem:s8+$0x30];
	[tilespmem:s30+$0x60] =	vst v8  }
.Ltmp1:
0x143: {  	v9 =	vadd.f32 v14, v9;
	v7 =	vld [tilespmem:s9+$0x70];
	(pc) =	sbr.rel @p0 .LBB2_5-.Ltmp1, $4  }
0x144: {  	v8 =	vld [tilespmem:s13+$0xFFFFFFF0];
	v11 =	vadd.f32 v11, v3;
	v3 =	vmov v10  }
0x145: {  	[tilespmem:s13+$0xFFFFFFA0] =	vst v9;
	v10 =	vmul.f32 $1.131370830e+01, v12;
	v9 =	vld [tilespmem:s31+$0xFFFFFFF0];
	s31 =	smov.u32 s9;
	s9 =	smov.u32 s8  }
0x146: {  	v12 =	vld [tilespmem:s8+$0xFFFFFFB0];
	[tilespmem:s30+$0xFFFFFFD0] =	vst v11;
	v11 =	vmul.f32 $1.131370830e+01, v13  }
0x147: {  	s13 =	sadd.s32 $0x100, s13;
	v13 =	vadd.f32 v15, v10;
	v10 =	vld [tilespmem:s31+$0xFFFFFFE0]  }
0x148: {  	_ =	sdelay $0x2  }
0x149: {  	[tilespmem:s7+$0x30] =	vst v13;
	v13 =	vld [tilespmem:s7+$0x40];
	v5 =	vadd.f32 v12, v5;
	_ =	sdelay $0x1  }
0x14a: {  	v12 =	vld [tilespmem:s9+$0x40];
	[tilespmem:s7+$0xFFFFFFB0] =	vst v5  }
0x14b: {  	v5 =	vld [tilespmem:s9+$0xFFFFFFC0];
	_ =	sdelay $0x1  }
0x14c: {  	v13 =	vmul.f32 $1.131370830e+01, v13;
	_ =	sdelay $0x1  }
0x14d: {  	v12 =	vadd.f32 v12, v13  }
0x14e: {  	v13 =	vld [tilespmem:s7+$0x50];
	v4 =	vadd.f32 v5, v4  }
0x14f: {  	[tilespmem:s7+$0x40] =	vst v12  }
0x150: {  	v5 =	vld [tilespmem:s9+$0x50];
	[tilespmem:s7+$0xFFFFFFC0] =	vst v4  }
0x151: {  	v4 =	vld [tilespmem:s9+$0xFFFFFFD0];
	_ =	sdelay $0x1  }
0x152: {  	v12 =	vmul.f32 $1.131370830e+01, v13;
	_ =	sdelay $0x1  }
0x153: {  	v5 =	vadd.f32 v5, v12  }
0x154: {  	v12 =	vld [tilespmem:s7+$0x60];
	v3 =	vadd.f32 v4, v3  }
0x155: {  	[tilespmem:s7+$0x50] =	vst v5  }
0x156: {  	v4 =	vld [tilespmem:s9+$0x60];
	[tilespmem:s7+$0xFFFFFFD0] =	vst v3  }
0x157: {  	v3 =	vld [tilespmem:s9+$0xFFFFFFE0];
	_ =	sdelay $0x1  }
0x158: {  	v5 =	vmul.f32 $1.131370830e+01, v12  }
0x159: {  	v2 =	vadd.f32 v10, v2  }
0x15a: {  	v4 =	vadd.f32 v4, v5  }
0x15b: {  	[tilespmem:s30+$0xFFFFFFE0] =	vst v2;
	v5 =	vld [tilespmem:s7+$0x70];
	v3 =	vadd.f32 v3, v6  }
0x15c: {  	[tilespmem:s7+$0x60] =	vst v4;
	v4 =	vld [tilespmem:s31+$0xFFFFFFF0]  }
0x15d: {  	v2 =	vld [tilespmem:s9+$0x70];
	[tilespmem:s7+$0xFFFFFFE0] =	vst v3  }
0x15e: {  	v3 =	vld [tilespmem:s9+$0xFFFFFFF0]  }
0x15f: {  	v0 =	vadd.f32 v9, v0  }
0x160: {  	v6 =	vadd.f32 v7, v11;
	v5 =	vmul.f32 $1.131370830e+01, v5  }
0x161: {  	[tilespmem:s18+$0xFFFFFFF0] =	vst v0;
	v7 =	vmul.f32 $1.131370830e+01, v8;
	v0 =	vadd.f32 v4, v1  }
0x162: {  	s8 =	sadd.s32 s6, s11;
	[tilespmem:s30+$0x70] =	vst v6;
	v2 =	vadd.f32 v2, v5  }
0x163: {  	s8 =	smul.u32 $0xC80, s8;
	[tilespmem:s30+$0xFFFFFFF0] =	vst v0;
	v1 =	vadd.f32 v3, v7  }
0x164: {  	[tilespmem:s7+$0x70] =	vst v2  }
0x165: {  	s13 =	smul.u32 $0x960, s3;
	s11 =	sadd.s32 s4, s8;
	[tilespmem:s7+$0xFFFFFFF0] =	vst v1  }
0x166: {  	[hbm4b:s11+s5] =	stream.linear.scatter [tilespmem:s20], [sflag:$0x5], $0x6400, $0x38;
	[tilespmem:$0x1A900] =	vst v63  }
0x167: {  	_ =	swait.ge [sflag:s26], $0x6400  }
0x168: {  	s7 =	sshra.s32 s13, $0x2;
	[sflag:s26] =	ssyncset.done $0x0  }
0x169: {  	s18 =	sadd.s32 $0x258, s7;
	[sflag:s26] =	ssyncadd.s32 $0xFFFF9C00  }
0x16a: {  	[tilespmem:s15], [sflag:$0x1] =	stream.indirect.gather [hbm4b:s1+s14], $0x80, s18, s14, $0xb8;
	[tilespmem:$0x1A900] =	vst v63  }
0x16b: {  	s7 =	sadd.s32 $0x2C0, s7  }
0x16c: {  	[tilespmem:s17], [sflag:$0x1] =	stream.indirect.gather [hbm4b:s1+s16], $0x80, s7, s16, $0xb8;
	[tilespmem:$0x1A900] =	vst v63  }
0x16d: {  	_ =	swait.ge [sflag:s28], $0x3400  }
0x16e: {  	[sflag:s28] =	ssyncset.done $0x0  }
0x16f: {  	[sflag:s28] =	ssyncadd.s32 $0xFFFFCC00  }
0x170: {  	_ =	swait.ge [sflag:s28], $0x3000  }
0x171: {  	[sflag:s28] =	ssyncset.done $0x0  }
0x172: {  	s11 =	simm.s32 $0xE180;
	[sflag:s28] =	ssyncadd.s32 $0xFFFFD000  }
0x173: {  	v0 =	vld [tilespmem:s11+$0x0]  }
0x174: {  	s31 =	simm.s32 $0x14580  }
0x175: {  	v1 =	vld [tilespmem:s31+$0x0];
	_ =	sdelay $0x2  }
0x176: {  	v2 =	vld [tilespmem:s11+$0xFFFFFF80];
	v0 =	vmul.f32 $1.131370830e+01, v0;
	_ =	sdelay $0x1  }
0x177: {  	v3 =	vld [tilespmem:s31+$0xFFFFFF80];
	v0 =	vadd.f32 v1, v0  }
0x178: {  	v1 =	vld [tilespmem:s11+$0x10]  }
0x179: {  	[tilespmem:s11+$0x0] =	vst v0  }
0x17a: {  	v0 =	vmul.f32 $1.131370830e+01, v2;
	v2 =	vld [tilespmem:s31+$0x10];
	_ =	sdelay $0x1  }
0x17b: {  	v0 =	vadd.f32 v3, v0  }
0x17c: {  	v4 =	vld [tilespmem:s11+$0xFFFFFF90];
	v1 =	vmul.f32 $1.131370830e+01, v1  }
0x17d: {  	[tilespmem:s11+$0xFFFFFF80] =	vst v0  }
0x17e: {  	v0 =	vld [tilespmem:s31+$0xFFFFFF90];
	v1 =	vadd.f32 v2, v1  }
0x17f: {  	v2 =	vld [tilespmem:s11+$0x20]  }
0x180: {  	v5 =	vld [tilespmem:s11+$0xFFFFFFA0];
	[tilespmem:s11+$0x10] =	vst v1  }
0x181: {  	v1 =	vmul.f32 $1.131370830e+01, v4;
	v4 =	vld [tilespmem:s31+$0x20]  }
0x182: {  	v6 =	vld [tilespmem:s11+$0xFFFFFFC0]  }
0x183: {  	s18 =	simm.s32 $0xE280;
	v7 =	vld [tilespmem:s11+$0xFFFFFFD0]  }
0x184: {  	s30 =	simm.s32 $0x14680;
	v8 =	vld [tilespmem:s18+$0x0];
	v0 =	vadd.f32 v0, v1;
	v1 =	vmul.f32 $1.131370830e+01, v2  }
0x185: {  	v9 =	vld [tilespmem:s30+$0x0]  }
0x186: {  	v10 =	vld [tilespmem:s30+$0xFFFFFF80];
	v1 =	vadd.f32 v4, v1  }
0x187: {  	v2 =	vld [tilespmem:s11+$0x30];
	[tilespmem:s11+$0xFFFFFF90] =	vst v0  }
0x188: {  	v0 =	vld [tilespmem:s31+$0xFFFFFFA0];
	[tilespmem:s11+$0x20] =	vst v1  }
0x189: {  	v4 =	vld [tilespmem:s31+$0x30]  }
0x18a: {  	v12 =	vld [tilespmem:s18+$0xFFFFFF90]  }
0x18b: {  	v13 =	vld [tilespmem:s18+$0xFFFFFFA0];
	v5 =	vmul.f32 $1.131370830e+01, v5  }
0x18c: {  	s8 =	simm.s32 $0x14780;
	v14 =	vld [tilespmem:s11+$0x70];
	v2 =	vmul.f32 $1.131370830e+01, v2  }
0x18d: {  	s7 =	simm.s32 $0xE380;
	v15 =	vld [tilespmem:s8+$0x0];
	v5 =	vadd.f32 v0, v5  }
0x18e: {  	v17 =	vld [tilespmem:s7+$0xFFFFFF80];
	v2 =	vadd.f32 v4, v2  }
0x18f: {  	[tilespmem:s11+$0xFFFFFFA0] =	vst v5;
	v5 =	vmul.f32 $1.131370830e+01, v8;
	v8 =	vld [tilespmem:s11+$0x40]  }
0x190: {  	[tilespmem:s11+$0x30] =	vst v2;
	v2 =	vld [tilespmem:s18+$0xFFFFFF80]  }
0x191: {  	v5 =	vadd.f32 v9, v5;
	v11 =	vld [tilespmem:s31+$0x40]  }
0x192: {  	v9 =	vld [tilespmem:s18+$0x10]  }
0x193: {  	v18 =	vld [tilespmem:s8+$0xFFFFFF80];
	[tilespmem:s18+$0x0] =	vst v5  }
0x194: {  	v5 =	vld [tilespmem:s30+$0x10];
	v8 =	vmul.f32 $1.131370830e+01, v8  }
0x195: {  	v3 =	vld [tilespmem:s11+$0xFFFFFFB0];
	v2 =	vmul.f32 $1.131370830e+01, v2  }
0x196: {  	v19 =	vld [tilespmem:s7+$0xFFFFFF90];
	v8 =	vadd.f32 v11, v8  }
0x197: {  	v4 =	vld [tilespmem:s31+$0xFFFFFFB0];
	v9 =	vmul.f32 $1.131370830e+01, v9;
	v2 =	vadd.f32 v10, v2  }
0x198: {  	v54 =	vld [tilespmem:s7+$0x10];
	[tilespmem:s11+$0x40] =	vst v8  }
0x199: {  	v5 =	vadd.f32 v5, v9;
	v8 =	vld [tilespmem:s18+$0x20];
	[tilespmem:s18+$0xFFFFFF80] =	vst v2  }
0x19a: {  	v2 =	vmul.f32 $1.131370830e+01, v3;
	v3 =	vld [tilespmem:s30+$0xFFFFFF90]  }
0x19b: {  	v11 =	vld [tilespmem:s11+$0x50];
	[tilespmem:s18+$0x10] =	vst v5  }
0x19c: {  	v9 =	vld [tilespmem:s30+$0x20];
	v2 =	vadd.f32 v4, v2  }
0x19d: {  	v5 =	vmul.f32 $1.131370830e+01, v12;
	v4 =	vld [tilespmem:s31+$0x50]  }
0x19e: {  	v57 =	vld [tilespmem:s7+$0x20];
	[tilespmem:s11+$0xFFFFFFB0] =	vst v2  }
0x19f: {  	v8 =	vmul.f32 $1.131370830e+01, v8;
	v12 =	vld [tilespmem:s31+$0xFFFFFFC0];
	v3 =	vadd.f32 v3, v5  }
0x1a0: {  	v59 =	vld [tilespmem:s7+$0xFFFFFFD0];
	v11 =	vmul.f32 $1.131370830e+01, v11  }
0x1a1: {  	v8 =	vadd.f32 v9, v8;
	v9 =	vld [tilespmem:s18+$0x30];
	[tilespmem:s18+$0xFFFFFF90] =	vst v3  }
0x1a2: {  	v6 =	vmul.f32 $1.131370830e+01, v6;
	v4 =	vadd.f32 v4, v11;
	v3 =	vld [tilespmem:s30+$0xFFFFFFA0]  }
0x1a3: {  	v62 =	vld [tilespmem:s7+$0x30];
	[tilespmem:s18+$0x20] =	vst v8  }
0x1a4: {  	[tilespmem:s11+$0x50] =	vst v4;
	v4 =	vadd.f32 v12, v6;
	v6 =	vld [tilespmem:s30+$0x30]  }
0x1a5: {  	v1 =	vld [tilespmem:s11+$0xFFFFFFE0];
	v8 =	vmul.f32 $1.131370830e+01, v13  }
0x1a6: {  	v0 =	vld [tilespmem:s11+$0xFFFFFFF0]  }
0x1a7: {  	v10 =	vld [tilespmem:s18+$0xFFFFFFB0];
	v3 =	vadd.f32 v3, v8;
	v8 =	vmul.f32 $1.131370830e+01, v9  }
0x1a8: {  	v2 =	vld [tilespmem:s18+$0xFFFFFFC0]  }
0x1a9: {  	v5 =	vld [tilespmem:s18+$0xFFFFFFD0];
	[tilespmem:s18+$0xFFFFFFA0] =	vst v3;
	v3 =	vadd.f32 v6, v8  }
0x1aa: {  	v8 =	vld [tilespmem:s7+$0x0]  }
0x1ab: {  	[tilespmem:s18+$0x30] =	vst v3;
	v3 =	vld [tilespmem:s18+$0x40]  }
0x1ac: {  	v11 =	vld [tilespmem:s11+$0x60]  }
0x1ad: {  	v16 =	vld [tilespmem:s30+$0x40]  }
0x1ae: {  	v13 =	vld [tilespmem:s18+$0xFFFFFFE0]  }
0x1af: {  	v12 =	vld [tilespmem:s31+$0x60];
	[tilespmem:s11+$0xFFFFFFC0] =	vst v4;
	v8 =	vmul.f32 $1.131370830e+01, v8  }
0x1b0: {  	v4 =	vld [tilespmem:s31+$0xFFFFFFD0];
	v3 =	vmul.f32 $1.131370830e+01, v3  }
0x1b1: {  	v6 =	vld [tilespmem:s30+$0xFFFFFFB0];
	v8 =	vadd.f32 v15, v8  }
0x1b2: {  	v11 =	vmul.f32 $1.131370830e+01, v11;
	v9 =	vld [tilespmem:s18+$0xFFFFFFF0];
	v3 =	vadd.f32 v16, v3  }
0x1b3: {  	v17 =	vmul.f32 $1.131370830e+01, v17;
	[tilespmem:s7+$0x0] =	vst v8;
	v8 =	vld [tilespmem:s18+$0x50]  }
0x1b4: {  	v10 =	vmul.f32 $1.131370830e+01, v10;
	v11 =	vadd.f32 v12, v11;
	[tilespmem:s18+$0x40] =	vst v3;
	v3 =	vld [tilespmem:s8+$0x10]  }
0x1b5: {  	v7 =	vmul.f32 $1.131370830e+01, v7;
	v12 =	vadd.f32 v18, v17;
	v55 =	vld [tilespmem:s30+$0x50]  }
0x1b6: {  	[tilespmem:s11+$0x60] =	vst v11;
	v11 =	vld [tilespmem:s7+$0xFFFFFFB0];
	v6 =	vadd.f32 v6, v10  }
0x1b7: {  	[tilespmem:s7+$0xFFFFFF80] =	vst v12;
	v12 =	vld [tilespmem:s7+$0xFFFFFFC0];
	v4 =	vadd.f32 v4, v7;
	v16 =	vmul.f32 $1.131370830e+01, v54  }
0x1b8: {  	[tilespmem:s18+$0xFFFFFFB0] =	vst v6;
	v6 =	vld [tilespmem:s8+$0xFFFFFF90];
	v8 =	vmul.f32 $1.131370830e+01, v8  }
0x1b9: {  	[tilespmem:s11+$0xFFFFFFD0] =	vst v4;
	v56 =	vld [tilespmem:s30+$0xFFFFFFC0];
	v3 =	vadd.f32 v3, v16  }
0x1ba: {  	v4 =	vld [tilespmem:s31+$0xFFFFFFE0];
	v8 =	vadd.f32 v55, v8  }
0x1bb: {  	v58 =	vmul.f32 $1.131370830e+01, v19;
	[tilespmem:s7+$0x10] =	vst v3;
	v3 =	vld [tilespmem:s18+$0x60]  }
0x1bc: {  	v2 =	vmul.f32 $1.131370830e+01, v2;
	[tilespmem:s18+$0x50] =	vst v8;
	v7 =	vld [tilespmem:s8+$0x20]  }
0x1bd: {  	v6 =	vadd.f32 v6, v58;
	v8 =	vld [tilespmem:s30+$0x60]  }
0x1be: {  	v15 =	vld [tilespmem:s7+$0xFFFFFFA0];
	v2 =	vadd.f32 v56, v2  }
0x1bf: {  	v60 =	vmul.f32 $1.131370830e+01, v57;
	v10 =	vld [tilespmem:s31+$0x70];
	[tilespmem:s7+$0xFFFFFF90] =	vst v6  }
0x1c0: {  	[tilespmem:s18+$0xFFFFFFC0] =	vst v2;
	v2 =	vld [tilespmem:s8+$0xFFFFFFA0];
	v3 =	vmul.f32 $1.131370830e+01, v3  }
0x1c1: {  	v61 =	vld [tilespmem:s30+$0xFFFFFFD0];
	v7 =	vadd.f32 v7, v60  }
0x1c2: {  	v1 =	vmul.f32 $1.131370830e+01, v1;
	v6 =	vld [tilespmem:s7+$0xFFFFFFE0];
	v3 =	vadd.f32 v8, v3  }
0x1c3: {  	v8 =	vmul.f32 $1.131370830e+01, v15;
	v15 =	vld [tilespmem:s18+$0x70];
	[tilespmem:s7+$0x20] =	vst v7  }
0x1c4: {  	v1 =	vadd.f32 v4, v1;
	v4 =	vmul.f32 $1.131370830e+01, v5;
	[tilespmem:s18+$0x60] =	vst v3;
	v63 =	vld [tilespmem:s8+$0x30]  }
0x1c5: {  	v0 =	vmul.f32 $1.131370830e+01, v0;
	v3 =	vmul.f32 $1.131370830e+01, v14;
	v14 =	vadd.f32 v2, v8;
	v7 =	vld [tilespmem:s30+$0x70]  }
0x1c6: {  	v5 =	vmul.f32 $1.131370830e+01, v11;
	[tilespmem:s11+$0xFFFFFFE0] =	vst v1;
	v2 =	vmul.f32 $1.131370830e+01, v13;
	v13 =	vadd.f32 v61, v4;
	v8 =	vld [tilespmem:s7+$0xFFFFFFF0]  }
0x1c7: {  	v1 =	vmul.f32 $1.131370830e+01, v9;
	v9 =	vld [tilespmem:s31+$0xFFFFFFF0];
	v10 =	vadd.f32 v10, v3;
	[tilespmem:s7+$0xFFFFFFA0] =	vst v14;
	v14 =	vmul.f32 $1.131370830e+01, v62  }
0x1c8: {  	v4 =	vmul.f32 $1.131370830e+01, v12;
	[tilespmem:s18+$0xFFFFFFD0] =	vst v13;
	v12 =	vld [tilespmem:s8+$0xFFFFFFB0];
	v11 =	vmul.f32 $1.131370830e+01, v15  }
0x1c9: {  	s10 =	simm.s32 $0x4;
	s9 =	simm.s32 $0x14780;
	s13 =	simm.s32 $0xE480;
	v6 =	vmul.f32 $1.131370830e+01, v6;
	v3 =	vmul.f32 $1.131370830e+01, v59;
	[tilespmem:s11+$0x70] =	vst v10;
	v10 =	vld [tilespmem:s30+$0xFFFFFFE0];
	v13 =	vadd.f32 v63, v14  }
.LBB2_7:
0x1ca: {  	v14 =	vld [tilespmem:s13+$0x0];
	v7 =	vadd.f32 v7, v11  }
0x1cb: {  	s10 =	sadd.s32 $0x2, s10;
	s8 =	sadd.s32 $0x100, s8;
	v8 =	vmul.f32 $1.131370830e+01, v8;
	[tilespmem:s7+$0x30] =	vst v13;
	v11 =	vld [tilespmem:s7+$0x40]  }
0x1cc: {  	p0 =	slt.u32 s10, $0xC6;
	v13 =	vld [tilespmem:s8+$0x0];
	[tilespmem:s18+$0x70] =	vst v7;
	v7 =	vadd.f32 v9, v0;
	v0 =	vmov v1  }
0x1cd: {  	v5 =	vadd.f32 v12, v5;
	v9 =	vld [tilespmem:s9+$0x40];
	v1 =	vmov v8  }
0x1ce: {  	v8 =	vld [tilespmem:s13+$0xFFFFFF80];
	v10 =	vadd.f32 v10, v2;
	[tilespmem:s11+$0xFFFFFFF0] =	vst v7;
	v2 =	vmov v6;
	s11 =	smov.u32 s18;
	s18 =	smov.u32 s7;
	s7 =	smov.u32 s13  }
0x1cf: {  	v6 =	vld [tilespmem:s8+$0xFFFFFF80];
	v7 =	vmul.f32 $1.131370830e+01, v14;
	[tilespmem:s18+$0xFFFFFFB0] =	vst v5  }
0x1d0: {  	v5 =	vld [tilespmem:s13+$0xFFFFFF90];
	v11 =	vmul.f32 $1.131370830e+01, v11;
	[tilespmem:s11+$0xFFFFFFE0] =	vst v10  }
0x1d1: {  	v10 =	vld [tilespmem:s13+$0xFFFFFFA0];
	v7 =	vadd.f32 v13, v7  }
0x1d2: {  	v12 =	vld [tilespmem:s13+$0x10];
	v9 =	vadd.f32 v9, v11  }
0x1d3: {  	v8 =	vmul.f32 $1.131370830e+01, v8;
	[tilespmem:s13+$0x0] =	vst v7;
	v7 =	vld [tilespmem:s18+$0x50]  }
0x1d4: {  	v11 =	vld [tilespmem:s8+$0x10];
	[tilespmem:s18+$0x40] =	vst v9  }
0x1d5: {  	v6 =	vadd.f32 v6, v8;
	v8 =	vmul.f32 $1.131370830e+01, v5;
	v5 =	vld [tilespmem:s9+$0x50]  }
0x1d6: {  	v9 =	vmul.f32 $1.131370830e+01, v10;
	v10 =	vld [tilespmem:s13+$0xFFFFFFB0]  }
0x1d7: {  	[tilespmem:s13+$0xFFFFFF80] =	vst v6;
	v6 =	vld [tilespmem:s13+$0xFFFFFFC0];
	v12 =	vmul.f32 $1.131370830e+01, v12  }
0x1d8: {  	v13 =	vld [tilespmem:s8+$0xFFFFFF90];
	v7 =	vmul.f32 $1.131370830e+01, v7  }
0x1d9: {  	v11 =	vadd.f32 v11, v12;
	v12 =	vld [tilespmem:s9+$0xFFFFFFC0]  }
0x1da: {  	v14 =	vld [tilespmem:s13+$0x20];
	v7 =	vadd.f32 v5, v7  }
0x1db: {  	v5 =	vmul.f32 $1.131370830e+01, v10;
	[tilespmem:s13+$0x10] =	vst v11;
	v10 =	vld [tilespmem:s18+$0x60]  }
0x1dc: {  	v6 =	vmul.f32 $1.131370830e+01, v6;
	v11 =	vld [tilespmem:s8+$0x20];
	[tilespmem:s18+$0x50] =	vst v7  }
0x1dd: {  	v7 =	vadd.f32 v13, v8;
	v8 =	vld [tilespmem:s9+$0x60]  }
0x1de: {  	v13 =	vld [tilespmem:s13+$0xFFFFFFD0];
	v12 =	vadd.f32 v12, v4;
	v4 =	vmov v6  }
0x1df: {  	[tilespmem:s13+$0xFFFFFF90] =	vst v7;
	v6 =	vld [tilespmem:s13+$0xFFFFFFE0];
	v7 =	vmul.f32 $1.131370830e+01, v14  }
0x1e0: {  	v14 =	vld [tilespmem:s8+$0xFFFFFFA0];
	[tilespmem:s18+$0xFFFFFFC0] =	vst v12;
	v10 =	vmul.f32 $1.131370830e+01, v10  }
0x1e1: {  	v7 =	vadd.f32 v11, v7;
	v11 =	vld [tilespmem:s9+$0xFFFFFFD0]  }
0x1e2: {  	v12 =	vld [tilespmem:s13+$0x30];
	v8 =	vadd.f32 v8, v10  }
0x1e3: {  	v10 =	vmul.f32 $1.131370830e+01, v13;
	[tilespmem:s13+$0x20] =	vst v7;
	v13 =	vld [tilespmem:s18+$0x70]  }
0x1e4: {  	v6 =	vmul.f32 $1.131370830e+01, v6;
	v15 =	vld [tilespmem:s8+$0x30];
	[tilespmem:s18+$0x60] =	vst v8  }
.Ltmp2:
0x1e5: {  	v9 =	vadd.f32 v14, v9;
	v7 =	vld [tilespmem:s9+$0x70];
	(pc) =	sbr.rel @p0 .LBB2_7-.Ltmp2, $4  }
0x1e6: {  	v8 =	vld [tilespmem:s13+$0xFFFFFFF0];
	v11 =	vadd.f32 v11, v3;
	v3 =	vmov v10  }
0x1e7: {  	[tilespmem:s13+$0xFFFFFFA0] =	vst v9;
	v10 =	vmul.f32 $1.131370830e+01, v12;
	v9 =	vld [tilespmem:s30+$0xFFFFFFF0];
	s30 =	smov.u32 s9;
	s9 =	smov.u32 s8  }
0x1e8: {  	v12 =	vld [tilespmem:s8+$0xFFFFFFB0];
	[tilespmem:s18+$0xFFFFFFD0] =	vst v11;
	v11 =	vmul.f32 $1.131370830e+01, v13  }
0x1e9: {  	s13 =	sadd.s32 $0x100, s13;
	v13 =	vadd.f32 v15, v10;
	v10 =	vld [tilespmem:s30+$0xFFFFFFE0]  }
0x1ea: {  	_ =	sdelay $0x2  }
0x1eb: {  	v49 =	vld [tilespmem:s7+$0x40];
	v5 =	vadd.f32 v12, v5  }
0x1ec: {  	[tilespmem:s7+$0x30] =	vst v13  }
0x1ed: {  	v50 =	vld [tilespmem:s9+$0x40];
	[tilespmem:s7+$0xFFFFFFB0] =	vst v5  }
0x1ee: {  	v5 =	vld [tilespmem:s9+$0xFFFFFFC0];
	_ =	sdelay $0x1  }
0x1ef: {  	v13 =	vmul.f32 $1.131370830e+01, v49;
	_ =	sdelay $0x1  }
0x1f0: {  	v12 =	vadd.f32 v50, v13  }
0x1f1: {  	v51 =	vld [tilespmem:s7+$0x50];
	v4 =	vadd.f32 v5, v4  }
0x1f2: {  	[tilespmem:s7+$0x40] =	vst v12  }
0x1f3: {  	v52 =	vld [tilespmem:s9+$0x50];
	[tilespmem:s7+$0xFFFFFFC0] =	vst v4  }
0x1f4: {  	v4 =	vld [tilespmem:s9+$0xFFFFFFD0];
	_ =	sdelay $0x1  }
0x1f5: {  	v53 =	vmul.f32 $1.131370830e+01, v51;
	_ =	sdelay $0x1  }
0x1f6: {  	v5 =	vadd.f32 v52, v53  }
0x1f7: {  	v54 =	vld [tilespmem:s7+$0x60];
	v3 =	vadd.f32 v4, v3  }
0x1f8: {  	[tilespmem:s7+$0x50] =	vst v5  }
0x1f9: {  	v55 =	vld [tilespmem:s9+$0x60];
	[tilespmem:s7+$0xFFFFFFD0] =	vst v3  }
0x1fa: {  	v3 =	vld [tilespmem:s9+$0xFFFFFFE0];
	_ =	sdelay $0x1  }
0x1fb: {  	v56 =	vmul.f32 $1.131370830e+01, v54  }
0x1fc: {  	v2 =	vadd.f32 v10, v2  }
0x1fd: {  	v4 =	vadd.f32 v55, v56  }
0x1fe: {  	v57 =	vld [tilespmem:s7+$0x70];
	[tilespmem:s18+$0xFFFFFFE0] =	vst v2;
	v3 =	vadd.f32 v3, v6  }
0x1ff: {  	v59 =	vld [tilespmem:s30+$0xFFFFFFF0];
	[tilespmem:s7+$0x60] =	vst v4  }
0x200: {  	v58 =	vld [tilespmem:s9+$0x70];
	[tilespmem:s7+$0xFFFFFFE0] =	vst v3  }
0x201: {  	v3 =	vld [tilespmem:s9+$0xFFFFFFF0]  }
0x202: {  	v60 =	vadd.f32 v7, v11  }
0x203: {  	s3 =	sadd.s32 $0x1, s3;
	v0 =	vadd.f32 v9, v0;
	v5 =	vmul.f32 $1.131370830e+01, v57  }
0x204: {  	v61 =	vmul.f32 $1.131370830e+01, v8;
	p0 =	sne.s32 s3, $0xA;
	[tilespmem:s18+$0x70] =	vst v60;
	v62 =	vadd.f32 v59, v1  }
.Ltmp3:
0x205: {  	s8 =	sadd.s32 s6, s12;
	[tilespmem:s11+$0xFFFFFFF0] =	vst v0;
	v2 =	vadd.f32 v58, v5;
	(pc) =	sbr.rel @p0 .LBB2_2-.Ltmp3, $4  }
0x206: {  	s8 =	smul.u32 $0xC80, s8;
	[tilespmem:s18+$0xFFFFFFF0] =	vst v62;
	v63 =	vadd.f32 v3, v61  }
0x207: {  	[tilespmem:s7+$0x70] =	vst v2  }
0x208: {  	s31 =	sadd.s32 s4, s8;
	[tilespmem:s7+$0xFFFFFFF0] =	vst v63  }
0x209: {  	[hbm4b:s31+s5] =	stream.linear.scatter [tilespmem:s23], [sflag:$0x6], $0x6400, $0x38;
	[tilespmem:$0x1A900] =	vst v63  }
0x20a: {  	_ =	swait.ge [sflag:s29], $0x6400  }
0x20b: {  	[sflag:s29] =	ssyncset.done $0x0  }
0x20c: {  	s3 =	simm.s32 $0x1838;
	[sflag:s29] =	ssyncadd.s32 $0xFFFF9C00  }
0x20d: {  	[tilespmem:s20], [sflag:$0x2] =	stream.indirect.gather [hbm4b:s1+s14], $0x80, s3, s14, $0xb8;
	[tilespmem:$0x1A900] =	vst v63  }
0x20e: {  	s31 =	simm.s32 $0x18A0  }
0x20f: {  	[tilespmem:s21], [sflag:$0x2] =	stream.indirect.gather [hbm4b:s1+s16], $0x80, s31, s16, $0xb8;
	[tilespmem:$0x1A900] =	vst v63  }
0x210: {  	_ =	swait.ge [sflag:s22], $0x3400  }
0x211: {  	[sflag:s22] =	ssyncset.done $0x0  }
0x212: {  	[sflag:s22] =	ssyncadd.s32 $0xFFFFCC00  }
0x213: {  	_ =	swait.ge [sflag:s22], $0x3000  }
0x214: {  	[sflag:s22] =	ssyncset.done $0x0  }
0x215: {  	s3 =	simm.s32 $0x1980;
	[sflag:s22] =	ssyncadd.s32 $0xFFFFD000  }
0x216: {  	v0 =	vld [tilespmem:s3+$0x0]  }
0x217: {  	s9 =	simm.s32 $0x14580  }
0x218: {  	v1 =	vld [tilespmem:s9+$0x0];
	_ =	sdelay $0x2  }
0x219: {  	v2 =	vld [tilespmem:s3+$0xFFFFFF80];
	v0 =	vmul.f32 $1.131370830e+01, v0;
	_ =	sdelay $0x1  }
0x21a: {  	v3 =	vld [tilespmem:s9+$0xFFFFFF80];
	v0 =	vadd.f32 v1, v0  }
0x21b: {  	v1 =	vld [tilespmem:s3+$0x10]  }
0x21c: {  	[tilespmem:s3+$0x0] =	vst v0  }
0x21d: {  	v0 =	vmul.f32 $1.131370830e+01, v2;
	v2 =	vld [tilespmem:s9+$0x10];
	_ =	sdelay $0x1  }
0x21e: {  	v0 =	vadd.f32 v3, v0  }
0x21f: {  	v4 =	vld [tilespmem:s3+$0xFFFFFF90];
	v1 =	vmul.f32 $1.131370830e+01, v1  }
0x220: {  	[tilespmem:s3+$0xFFFFFF80] =	vst v0  }
0x221: {  	v0 =	vld [tilespmem:s9+$0xFFFFFF90];
	v1 =	vadd.f32 v2, v1  }
0x222: {  	v2 =	vld [tilespmem:s3+$0x20]  }
0x223: {  	v5 =	vld [tilespmem:s3+$0xFFFFFFA0];
	[tilespmem:s3+$0x10] =	vst v1  }
0x224: {  	v1 =	vmul.f32 $1.131370830e+01, v4;
	v4 =	vld [tilespmem:s9+$0x20]  }
0x225: {  	v6 =	vld [tilespmem:s3+$0xFFFFFFC0]  }
0x226: {  	s11 =	simm.s32 $0x1A80;
	v7 =	vld [tilespmem:s3+$0xFFFFFFD0]  }
0x227: {  	s12 =	simm.s32 $0x14680;
	v8 =	vld [tilespmem:s11+$0x0];
	v0 =	vadd.f32 v0, v1;
	v1 =	vmul.f32 $1.131370830e+01, v2  }
0x228: {  	v9 =	vld [tilespmem:s12+$0x0]  }
0x229: {  	v10 =	vld [tilespmem:s12+$0xFFFFFF80];
	v1 =	vadd.f32 v4, v1  }
0x22a: {  	v2 =	vld [tilespmem:s3+$0x30];
	[tilespmem:s3+$0xFFFFFF90] =	vst v0  }
0x22b: {  	v0 =	vld [tilespmem:s9+$0xFFFFFFA0];
	[tilespmem:s3+$0x20] =	vst v1  }
0x22c: {  	v4 =	vld [tilespmem:s9+$0x30]  }
0x22d: {  	v12 =	vld [tilespmem:s11+$0xFFFFFF90]  }
0x22e: {  	v13 =	vld [tilespmem:s11+$0xFFFFFFA0];
	v5 =	vmul.f32 $1.131370830e+01, v5  }
0x22f: {  	s8 =	simm.s32 $0x14780;
	v14 =	vld [tilespmem:s3+$0x70];
	v2 =	vmul.f32 $1.131370830e+01, v2  }
0x230: {  	s7 =	simm.s32 $0x1B80;
	v15 =	vld [tilespmem:s8+$0x0];
	v5 =	vadd.f32 v0, v5  }
0x231: {  	v17 =	vld [tilespmem:s7+$0xFFFFFF80];
	v2 =	vadd.f32 v4, v2  }
0x232: {  	[tilespmem:s3+$0xFFFFFFA0] =	vst v5;
	v5 =	vmul.f32 $1.131370830e+01, v8;
	v8 =	vld [tilespmem:s3+$0x40]  }
0x233: {  	[tilespmem:s3+$0x30] =	vst v2;
	v2 =	vld [tilespmem:s11+$0xFFFFFF80]  }
0x234: {  	v5 =	vadd.f32 v9, v5;
	v11 =	vld [tilespmem:s9+$0x40]  }
0x235: {  	v9 =	vld [tilespmem:s11+$0x10]  }
0x236: {  	v18 =	vld [tilespmem:s8+$0xFFFFFF80];
	[tilespmem:s11+$0x0] =	vst v5  }
0x237: {  	v5 =	vld [tilespmem:s12+$0x10];
	v8 =	vmul.f32 $1.131370830e+01, v8  }
0x238: {  	v3 =	vld [tilespmem:s3+$0xFFFFFFB0];
	v2 =	vmul.f32 $1.131370830e+01, v2  }
0x239: {  	v19 =	vld [tilespmem:s7+$0xFFFFFF90];
	v8 =	vadd.f32 v11, v8  }
0x23a: {  	v4 =	vld [tilespmem:s9+$0xFFFFFFB0];
	v9 =	vmul.f32 $1.131370830e+01, v9;
	v2 =	vadd.f32 v10, v2  }
0x23b: {  	v54 =	vld [tilespmem:s7+$0x10];
	[tilespmem:s3+$0x40] =	vst v8  }
0x23c: {  	v5 =	vadd.f32 v5, v9;
	v8 =	vld [tilespmem:s11+$0x20];
	[tilespmem:s11+$0xFFFFFF80] =	vst v2  }
0x23d: {  	v2 =	vmul.f32 $1.131370830e+01, v3;
	v3 =	vld [tilespmem:s12+$0xFFFFFF90]  }
0x23e: {  	v11 =	vld [tilespmem:s3+$0x50];
	[tilespmem:s11+$0x10] =	vst v5  }
0x23f: {  	v9 =	vld [tilespmem:s12+$0x20];
	v2 =	vadd.f32 v4, v2  }
0x240: {  	v5 =	vmul.f32 $1.131370830e+01, v12;
	v4 =	vld [tilespmem:s9+$0x50]  }
0x241: {  	v57 =	vld [tilespmem:s7+$0x20];
	[tilespmem:s3+$0xFFFFFFB0] =	vst v2  }
0x242: {  	v8 =	vmul.f32 $1.131370830e+01, v8;
	v12 =	vld [tilespmem:s9+$0xFFFFFFC0];
	v3 =	vadd.f32 v3, v5  }
0x243: {  	v59 =	vld [tilespmem:s7+$0xFFFFFFD0];
	v11 =	vmul.f32 $1.131370830e+01, v11  }
0x244: {  	v8 =	vadd.f32 v9, v8;
	v9 =	vld [tilespmem:s11+$0x30];
	[tilespmem:s11+$0xFFFFFF90] =	vst v3  }
0x245: {  	v6 =	vmul.f32 $1.131370830e+01, v6;
	v4 =	vadd.f32 v4, v11;
	v3 =	vld [tilespmem:s12+$0xFFFFFFA0]  }
0x246: {  	v62 =	vld [tilespmem:s7+$0x30];
	[tilespmem:s11+$0x20] =	vst v8  }
0x247: {  	[tilespmem:s3+$0x50] =	vst v4;
	v4 =	vadd.f32 v12, v6;
	v6 =	vld [tilespmem:s12+$0x30]  }
0x248: {  	v1 =	vld [tilespmem:s3+$0xFFFFFFE0];
	v8 =	vmul.f32 $1.131370830e+01, v13  }
0x249: {  	v0 =	vld [tilespmem:s3+$0xFFFFFFF0]  }
0x24a: {  	v10 =	vld [tilespmem:s11+$0xFFFFFFB0];
	v3 =	vadd.f32 v3, v8;
	v8 =	vmul.f32 $1.131370830e+01, v9  }
0x24b: {  	v2 =	vld [tilespmem:s11+$0xFFFFFFC0]  }
0x24c: {  	v5 =	vld [tilespmem:s11+$0xFFFFFFD0];
	[tilespmem:s11+$0xFFFFFFA0] =	vst v3;
	v3 =	vadd.f32 v6, v8  }
0x24d: {  	v8 =	vld [tilespmem:s7+$0x0]  }
0x24e: {  	[tilespmem:s11+$0x30] =	vst v3;
	v3 =	vld [tilespmem:s11+$0x40]  }
0x24f: {  	v11 =	vld [tilespmem:s3+$0x60]  }
0x250: {  	v16 =	vld [tilespmem:s12+$0x40]  }
0x251: {  	v13 =	vld [tilespmem:s11+$0xFFFFFFE0]  }
0x252: {  	v12 =	vld [tilespmem:s9+$0x60];
	[tilespmem:s3+$0xFFFFFFC0] =	vst v4;
	v8 =	vmul.f32 $1.131370830e+01, v8  }
0x253: {  	v4 =	vld [tilespmem:s9+$0xFFFFFFD0];
	v3 =	vmul.f32 $1.131370830e+01, v3  }
0x254: {  	v6 =	vld [tilespmem:s12+$0xFFFFFFB0];
	v8 =	vadd.f32 v15, v8  }
0x255: {  	v11 =	vmul.f32 $1.131370830e+01, v11;
	v9 =	vld [tilespmem:s11+$0xFFFFFFF0];
	v3 =	vadd.f32 v16, v3  }
0x256: {  	v17 =	vmul.f32 $1.131370830e+01, v17;
	[tilespmem:s7+$0x0] =	vst v8;
	v8 =	vld [tilespmem:s11+$0x50]  }
0x257: {  	v10 =	vmul.f32 $1.131370830e+01, v10;
	v11 =	vadd.f32 v12, v11;
	[tilespmem:s11+$0x40] =	vst v3;
	v3 =	vld [tilespmem:s8+$0x10]  }
0x258: {  	v7 =	vmul.f32 $1.131370830e+01, v7;
	v12 =	vadd.f32 v18, v17;
	v55 =	vld [tilespmem:s12+$0x50]  }
0x259: {  	[tilespmem:s3+$0x60] =	vst v11;
	v11 =	vld [tilespmem:s7+$0xFFFFFFB0];
	v6 =	vadd.f32 v6, v10  }
0x25a: {  	[tilespmem:s7+$0xFFFFFF80] =	vst v12;
	v12 =	vld [tilespmem:s7+$0xFFFFFFC0];
	v4 =	vadd.f32 v4, v7;
	v16 =	vmul.f32 $1.131370830e+01, v54  }
0x25b: {  	[tilespmem:s11+$0xFFFFFFB0] =	vst v6;
	v6 =	vld [tilespmem:s8+$0xFFFFFF90];
	v8 =	vmul.f32 $1.131370830e+01, v8  }
0x25c: {  	[tilespmem:s3+$0xFFFFFFD0] =	vst v4;
	v56 =	vld [tilespmem:s12+$0xFFFFFFC0];
	v3 =	vadd.f32 v3, v16  }
0x25d: {  	v4 =	vld [tilespmem:s9+$0xFFFFFFE0];
	v8 =	vadd.f32 v55, v8  }
0x25e: {  	v58 =	vmul.f32 $1.131370830e+01, v19;
	[tilespmem:s7+$0x10] =	vst v3;
	v3 =	vld [tilespmem:s11+$0x60]  }
0x25f: {  	v2 =	vmul.f32 $1.131370830e+01, v2;
	[tilespmem:s11+$0x50] =	vst v8;
	v7 =	vld [tilespmem:s8+$0x20]  }
0x260: {  	v6 =	vadd.f32 v6, v58;
	v8 =	vld [tilespmem:s12+$0x60]  }
0x261: {  	v15 =	vld [tilespmem:s7+$0xFFFFFFA0];
	v2 =	vadd.f32 v56, v2  }
0x262: {  	v60 =	vmul.f32 $1.131370830e+01, v57;
	v10 =	vld [tilespmem:s9+$0x70];
	[tilespmem:s7+$0xFFFFFF90] =	vst v6  }
0x263: {  	[tilespmem:s11+$0xFFFFFFC0] =	vst v2;
	v2 =	vld [tilespmem:s8+$0xFFFFFFA0];
	v3 =	vmul.f32 $1.131370830e+01, v3  }
0x264: {  	v61 =	vld [tilespmem:s12+$0xFFFFFFD0];
	v7 =	vadd.f32 v7, v60  }
0x265: {  	v1 =	vmul.f32 $1.131370830e+01, v1;
	v6 =	vld [tilespmem:s7+$0xFFFFFFE0];
	v3 =	vadd.f32 v8, v3  }
0x266: {  	v8 =	vmul.f32 $1.131370830e+01, v15;
	v15 =	vld [tilespmem:s11+$0x70];
	[tilespmem:s7+$0x20] =	vst v7  }
0x267: {  	v1 =	vadd.f32 v4, v1;
	v4 =	vmul.f32 $1.131370830e+01, v5;
	[tilespmem:s11+$0x60] =	vst v3;
	v63 =	vld [tilespmem:s8+$0x30]  }
0x268: {  	v0 =	vmul.f32 $1.131370830e+01, v0;
	v3 =	vmul.f32 $1.131370830e+01, v14;
	v14 =	vadd.f32 v2, v8;
	v7 =	vld [tilespmem:s12+$0x70]  }
0x269: {  	v5 =	vmul.f32 $1.131370830e+01, v11;
	[tilespmem:s3+$0xFFFFFFE0] =	vst v1;
	v2 =	vmul.f32 $1.131370830e+01, v13;
	v13 =	vadd.f32 v61, v4;
	v8 =	vld [tilespmem:s7+$0xFFFFFFF0]  }
0x26a: {  	v1 =	vmul.f32 $1.131370830e+01, v9;
	v9 =	vld [tilespmem:s9+$0xFFFFFFF0];
	v10 =	vadd.f32 v10, v3;
	[tilespmem:s7+$0xFFFFFFA0] =	vst v14;
	v14 =	vmul.f32 $1.131370830e+01, v62  }
0x26b: {  	v4 =	vmul.f32 $1.131370830e+01, v12;
	[tilespmem:s11+$0xFFFFFFD0] =	vst v13;
	v12 =	vld [tilespmem:s8+$0xFFFFFFB0];
	v11 =	vmul.f32 $1.131370830e+01, v15  }
0x26c: {  	s10 =	simm.s32 $0x4;
	s13 =	simm.s32 $0x1C80;
	s9 =	simm.s32 $0x14780;
	v6 =	vmul.f32 $1.131370830e+01, v6;
	v3 =	vmul.f32 $1.131370830e+01, v59;
	[tilespmem:s3+$0x70] =	vst v10;
	v10 =	vld [tilespmem:s12+$0xFFFFFFE0];
	v13 =	vadd.f32 v63, v14  }
.LBB2_10:
0x26d: {  	v14 =	vld [tilespmem:s13+$0x0];
	v7 =	vadd.f32 v7, v11  }
0x26e: {  	s10 =	sadd.s32 $0x2, s10;
	s8 =	sadd.s32 $0x100, s8;
	v8 =	vmul.f32 $1.131370830e+01, v8;
	[tilespmem:s7+$0x30] =	vst v13;
	v11 =	vld [tilespmem:s7+$0x40]  }
0x26f: {  	p0 =	slt.u32 s10, $0xC6;
	v13 =	vld [tilespmem:s8+$0x0];
	[tilespmem:s11+$0x70] =	vst v7;
	v7 =	vadd.f32 v9, v0;
	v0 =	vmov v1  }
0x270: {  	v5 =	vadd.f32 v12, v5;
	v9 =	vld [tilespmem:s9+$0x40];
	v1 =	vmov v8  }
0x271: {  	v8 =	vld [tilespmem:s13+$0xFFFFFF80];
	v10 =	vadd.f32 v10, v2;
	[tilespmem:s3+$0xFFFFFFF0] =	vst v7;
	v2 =	vmov v6;
	s3 =	smov.u32 s11;
	s11 =	smov.u32 s7;
	s7 =	smov.u32 s13  }
0x272: {  	v6 =	vld [tilespmem:s8+$0xFFFFFF80];
	v7 =	vmul.f32 $1.131370830e+01, v14;
	[tilespmem:s11+$0xFFFFFFB0] =	vst v5  }
0x273: {  	v5 =	vld [tilespmem:s13+$0xFFFFFF90];
	v11 =	vmul.f32 $1.131370830e+01, v11;
	[tilespmem:s3+$0xFFFFFFE0] =	vst v10  }
0x274: {  	v10 =	vld [tilespmem:s13+$0xFFFFFFA0];
	v7 =	vadd.f32 v13, v7  }
0x275: {  	v12 =	vld [tilespmem:s13+$0x10];
	v9 =	vadd.f32 v9, v11  }
0x276: {  	v8 =	vmul.f32 $1.131370830e+01, v8;
	[tilespmem:s13+$0x0] =	vst v7;
	v7 =	vld [tilespmem:s11+$0x50]  }
0x277: {  	v11 =	vld [tilespmem:s8+$0x10];
	[tilespmem:s11+$0x40] =	vst v9  }
0x278: {  	v6 =	vadd.f32 v6, v8;
	v8 =	vmul.f32 $1.131370830e+01, v5;
	v5 =	vld [tilespmem:s9+$0x50]  }
0x279: {  	v9 =	vmul.f32 $1.131370830e+01, v10;
	v10 =	vld [tilespmem:s13+$0xFFFFFFB0]  }
0x27a: {  	[tilespmem:s13+$0xFFFFFF80] =	vst v6;
	v6 =	vld [tilespmem:s13+$0xFFFFFFC0];
	v12 =	vmul.f32 $1.131370830e+01, v12  }
0x27b: {  	v13 =	vld [tilespmem:s8+$0xFFFFFF90];
	v7 =	vmul.f32 $1.131370830e+01, v7  }
0x27c: {  	v11 =	vadd.f32 v11, v12;
	v12 =	vld [tilespmem:s9+$0xFFFFFFC0]  }
0x27d: {  	v14 =	vld [tilespmem:s13+$0x20];
	v7 =	vadd.f32 v5, v7  }
0x27e: {  	v5 =	vmul.f32 $1.131370830e+01, v10;
	[tilespmem:s13+$0x10] =	vst v11;
	v10 =	vld [tilespmem:s11+$0x60]  }
0x27f: {  	v6 =	vmul.f32 $1.131370830e+01, v6;
	v11 =	vld [tilespmem:s8+$0x20];
	[tilespmem:s11+$0x50] =	vst v7  }
0x280: {  	v7 =	vadd.f32 v13, v8;
	v8 =	vld [tilespmem:s9+$0x60]  }
0x281: {  	v13 =	vld [tilespmem:s13+$0xFFFFFFD0];
	v12 =	vadd.f32 v12, v4;
	v4 =	vmov v6  }
0x282: {  	[tilespmem:s13+$0xFFFFFF90] =	vst v7;
	v6 =	vld [tilespmem:s13+$0xFFFFFFE0];
	v7 =	vmul.f32 $1.131370830e+01, v14  }
0x283: {  	v14 =	vld [tilespmem:s8+$0xFFFFFFA0];
	[tilespmem:s11+$0xFFFFFFC0] =	vst v12;
	v10 =	vmul.f32 $1.131370830e+01, v10  }
0x284: {  	v7 =	vadd.f32 v11, v7;
	v11 =	vld [tilespmem:s9+$0xFFFFFFD0]  }
0x285: {  	v12 =	vld [tilespmem:s13+$0x30];
	v8 =	vadd.f32 v8, v10  }
0x286: {  	v10 =	vmul.f32 $1.131370830e+01, v13;
	[tilespmem:s13+$0x20] =	vst v7;
	v13 =	vld [tilespmem:s11+$0x70]  }
0x287: {  	v6 =	vmul.f32 $1.131370830e+01, v6;
	v15 =	vld [tilespmem:s8+$0x30];
	[tilespmem:s11+$0x60] =	vst v8  }
.Ltmp4:
0x288: {  	v9 =	vadd.f32 v14, v9;
	v7 =	vld [tilespmem:s9+$0x70];
	(pc) =	sbr.rel @p0 .LBB2_10-.Ltmp4, $4  }
0x289: {  	v8 =	vld [tilespmem:s13+$0xFFFFFFF0];
	v11 =	vadd.f32 v11, v3;
	v3 =	vmov v10  }
0x28a: {  	[tilespmem:s13+$0xFFFFFFA0] =	vst v9;
	v10 =	vmul.f32 $1.131370830e+01, v12;
	v9 =	vld [tilespmem:s12+$0xFFFFFFF0];
	s12 =	smov.u32 s9;
	s9 =	smov.u32 s8  }
0x28b: {  	v12 =	vld [tilespmem:s8+$0xFFFFFFB0];
	[tilespmem:s11+$0xFFFFFFD0] =	vst v11;
	v11 =	vmul.f32 $1.131370830e+01, v13  }
0x28c: {  	s13 =	sadd.s32 $0x100, s13;
	v13 =	vadd.f32 v15, v10;
	v10 =	vld [tilespmem:s12+$0xFFFFFFE0]  }
0x28d: {  	_ =	sdelay $0x2  }
0x28e: {  	[tilespmem:s7+$0x30] =	vst v13;
	v13 =	vld [tilespmem:s7+$0x40];
	v5 =	vadd.f32 v12, v5;
	_ =	sdelay $0x1  }
0x28f: {  	v12 =	vld [tilespmem:s9+$0x40];
	[tilespmem:s7+$0xFFFFFFB0] =	vst v5  }
0x290: {  	v5 =	vld [tilespmem:s9+$0xFFFFFFC0];
	_ =	sdelay $0x1  }
0x291: {  	v13 =	vmul.f32 $1.131370830e+01, v13;
	_ =	sdelay $0x1  }
0x292: {  	v12 =	vadd.f32 v12, v13  }
0x293: {  	v13 =	vld [tilespmem:s7+$0x50];
	v4 =	vadd.f32 v5, v4  }
0x294: {  	[tilespmem:s7+$0x40] =	vst v12  }
0x295: {  	v5 =	vld [tilespmem:s9+$0x50];
	[tilespmem:s7+$0xFFFFFFC0] =	vst v4  }
0x296: {  	v4 =	vld [tilespmem:s9+$0xFFFFFFD0];
	_ =	sdelay $0x1  }
0x297: {  	v12 =	vmul.f32 $1.131370830e+01, v13;
	_ =	sdelay $0x1  }
0x298: {  	v5 =	vadd.f32 v5, v12  }
0x299: {  	v12 =	vld [tilespmem:s7+$0x60];
	v3 =	vadd.f32 v4, v3  }
0x29a: {  	[tilespmem:s7+$0x50] =	vst v5  }
0x29b: {  	v4 =	vld [tilespmem:s9+$0x60];
	[tilespmem:s7+$0xFFFFFFD0] =	vst v3  }
0x29c: {  	v3 =	vld [tilespmem:s9+$0xFFFFFFE0];
	_ =	sdelay $0x1  }
0x29d: {  	v5 =	vmul.f32 $1.131370830e+01, v12  }
0x29e: {  	v2 =	vadd.f32 v10, v2  }
0x29f: {  	v4 =	vadd.f32 v4, v5  }
0x2a0: {  	[tilespmem:s11+$0xFFFFFFE0] =	vst v2;
	v5 =	vld [tilespmem:s7+$0x70];
	v3 =	vadd.f32 v3, v6  }
0x2a1: {  	[tilespmem:s7+$0x60] =	vst v4;
	v4 =	vld [tilespmem:s12+$0xFFFFFFF0]  }
0x2a2: {  	v2 =	vld [tilespmem:s9+$0x70];
	[tilespmem:s7+$0xFFFFFFE0] =	vst v3  }
0x2a3: {  	v3 =	vld [tilespmem:s9+$0xFFFFFFF0]  }
0x2a4: {  	v0 =	vadd.f32 v9, v0  }
0x2a5: {  	v6 =	vadd.f32 v7, v11;
	v5 =	vmul.f32 $1.131370830e+01, v5  }
0x2a6: {  	[tilespmem:s3+$0xFFFFFFF0] =	vst v0;
	v7 =	vmul.f32 $1.131370830e+01, v8;
	v0 =	vadd.f32 v4, v1  }
0x2a7: {  	[tilespmem:s11+$0x70] =	vst v6;
	v2 =	vadd.f32 v2, v5  }
0x2a8: {  	[tilespmem:s11+$0xFFFFFFF0] =	vst v0;
	v1 =	vadd.f32 v3, v7  }
0x2a9: {  	[tilespmem:s7+$0x70] =	vst v2  }
0x2aa: {  	[tilespmem:s7+$0xFFFFFFF0] =	vst v1  }
0x2ab: {  	s3 =	rddreg [dreg:$0x6]  }
0x2ac: {  	[hbm4b:s3+s5] =	stream.linear.scatter [tilespmem:s15], [sflag:$0x4], $0x6400, $0x38;
	[tilespmem:$0x1A900] =	vst v63  }
0x2ad: {  	_ =	swait.ge [sflag:s25], $0x3400  }
0x2ae: {  	[sflag:s25] =	ssyncset.done $0x0  }
0x2af: {  	[sflag:s25] =	ssyncadd.s32 $0xFFFFCC00  }
0x2b0: {  	_ =	swait.ge [sflag:s25], $0x3000  }
0x2b1: {  	[sflag:s25] =	ssyncset.done $0x0  }
0x2b2: {  	s3 =	simm.s32 $0x7D80;
	[sflag:s25] =	ssyncadd.s32 $0xFFFFD000  }
0x2b3: {  	v0 =	vld [tilespmem:s3+$0x0]  }
0x2b4: {  	s31 =	simm.s32 $0x14580  }
0x2b5: {  	v1 =	vld [tilespmem:s31+$0x0];
	_ =	sdelay $0x2  }
0x2b6: {  	v2 =	vld [tilespmem:s3+$0xFFFFFF80];
	v0 =	vmul.f32 $1.131370830e+01, v0;
	_ =	sdelay $0x1  }
0x2b7: {  	v3 =	vld [tilespmem:s31+$0xFFFFFF80];
	v0 =	vadd.f32 v1, v0  }
0x2b8: {  	v1 =	vld [tilespmem:s3+$0x10]  }
0x2b9: {  	[tilespmem:s3+$0x0] =	vst v0  }
0x2ba: {  	v0 =	vmul.f32 $1.131370830e+01, v2;
	v2 =	vld [tilespmem:s31+$0x10];
	_ =	sdelay $0x1  }
0x2bb: {  	v0 =	vadd.f32 v3, v0  }
0x2bc: {  	v4 =	vld [tilespmem:s3+$0xFFFFFF90];
	v1 =	vmul.f32 $1.131370830e+01, v1  }
0x2bd: {  	[tilespmem:s3+$0xFFFFFF80] =	vst v0  }
0x2be: {  	v0 =	vld [tilespmem:s31+$0xFFFFFF90];
	v1 =	vadd.f32 v2, v1  }
0x2bf: {  	v2 =	vld [tilespmem:s3+$0x20]  }
0x2c0: {  	v5 =	vld [tilespmem:s3+$0xFFFFFFA0];
	[tilespmem:s3+$0x10] =	vst v1  }
0x2c1: {  	v1 =	vmul.f32 $1.131370830e+01, v4;
	v4 =	vld [tilespmem:s31+$0x20]  }
0x2c2: {  	v6 =	vld [tilespmem:s3+$0xFFFFFFC0]  }
0x2c3: {  	s11 =	simm.s32 $0x7E80;
	v7 =	vld [tilespmem:s3+$0xFFFFFFD0]  }
0x2c4: {  	s12 =	simm.s32 $0x14680;
	v8 =	vld [tilespmem:s11+$0x0];
	v0 =	vadd.f32 v0, v1;
	v1 =	vmul.f32 $1.131370830e+01, v2  }
0x2c5: {  	v9 =	vld [tilespmem:s12+$0x0]  }
0x2c6: {  	v10 =	vld [tilespmem:s12+$0xFFFFFF80];
	v1 =	vadd.f32 v4, v1  }
0x2c7: {  	v2 =	vld [tilespmem:s3+$0x30];
	[tilespmem:s3+$0xFFFFFF90] =	vst v0  }
0x2c8: {  	v0 =	vld [tilespmem:s31+$0xFFFFFFA0];
	[tilespmem:s3+$0x20] =	vst v1  }
0x2c9: {  	v4 =	vld [tilespmem:s31+$0x30]  }
0x2ca: {  	v12 =	vld [tilespmem:s11+$0xFFFFFF90]  }
0x2cb: {  	v13 =	vld [tilespmem:s11+$0xFFFFFFA0];
	v5 =	vmul.f32 $1.131370830e+01, v5  }
0x2cc: {  	s8 =	simm.s32 $0x14780;
	v14 =	vld [tilespmem:s3+$0x70];
	v2 =	vmul.f32 $1.131370830e+01, v2  }
0x2cd: {  	s7 =	simm.s32 $0x7F80;
	v15 =	vld [tilespmem:s8+$0x0];
	v5 =	vadd.f32 v0, v5  }
0x2ce: {  	v17 =	vld [tilespmem:s7+$0xFFFFFF80];
	v2 =	vadd.f32 v4, v2  }
0x2cf: {  	[tilespmem:s3+$0xFFFFFFA0] =	vst v5;
	v5 =	vmul.f32 $1.131370830e+01, v8;
	v8 =	vld [tilespmem:s3+$0x40]  }
0x2d0: {  	[tilespmem:s3+$0x30] =	vst v2;
	v2 =	vld [tilespmem:s11+$0xFFFFFF80]  }
0x2d1: {  	v5 =	vadd.f32 v9, v5;
	v11 =	vld [tilespmem:s31+$0x40]  }
0x2d2: {  	v9 =	vld [tilespmem:s11+$0x10]  }
0x2d3: {  	v18 =	vld [tilespmem:s8+$0xFFFFFF80];
	[tilespmem:s11+$0x0] =	vst v5  }
0x2d4: {  	v5 =	vld [tilespmem:s12+$0x10];
	v8 =	vmul.f32 $1.131370830e+01, v8  }
0x2d5: {  	v3 =	vld [tilespmem:s3+$0xFFFFFFB0];
	v2 =	vmul.f32 $1.131370830e+01, v2  }
0x2d6: {  	v19 =	vld [tilespmem:s7+$0xFFFFFF90];
	v8 =	vadd.f32 v11, v8  }
0x2d7: {  	v4 =	vld [tilespmem:s31+$0xFFFFFFB0];
	v9 =	vmul.f32 $1.131370830e+01, v9;
	v2 =	vadd.f32 v10, v2  }
0x2d8: {  	v54 =	vld [tilespmem:s7+$0x10];
	[tilespmem:s3+$0x40] =	vst v8  }
0x2d9: {  	v5 =	vadd.f32 v5, v9;
	v8 =	vld [tilespmem:s11+$0x20];
	[tilespmem:s11+$0xFFFFFF80] =	vst v2  }
0x2da: {  	v2 =	vmul.f32 $1.131370830e+01, v3;
	v3 =	vld [tilespmem:s12+$0xFFFFFF90]  }
0x2db: {  	v11 =	vld [tilespmem:s3+$0x50];
	[tilespmem:s11+$0x10] =	vst v5  }
0x2dc: {  	v9 =	vld [tilespmem:s12+$0x20];
	v2 =	vadd.f32 v4, v2  }
0x2dd: {  	v5 =	vmul.f32 $1.131370830e+01, v12;
	v4 =	vld [tilespmem:s31+$0x50]  }
0x2de: {  	v57 =	vld [tilespmem:s7+$0x20];
	[tilespmem:s3+$0xFFFFFFB0] =	vst v2  }
0x2df: {  	v8 =	vmul.f32 $1.131370830e+01, v8;
	v12 =	vld [tilespmem:s31+$0xFFFFFFC0];
	v3 =	vadd.f32 v3, v5  }
0x2e0: {  	v59 =	vld [tilespmem:s7+$0xFFFFFFD0];
	v11 =	vmul.f32 $1.131370830e+01, v11  }
0x2e1: {  	v8 =	vadd.f32 v9, v8;
	v9 =	vld [tilespmem:s11+$0x30];
	[tilespmem:s11+$0xFFFFFF90] =	vst v3  }
0x2e2: {  	v6 =	vmul.f32 $1.131370830e+01, v6;
	v4 =	vadd.f32 v4, v11;
	v3 =	vld [tilespmem:s12+$0xFFFFFFA0]  }
0x2e3: {  	v62 =	vld [tilespmem:s7+$0x30];
	[tilespmem:s11+$0x20] =	vst v8  }
0x2e4: {  	[tilespmem:s3+$0x50] =	vst v4;
	v4 =	vadd.f32 v12, v6;
	v6 =	vld [tilespmem:s12+$0x30]  }
0x2e5: {  	v1 =	vld [tilespmem:s3+$0xFFFFFFE0];
	v8 =	vmul.f32 $1.131370830e+01, v13  }
0x2e6: {  	v0 =	vld [tilespmem:s3+$0xFFFFFFF0]  }
0x2e7: {  	v10 =	vld [tilespmem:s11+$0xFFFFFFB0];
	v3 =	vadd.f32 v3, v8;
	v8 =	vmul.f32 $1.131370830e+01, v9  }
0x2e8: {  	v2 =	vld [tilespmem:s11+$0xFFFFFFC0]  }
0x2e9: {  	v5 =	vld [tilespmem:s11+$0xFFFFFFD0];
	[tilespmem:s11+$0xFFFFFFA0] =	vst v3;
	v3 =	vadd.f32 v6, v8  }
0x2ea: {  	v8 =	vld [tilespmem:s7+$0x0]  }
0x2eb: {  	[tilespmem:s11+$0x30] =	vst v3;
	v3 =	vld [tilespmem:s11+$0x40]  }
0x2ec: {  	v11 =	vld [tilespmem:s3+$0x60]  }
0x2ed: {  	v16 =	vld [tilespmem:s12+$0x40]  }
0x2ee: {  	v13 =	vld [tilespmem:s11+$0xFFFFFFE0]  }
0x2ef: {  	v12 =	vld [tilespmem:s31+$0x60];
	[tilespmem:s3+$0xFFFFFFC0] =	vst v4;
	v8 =	vmul.f32 $1.131370830e+01, v8  }
0x2f0: {  	v4 =	vld [tilespmem:s31+$0xFFFFFFD0];
	v3 =	vmul.f32 $1.131370830e+01, v3  }
0x2f1: {  	v6 =	vld [tilespmem:s12+$0xFFFFFFB0];
	v8 =	vadd.f32 v15, v8  }
0x2f2: {  	v11 =	vmul.f32 $1.131370830e+01, v11;
	v9 =	vld [tilespmem:s11+$0xFFFFFFF0];
	v3 =	vadd.f32 v16, v3  }
0x2f3: {  	v17 =	vmul.f32 $1.131370830e+01, v17;
	[tilespmem:s7+$0x0] =	vst v8;
	v8 =	vld [tilespmem:s11+$0x50]  }
0x2f4: {  	v10 =	vmul.f32 $1.131370830e+01, v10;
	v11 =	vadd.f32 v12, v11;
	[tilespmem:s11+$0x40] =	vst v3;
	v3 =	vld [tilespmem:s8+$0x10]  }
0x2f5: {  	v7 =	vmul.f32 $1.131370830e+01, v7;
	v12 =	vadd.f32 v18, v17;
	v55 =	vld [tilespmem:s12+$0x50]  }
0x2f6: {  	[tilespmem:s3+$0x60] =	vst v11;
	v11 =	vld [tilespmem:s7+$0xFFFFFFB0];
	v6 =	vadd.f32 v6, v10  }
0x2f7: {  	[tilespmem:s7+$0xFFFFFF80] =	vst v12;
	v12 =	vld [tilespmem:s7+$0xFFFFFFC0];
	v4 =	vadd.f32 v4, v7;
	v16 =	vmul.f32 $1.131370830e+01, v54  }
0x2f8: {  	[tilespmem:s11+$0xFFFFFFB0] =	vst v6;
	v6 =	vld [tilespmem:s8+$0xFFFFFF90];
	v8 =	vmul.f32 $1.131370830e+01, v8  }
0x2f9: {  	[tilespmem:s3+$0xFFFFFFD0] =	vst v4;
	v56 =	vld [tilespmem:s12+$0xFFFFFFC0];
	v3 =	vadd.f32 v3, v16  }
0x2fa: {  	v4 =	vld [tilespmem:s31+$0xFFFFFFE0];
	v8 =	vadd.f32 v55, v8  }
0x2fb: {  	v58 =	vmul.f32 $1.131370830e+01, v19;
	[tilespmem:s7+$0x10] =	vst v3;
	v3 =	vld [tilespmem:s11+$0x60]  }
0x2fc: {  	v2 =	vmul.f32 $1.131370830e+01, v2;
	[tilespmem:s11+$0x50] =	vst v8;
	v7 =	vld [tilespmem:s8+$0x20]  }
0x2fd: {  	v6 =	vadd.f32 v6, v58;
	v8 =	vld [tilespmem:s12+$0x60]  }
0x2fe: {  	v15 =	vld [tilespmem:s7+$0xFFFFFFA0];
	v2 =	vadd.f32 v56, v2  }
0x2ff: {  	v60 =	vmul.f32 $1.131370830e+01, v57;
	v10 =	vld [tilespmem:s31+$0x70];
	[tilespmem:s7+$0xFFFFFF90] =	vst v6  }
0x300: {  	[tilespmem:s11+$0xFFFFFFC0] =	vst v2;
	v2 =	vld [tilespmem:s8+$0xFFFFFFA0];
	v3 =	vmul.f32 $1.131370830e+01, v3  }
0x301: {  	v61 =	vld [tilespmem:s12+$0xFFFFFFD0];
	v7 =	vadd.f32 v7, v60  }
0x302: {  	v1 =	vmul.f32 $1.131370830e+01, v1;
	v6 =	vld [tilespmem:s7+$0xFFFFFFE0];
	v3 =	vadd.f32 v8, v3  }
0x303: {  	v8 =	vmul.f32 $1.131370830e+01, v15;
	v15 =	vld [tilespmem:s11+$0x70];
	[tilespmem:s7+$0x20] =	vst v7  }
0x304: {  	v1 =	vadd.f32 v4, v1;
	v4 =	vmul.f32 $1.131370830e+01, v5;
	[tilespmem:s11+$0x60] =	vst v3;
	v63 =	vld [tilespmem:s8+$0x30]  }
0x305: {  	v0 =	vmul.f32 $1.131370830e+01, v0;
	v3 =	vmul.f32 $1.131370830e+01, v14;
	v14 =	vadd.f32 v2, v8;
	v7 =	vld [tilespmem:s12+$0x70]  }
0x306: {  	v5 =	vmul.f32 $1.131370830e+01, v11;
	[tilespmem:s3+$0xFFFFFFE0] =	vst v1;
	v2 =	vmul.f32 $1.131370830e+01, v13;
	v13 =	vadd.f32 v61, v4;
	v8 =	vld [tilespmem:s7+$0xFFFFFFF0]  }
0x307: {  	v1 =	vmul.f32 $1.131370830e+01, v9;
	v9 =	vld [tilespmem:s31+$0xFFFFFFF0];
	v10 =	vadd.f32 v10, v3;
	[tilespmem:s7+$0xFFFFFFA0] =	vst v14;
	v14 =	vmul.f32 $1.131370830e+01, v62  }
0x308: {  	v4 =	vmul.f32 $1.131370830e+01, v12;
	[tilespmem:s11+$0xFFFFFFD0] =	vst v13;
	v12 =	vld [tilespmem:s8+$0xFFFFFFB0];
	v11 =	vmul.f32 $1.131370830e+01, v15  }
0x309: {  	s10 =	simm.s32 $0x4;
	s13 =	simm.s32 $0x8080;
	s9 =	simm.s32 $0x14780;
	v6 =	vmul.f32 $1.131370830e+01, v6;
	v3 =	vmul.f32 $1.131370830e+01, v59;
	[tilespmem:s3+$0x70] =	vst v10;
	v10 =	vld [tilespmem:s12+$0xFFFFFFE0];
	v13 =	vadd.f32 v63, v14  }
.LBB2_12:
0x30a: {  	v14 =	vld [tilespmem:s13+$0x0];
	v7 =	vadd.f32 v7, v11  }
0x30b: {  	s10 =	sadd.s32 $0x2, s10;
	s8 =	sadd.s32 $0x100, s8;
	v8 =	vmul.f32 $1.131370830e+01, v8;
	[tilespmem:s7+$0x30] =	vst v13;
	v11 =	vld [tilespmem:s7+$0x40]  }
0x30c: {  	p0 =	slt.u32 s10, $0xC6;
	v13 =	vld [tilespmem:s8+$0x0];
	[tilespmem:s11+$0x70] =	vst v7;
	v7 =	vadd.f32 v9, v0;
	v0 =	vmov v1  }
0x30d: {  	v5 =	vadd.f32 v12, v5;
	v9 =	vld [tilespmem:s9+$0x40];
	v1 =	vmov v8  }
0x30e: {  	v8 =	vld [tilespmem:s13+$0xFFFFFF80];
	v10 =	vadd.f32 v10, v2;
	[tilespmem:s3+$0xFFFFFFF0] =	vst v7;
	v2 =	vmov v6;
	s3 =	smov.u32 s11;
	s11 =	smov.u32 s7;
	s7 =	smov.u32 s13  }
0x30f: {  	v6 =	vld [tilespmem:s8+$0xFFFFFF80];
	v7 =	vmul.f32 $1.131370830e+01, v14;
	[tilespmem:s11+$0xFFFFFFB0] =	vst v5  }
0x310: {  	v5 =	vld [tilespmem:s13+$0xFFFFFF90];
	v11 =	vmul.f32 $1.131370830e+01, v11;
	[tilespmem:s3+$0xFFFFFFE0] =	vst v10  }
0x311: {  	v10 =	vld [tilespmem:s13+$0xFFFFFFA0];
	v7 =	vadd.f32 v13, v7  }
0x312: {  	v12 =	vld [tilespmem:s13+$0x10];
	v9 =	vadd.f32 v9, v11  }
0x313: {  	v8 =	vmul.f32 $1.131370830e+01, v8;
	[tilespmem:s13+$0x0] =	vst v7;
	v7 =	vld [tilespmem:s11+$0x50]  }
0x314: {  	v11 =	vld [tilespmem:s8+$0x10];
	[tilespmem:s11+$0x40] =	vst v9  }
0x315: {  	v6 =	vadd.f32 v6, v8;
	v8 =	vmul.f32 $1.131370830e+01, v5;
	v5 =	vld [tilespmem:s9+$0x50]  }
0x316: {  	v9 =	vmul.f32 $1.131370830e+01, v10;
	v10 =	vld [tilespmem:s13+$0xFFFFFFB0]  }
0x317: {  	[tilespmem:s13+$0xFFFFFF80] =	vst v6;
	v6 =	vld [tilespmem:s13+$0xFFFFFFC0];
	v12 =	vmul.f32 $1.131370830e+01, v12  }
0x318: {  	v13 =	vld [tilespmem:s8+$0xFFFFFF90];
	v7 =	vmul.f32 $1.131370830e+01, v7  }
0x319: {  	v11 =	vadd.f32 v11, v12;
	v12 =	vld [tilespmem:s9+$0xFFFFFFC0]  }
0x31a: {  	v14 =	vld [tilespmem:s13+$0x20];
	v7 =	vadd.f32 v5, v7  }
0x31b: {  	v5 =	vmul.f32 $1.131370830e+01, v10;
	[tilespmem:s13+$0x10] =	vst v11;
	v10 =	vld [tilespmem:s11+$0x60]  }
0x31c: {  	v6 =	vmul.f32 $1.131370830e+01, v6;
	v11 =	vld [tilespmem:s8+$0x20];
	[tilespmem:s11+$0x50] =	vst v7  }
0x31d: {  	v7 =	vadd.f32 v13, v8;
	v8 =	vld [tilespmem:s9+$0x60]  }
0x31e: {  	v13 =	vld [tilespmem:s13+$0xFFFFFFD0];
	v12 =	vadd.f32 v12, v4;
	v4 =	vmov v6  }
0x31f: {  	[tilespmem:s13+$0xFFFFFF90] =	vst v7;
	v6 =	vld [tilespmem:s13+$0xFFFFFFE0];
	v7 =	vmul.f32 $1.131370830e+01, v14  }
0x320: {  	v14 =	vld [tilespmem:s8+$0xFFFFFFA0];
	[tilespmem:s11+$0xFFFFFFC0] =	vst v12;
	v10 =	vmul.f32 $1.131370830e+01, v10  }
0x321: {  	v7 =	vadd.f32 v11, v7;
	v11 =	vld [tilespmem:s9+$0xFFFFFFD0]  }
0x322: {  	v12 =	vld [tilespmem:s13+$0x30];
	v8 =	vadd.f32 v8, v10  }
0x323: {  	v10 =	vmul.f32 $1.131370830e+01, v13;
	[tilespmem:s13+$0x20] =	vst v7;
	v13 =	vld [tilespmem:s11+$0x70]  }
0x324: {  	v6 =	vmul.f32 $1.131370830e+01, v6;
	v15 =	vld [tilespmem:s8+$0x30];
	[tilespmem:s11+$0x60] =	vst v8  }
.Ltmp5:
0x325: {  	v9 =	vadd.f32 v14, v9;
	v7 =	vld [tilespmem:s9+$0x70];
	(pc) =	sbr.rel @p0 .LBB2_12-.Ltmp5, $4  }
0x326: {  	v8 =	vld [tilespmem:s13+$0xFFFFFFF0];
	v11 =	vadd.f32 v11, v3;
	v3 =	vmov v10  }
0x327: {  	[tilespmem:s13+$0xFFFFFFA0] =	vst v9;
	v10 =	vmul.f32 $1.131370830e+01, v12;
	v9 =	vld [tilespmem:s12+$0xFFFFFFF0];
	s12 =	smov.u32 s9;
	s9 =	smov.u32 s8  }
0x328: {  	v12 =	vld [tilespmem:s8+$0xFFFFFFB0];
	[tilespmem:s11+$0xFFFFFFD0] =	vst v11;
	v11 =	vmul.f32 $1.131370830e+01, v13  }
0x329: {  	s13 =	sadd.s32 $0x100, s13;
	v13 =	vadd.f32 v15, v10;
	v10 =	vld [tilespmem:s12+$0xFFFFFFE0]  }
0x32a: {  	_ =	sdelay $0x2  }
0x32b: {  	v49 =	vld [tilespmem:s7+$0x40];
	v5 =	vadd.f32 v12, v5  }
0x32c: {  	[tilespmem:s7+$0x30] =	vst v13  }
0x32d: {  	v50 =	vld [tilespmem:s9+$0x40];
	[tilespmem:s7+$0xFFFFFFB0] =	vst v5  }
0x32e: {  	v5 =	vld [tilespmem:s9+$0xFFFFFFC0];
	_ =	sdelay $0x1  }
0x32f: {  	v13 =	vmul.f32 $1.131370830e+01, v49;
	_ =	sdelay $0x1  }
0x330: {  	v12 =	vadd.f32 v50, v13  }
0x331: {  	v51 =	vld [tilespmem:s7+$0x50];
	v4 =	vadd.f32 v5, v4  }
0x332: {  	[tilespmem:s7+$0x40] =	vst v12  }
0x333: {  	v52 =	vld [tilespmem:s9+$0x50];
	[tilespmem:s7+$0xFFFFFFC0] =	vst v4  }
0x334: {  	v4 =	vld [tilespmem:s9+$0xFFFFFFD0];
	_ =	sdelay $0x1  }
0x335: {  	v53 =	vmul.f32 $1.131370830e+01, v51;
	_ =	sdelay $0x1  }
0x336: {  	v5 =	vadd.f32 v52, v53  }
0x337: {  	v54 =	vld [tilespmem:s7+$0x60];
	v3 =	vadd.f32 v4, v3  }
0x338: {  	[tilespmem:s7+$0x50] =	vst v5  }
0x339: {  	v55 =	vld [tilespmem:s9+$0x60];
	[tilespmem:s7+$0xFFFFFFD0] =	vst v3  }
0x33a: {  	v3 =	vld [tilespmem:s9+$0xFFFFFFE0];
	_ =	sdelay $0x1  }
0x33b: {  	v56 =	vmul.f32 $1.131370830e+01, v54  }
0x33c: {  	v2 =	vadd.f32 v10, v2  }
0x33d: {  	v4 =	vadd.f32 v55, v56  }
0x33e: {  	v57 =	vld [tilespmem:s7+$0x70];
	[tilespmem:s11+$0xFFFFFFE0] =	vst v2;
	v3 =	vadd.f32 v3, v6  }
0x33f: {  	v59 =	vld [tilespmem:s12+$0xFFFFFFF0];
	[tilespmem:s7+$0x60] =	vst v4  }
0x340: {  	v58 =	vld [tilespmem:s9+$0x70];
	[tilespmem:s7+$0xFFFFFFE0] =	vst v3  }
0x341: {  	v3 =	vld [tilespmem:s9+$0xFFFFFFF0]  }
0x342: {  	v60 =	vadd.f32 v7, v11  }
0x343: {  	v0 =	vadd.f32 v9, v0;
	v5 =	vmul.f32 $1.131370830e+01, v57  }
0x344: {  	v61 =	vmul.f32 $1.131370830e+01, v8;
	[tilespmem:s11+$0x70] =	vst v60;
	v62 =	vadd.f32 v59, v1  }
0x345: {  	[tilespmem:s3+$0xFFFFFFF0] =	vst v0;
	v2 =	vadd.f32 v58, v5  }
0x346: {  	[tilespmem:s11+$0xFFFFFFF0] =	vst v62;
	v63 =	vadd.f32 v3, v61  }
0x347: {  	[tilespmem:s7+$0x70] =	vst v2  }
0x348: {  	[tilespmem:s7+$0xFFFFFFF0] =	vst v63  }
0x349: {  	s3 =	rddreg [dreg:$0x7]  }
0x34a: {  	[hbm4b:s3+s5] =	stream.linear.scatter [tilespmem:s20], [sflag:$0x5], $0x6400, $0x38;
	[tilespmem:$0x1A900] =	vst v63  }
0x34b: {  	_ =	swait.ge [sflag:s2], $0x6400  }
0x34c: {  	[sflag:s2] =	ssyncset.done $0x0  }
0x34d: {  	[sflag:s2] =	ssyncadd.s32 $0xFFFF9C00  }
0x34e: {  	_ =	swait.ge [sflag:s26], $0x6400  }
0x34f: {  	[sflag:s26] =	ssyncset.done $0x0  }
0x350: {  	[sflag:s26] =	ssyncadd.s32 $0xFFFF9C00  }
0x351: {  	_ =	swait.ge [sflag:s29], $0x6400  }
0x352: {  	s0 =	sadd.s32 $0x1, s0;
	s31 =	rddreg [dreg:$0x8]  }
0x353: {  	p0 =	sne.s32 s0, s31  }
.Ltmp6:
0x354: {  	_ = 	snop;
	(pc) =	sbr.rel @p0 .LBB2_1-.Ltmp6, $3  }
0x355: {  	_ =	sdelay $0x1  }
0x356: {  	[sflag:s29] =	ssyncset.done $0x0  }
0x357: {  	[sflag:s29] =	ssyncadd.s32 $0xFFFF9C00  }
0x358: {  	_ =	sfence.sel $0x180000  }
0x359: {  	[bflag:$0x0] =	sbarrier.arrive $0xFFFF  }
0x35a: {  	_ =	strace $0x90000047  }
0x35b: {  	s0 =	stileid.u32;
	[bflag:$0x2] =	sbarrier.arrive $0xFFFF  }
0x35c: {  	p0 =	sne.s32 s0, $0x0;
	s0 =	rddreg [dreg:$0x4]  }
0x35d: {  	s0 =	sadd.s32 @!p0 $0x100000, s0  }
0x35e: {  	[sflag:s0] =	ssyncadd.tile.s32 @!p0 $0x1;
	_ =	shalt  }
.Lfunc_end2:
_tile_overlayer_lowered:
.L_overlay_start_2:
0x35f: {  	(tag) =	ssettag $0x2  }
0x360: {  	s0 =	rddreg [dreg:$0x0];
	s2 =	stileid.u32  }
0x361: {  	s1 =	rddreg [dreg:$0x1];
	p0 =	sne.s32 s2, $0x0  }
0x362: {  	s3 =	rddreg [dreg:$0x2];
	[bflag:$0x3] =	sbarrier.arrive $0xFFFF;
	s2 =	simm.s32 @!p0 $0x1C08  }
0x363: {  	[timem:s3], [sflag:s2] =	dma.local @!p0 [hbm:s0], s1  }
0x364: {  	s0 =	simm.s32 @!p0 $0x8  }
0x365: {  	_ =	swait.ge @!p0 [sflag:s0], s1  }
0x366: {  	s1 =	ssub.s32 @!p0 $0x0, s1;
	[sflag:s0] =	ssyncset.done @!p0 $0x0  }
0x367: {  	[sflag:s0] =	ssyncadd.s32 @!p0 s1  }
0x368: {  	[bflag:$0x3] =	sbarrier.arrive $0xFFFF  }
0x369: {  	_ =	shalt  }

</sc_bundles>
